<compile_context>
chip_gen: v7x
topology: tpu7x:2x2x1
jax: 0.10.2.dev20260603
libtpu: 0.0.44.dev20260713+nightly
codegen_flags: <defaults>
</compile_context>

<pallas_src>
import functools

import jax
import jax.numpy as jnp
from jax import lax
from jax.experimental import pallas as pl
from jax.experimental.pallas import tpu as pltpu
from jax.experimental.pallas import tpu_sc as plsc

V = 1000000
D = 64
H = 128
A = 6
B = 4096
T = 50

NC = 2
NS = 16
NW = NC * NS
ROWS_TOTAL = B * T
ROWS_PER_W = ROWS_TOTAL // NW
CHUNK = 128
NCHUNK = ROWS_PER_W // CHUNK


@functools.lru_cache(maxsize=1)
def _make_sc_gather():
    mesh = plsc.VectorSubcoreMesh(core_axis_name="c", subcore_axis_name="s")

    @functools.partial(
        pl.kernel,
        mesh=mesh,
        out_type=jax.ShapeDtypeStruct((ROWS_TOTAL, 2 * D), jnp.float32),
        scratch_types=[
            pltpu.VMEM((ROWS_PER_W,), jnp.int32),
            pltpu.VMEM((CHUNK, 2 * D), jnp.float32),
            pltpu.SemaphoreType.DMA,
        ],
    )
    def gather_k(emb_hbm, idx_hbm, out_hbm, idx_v, buf, gsem):
        wid = lax.axis_index("s") * NC + lax.axis_index("c")
        base = wid * ROWS_PER_W
        pltpu.sync_copy(idx_hbm.at[pl.ds(base, ROWS_PER_W)], idx_v)

        def chunk_body(j, carry):
            pltpu.async_copy(
                emb_hbm.at[idx_v.at[pl.ds(j * CHUNK, CHUNK)]], buf, gsem
            ).wait()
            pltpu.sync_copy(buf, out_hbm.at[pl.ds(base + j * CHUNK, CHUNK)])
            return carry

        lax.fori_loop(0, NCHUNK, chunk_body, 0)

    return gather_k


NCOL = 4096
HALF = 512000
NBLK = HALF // NCOL


def _trans_body(in0_ref, in1_ref, out_ref):
    eye = jnp.eye(D, dtype=jnp.float32)
    dn = (((0,), (0,)), ((), ()))
    out_ref[:, :D] = lax.dot_general(
        in0_ref[...], eye, dn, preferred_element_type=jnp.float32
    )
    out_ref[:, D:] = lax.dot_general(
        in1_ref[...], eye, dn, preferred_element_type=jnp.float32
    )


def _pack_table(embT):
    return pl.pallas_call(
        _trans_body,
        grid=(NBLK,),
        in_specs=[
            pl.BlockSpec((D, NCOL), lambda i: (0, i)),
            pl.BlockSpec((D, NCOL), lambda i: (0, jnp.minimum(i + NBLK, V // NCOL))),
        ],
        out_specs=pl.BlockSpec((NCOL, 2 * D), lambda i: (i, 0)),
        out_shape=jax.ShapeDtypeStruct((HALF, 2 * D), jnp.float32),
    )(embT, embT)


BB = 512


def _sigmoid(x):
    return 0.5 * jnp.tanh(0.5 * x) + 0.5


def _lstm_body(x_ref, p_ref, w_ref, b_ref, wfc_ref, bfc_ref, out_ref):
    w = w_ref[...]
    b = b_ref[...]

    h = jnp.zeros((BB, H), jnp.float32)
    c = jnp.zeros((BB, H), jnp.float32)
    for t in range(T):
        x2 = x_ref[t]
        sb = p_ref[:, t : t + 1] != 0
        xt = jnp.where(sb, x2[:, D:], x2[:, :D]).astype(jnp.bfloat16)
        xh = jnp.concatenate([xt, h.astype(jnp.bfloat16)], axis=1)
        gates = jnp.dot(xh, w, preferred_element_type=jnp.float32) + b
        i = _sigmoid(gates[:, 0:H])
        f = _sigmoid(gates[:, H : 2 * H])
        g = jnp.tanh(gates[:, 2 * H : 3 * H])
        o = _sigmoid(gates[:, 3 * H : 4 * H])
        c = f * c + i * g
        h = o * jnp.tanh(c)
    logits = jnp.dot(h, wfc_ref[...], preferred_element_type=jnp.float32) + bfc_ref[...]
    m = jnp.max(logits, axis=-1, keepdims=True)
    lse = jnp.log(jnp.sum(jnp.exp(logits - m), axis=-1, keepdims=True)) + m
    out_ref[...] = logits - lse


def _lstm_call(x, par, w_cat, bias, wfc_pad, bfc_pad):
    return pl.pallas_call(
        _lstm_body,
        grid=(B // BB,),
        in_specs=[
            pl.BlockSpec((T, BB, 2 * D), lambda i: (0, i, 0)),
            pl.BlockSpec((BB, T), lambda i: (i, 0)),
            pl.BlockSpec((D + H, 4 * H), lambda i: (0, 0)),
            pl.BlockSpec((1, 4 * H), lambda i: (0, 0)),
            pl.BlockSpec((H, 128), lambda i: (0, 0)),
            pl.BlockSpec((1, 128), lambda i: (0, 0)),
        ],
        out_specs=pl.BlockSpec((BB, 128), lambda i: (i, 0)),
        out_shape=jax.ShapeDtypeStruct((B, 128), jnp.float32),
    )(x, par, w_cat, bias, wfc_pad, bfc_pad)


def kernel(dct_in, emb, W_ih, W_hh, b_ih, b_hh, W_fc, b_fc):
    dct_t = jnp.swapaxes(dct_in, 0, 1).astype(jnp.int32)
    hi = dct_t >= HALF
    idx = jnp.where(hi, dct_t - HALF, dct_t).reshape(ROWS_TOTAL)
    parity = (dct_in >= HALF).astype(jnp.int32)

    emb_w = _pack_table(jnp.swapaxes(emb, 0, 1))
    x2_flat = _make_sc_gather()(emb_w, idx)
    x2 = x2_flat.reshape(T, B, 2 * D)

    w_cat = jnp.concatenate([W_ih.T, W_hh.T], axis=0).astype(jnp.bfloat16)
    bias = (b_ih + b_hh).reshape(1, 4 * H)
    wfc_pad = jnp.zeros((H, 128), jnp.float32).at[:, :A].set(W_fc.T)
    bfc_pad = jnp.full((1, 128), -1e30, jnp.float32).at[0, :A].set(b_fc)

    out = _lstm_call(x2, parity, w_cat, bias, wfc_pad, bfc_pad)
    return out[:, :A]

# --- scband reference (transcript-rebuilt; emitter-appended) ---
"""Pipeline reference for scband-dctclassifier-17806934409441 (READ-ONLY COPY).

The authoritative reference and input builder live on the scoring server;
editing this copy changes nothing except your own understanding.
"""

import jax, jax.numpy as jnp
import numpy as np

V = 1000000
D = 64
H = 128
A = 6
B = 4096
T = 50


def setup_inputs(seed: int = 0) -> dict:
    key = jax.random.key(seed)
    ks = jax.random.split(key, 6)
    dct_in = jax.random.randint(ks[0], (B, T), 0, V, dtype=jnp.int64 if jax.config.jax_enable_x64 else jnp.int32)
    emb = jax.random.normal(ks[1], (V, D), dtype=jnp.float32) * 0.02
    W_ih = jax.random.normal(ks[2], (4 * H, D), dtype=jnp.float32) * 0.05
    W_hh = jax.random.normal(ks[3], (4 * H, H), dtype=jnp.float32) * 0.05
    b_ih = jnp.zeros((4 * H,), dtype=jnp.float32)
    b_hh = jnp.zeros((4 * H,), dtype=jnp.float32)
    W_fc = jax.random.normal(ks[4], (A, H), dtype=jnp.float32) * 0.05
    b_fc = jnp.zeros((A,), dtype=jnp.float32)
    return {"dct_in": dct_in, "emb": emb, "W_ih": W_ih, "W_hh": W_hh, "b_ih": b_ih, "b_hh": b_hh, "W_fc": W_fc, "b_fc": b_fc}


def reference(dct_in, emb, W_ih, W_hh, b_ih, b_hh, W_fc, b_fc):
    # word_embeddings lookup (SparseCore gather)
    x = jnp.take(emb, dct_in, axis=0)  # [B, T, D]
    bsz = dct_in.shape[0]

    def step(carry, xt):
        h, c = carry
        gates = xt @ W_ih.T + h @ W_hh.T + b_ih + b_hh
        i, f, g, o = jnp.split(gates, 4, axis=-1)
        i = jax.nn.sigmoid(i)
        f = jax.nn.sigmoid(f)
        g = jnp.tanh(g)
        o = jax.nn.sigmoid(o)
        c = f * c + i * g
        h = o * jnp.tanh(c)
        return (h, c), None

    h0 = jnp.zeros((bsz, H), dtype=x.dtype)
    c0 = jnp.zeros((bsz, H), dtype=x.dtype)
    xs = jnp.swapaxes(x, 0, 1)  # [T, B, D]
    (h_final, c_final), _ = jax.lax.scan(step, (h0, c0), xs)
    logits = h_final @ W_fc.T + b_fc  # [B, A]
    return jax.nn.log_softmax(logits, axis=-1)

if __name__ == "__main__":
    import jax
    _d = setup_inputs()
    print(jax.jit(kernel)(*tuple(_d.values())))

</pallas_src>

<mosaic_0001>
#map = affine_map<(d0, d1) -> (0, 0)>
#map1 = affine_map<(d0, d1) -> (0)>
module attributes {stable_mosaic.version = 14 : i64} {
  func.func @gather_k(%arg0: i32, %arg1: i32, %arg2: memref<512000x128xf32, #tpu.memory_space<hbm>>, %arg3: memref<204800xi32, #tpu.memory_space<hbm>>, %arg4: memref<204800x128xf32, #tpu.memory_space<hbm>>, %arg5: memref<6400xi32, #tpu.memory_space<vmem>>, %arg6: memref<128x128xf32, #tpu.memory_space<vmem>>, %arg7: memref<!tpu.dma_semaphore, #tpu.memory_space<semaphore_mem>>) attributes {dimension_semantics = [#tpu.dimension_semantics<core_parallel>, #tpu.dimension_semantics<subcore_parallel>], iteration_bounds = array<i64: 2, 16>, scalar_prefetch = 0 : i64, scratch_operands = 3 : i64, tpu.core_type = #tpu.core_type<sc_vector_subcore>, window_params = [{transform_indices = #map}, {transform_indices = #map1}, {transform_indices = #map}]} {
    %mul3A = arith.constant 2 : i32
    %mul3A_0 = arith.muli %arg1, %mul3A : i32
    %add3A = arith.addi %mul3A_0, %arg0 : i32
    %mul3A_1 = arith.constant 6400 : i32
    %mul3A_2 = arith.muli %add3A, %mul3A_1 : i32
    "tpu.region"() ({
      %run_scoped3A = tpu.sem_alloc : memref<!tpu.dma_semaphore, #tpu.memory_space<semaphore_mem>>
      %dma_start3A = tpu.memref_slice %arg3[%mul3A_2] : memref<204800xi32, #tpu.memory_space<hbm>> -> memref<6400xi32, #tpu.memory_space<hbm>>
      %dma_start3A_8 = tpu.memref_slice %arg3[%mul3A_2] : memref<204800xi32, #tpu.memory_space<hbm>> -> memref<6400xi32, #tpu.memory_space<hbm>>
      tpu.enqueue_dma source(%dma_start3A_8 : memref<6400xi32, #tpu.memory_space<hbm>>) target(%arg5 : memref<6400xi32, #tpu.memory_space<vmem>>) target_semaphore(%run_scoped3A : memref<!tpu.dma_semaphore, #tpu.memory_space<semaphore_mem>>)
      %dma_wait3A = tpu.memref_slice %arg3[%mul3A_2] : memref<204800xi32, #tpu.memory_space<hbm>> -> memref<6400xi32, #tpu.memory_space<hbm>>
      %dma_wait3A_9 = tpu.memref_slice %arg3[%mul3A_2] : memref<204800xi32, #tpu.memory_space<hbm>> -> memref<6400xi32, #tpu.memory_space<hbm>>
      tpu.wait_dma2 semaphore(%run_scoped3A : memref<!tpu.dma_semaphore, #tpu.memory_space<semaphore_mem>>) src(%dma_wait3A_9 : memref<6400xi32, #tpu.memory_space<hbm>>) dst(%arg5 : memref<6400xi32, #tpu.memory_space<vmem>>)
      tpu.yield
    }) : () -> ()
    %scan3A = arith.constant 0 : i32
    %scan3A_3 = arith.constant 0 : i32
    %scan3A_4 = arith.constant 50 : i32
    %scan3A_5 = arith.addi %scan3A_3, %scan3A_4 : i32
    %scan3A_6 = arith.constant 1 : i32
    scf.for %scan3A_8 = %scan3A_3 to %scan3A_5 step %scan3A_6  : i32 {
      %mul3A_9 = arith.constant 128 : i32
      %mul3A_10 = arith.muli %scan3A_8, %mul3A_9 : i32
      %dma_start3A = tpu.memref_slice %arg5[%mul3A_10] : memref<6400xi32, #tpu.memory_space<vmem>> -> memref<128xi32, #tpu.memory_space<vmem>>
      %dma_start3A_11 = arith.constant 0 : i32
      %dma_start3A_12 = arith.constant 0 : i32
      %dma_start3A_13 = tpu.memref_slice %arg2[%dma_start3A_11, %dma_start3A_12] : memref<512000x128xf32, #tpu.memory_space<hbm>> -> memref<512000x128xf32, #tpu.memory_space<hbm>>
      tpu.enqueue_indirect_dma source(%dma_start3A_13 : memref<512000x128xf32, #tpu.memory_space<hbm>>) target(%arg6 : memref<128x128xf32, #tpu.memory_space<vmem>>) offsets(%dma_start3A : memref<128xi32, #tpu.memory_space<vmem>>) semaphore(%arg7 : memref<!tpu.dma_semaphore, #tpu.memory_space<semaphore_mem>>)
      %dma_wait3A = tpu.memref_slice %arg5[%mul3A_10] : memref<6400xi32, #tpu.memory_space<vmem>> -> memref<128xi32, #tpu.memory_space<vmem>>
      %dma_wait3A_14 = arith.constant 0 : i32
      %dma_wait3A_15 = arith.constant 0 : i32
      %dma_wait3A_16 = tpu.memref_slice %arg2[%dma_wait3A_14, %dma_wait3A_15] : memref<512000x128xf32, #tpu.memory_space<hbm>> -> memref<512000x128xf32, #tpu.memory_space<hbm>>
      tpu.wait_indirect_dma semaphore(%arg7 : memref<!tpu.dma_semaphore, #tpu.memory_space<semaphore_mem>>) src(%dma_wait3A_16 : memref<512000x128xf32, #tpu.memory_space<hbm>>) dst(%arg6 : memref<128x128xf32, #tpu.memory_space<vmem>>)
      %mul3A_17 = arith.constant 128 : i32
      %mul3A_18 = arith.muli %scan3A_8, %mul3A_17 : i32
      %add3A_19 = arith.addi %mul3A_2, %mul3A_18 : i32
      "tpu.region"() ({
        %run_scoped3A = tpu.sem_alloc : memref<!tpu.dma_semaphore, #tpu.memory_space<semaphore_mem>>
        %dma_start3A_20 = arith.constant 0 : i32
        %dma_start3A_21 = tpu.memref_slice %arg4[%add3A_19, %dma_start3A_20] : memref<204800x128xf32, #tpu.memory_space<hbm>> -> memref<128x128xf32, #tpu.memory_space<hbm>>
        %dma_start3A_22 = arith.constant 0 : i32
        %dma_start3A_23 = tpu.memref_slice %arg4[%add3A_19, %dma_start3A_22] : memref<204800x128xf32, #tpu.memory_space<hbm>> -> memref<128x128xf32, #tpu.memory_space<hbm>>
        tpu.enqueue_dma source(%arg6 : memref<128x128xf32, #tpu.memory_space<vmem>>) target(%dma_start3A_23 : memref<128x128xf32, #tpu.memory_space<hbm>>) target_semaphore(%run_scoped3A : memref<!tpu.dma_semaphore, #tpu.memory_space<semaphore_mem>>)
        %dma_wait3A_24 = arith.constant 0 : i32
        %dma_wait3A_25 = tpu.memref_slice %arg4[%add3A_19, %dma_wait3A_24] : memref<204800x128xf32, #tpu.memory_space<hbm>> -> memref<128x128xf32, #tpu.memory_space<hbm>>
        %dma_wait3A_26 = arith.constant 0 : i32
        %dma_wait3A_27 = tpu.memref_slice %arg4[%add3A_19, %dma_wait3A_26] : memref<204800x128xf32, #tpu.memory_space<hbm>> -> memref<128x128xf32, #tpu.memory_space<hbm>>
        tpu.wait_dma2 semaphore(%run_scoped3A : memref<!tpu.dma_semaphore, #tpu.memory_space<semaphore_mem>>) src(%arg6 : memref<128x128xf32, #tpu.memory_space<vmem>>) dst(%dma_wait3A_27 : memref<128x128xf32, #tpu.memory_space<hbm>>)
        tpu.yield
      }) : () -> ()
    }
    %scan3A_7 = arith.constant 50 : i32
    return
  }
}

module attributes {stable_mosaic.version = 14 : i64} {
  func.func @_trans_body(%arg0: i32, %arg1: memref<64x4096xf32, #tpu.memory_space<vmem>>, %arg2: memref<64x4096xf32, #tpu.memory_space<vmem>>, %arg3: memref<4096x128xf32, #tpu.memory_space<vmem>>) attributes {dimension_semantics = [#tpu.dimension_semantics<arbitrary>], iteration_bounds = array<i64: 125>, scalar_prefetch = 0 : i64, scratch_operands = 0 : i64, tpu.core_type = #tpu.core_type<tc>, window_params = [{transform_indices = @transform_0, window_bounds = array<i64: 64, 4096>}, {transform_indices = @transform_1, window_bounds = array<i64: 64, 4096>}, {transform_indices = @transform_2, window_bounds = array<i64: 4096, 128>}]} {
    %iota3A = tpu.iota {dimensions = array<i32: 0>} : vector<64x64xi32>
    %iota3A_0 = tpu.iota {dimensions = array<i32: 1>} : vector<64x64xi32>
    %add3A = arith.constant 0 : i32
    %add3A_1 = vector.broadcast %add3A : i32 to vector<64x64xi32>
    %add3A_2 = arith.addi %iota3A, %add3A_1 : vector<64x64xi32>
    %eq3A = arith.cmpi eq, %add3A_2, %iota3A_0 : vector<64x64xi32>
    %convert_element_type3A = arith.extui %eq3A : vector<64x64xi1> to vector<64x64xi32>
    %convert_element_type3A_3 = arith.sitofp %convert_element_type3A : vector<64x64xi32> to vector<64x64xf32>
    %get3A = arith.constant 0 : index
    %get3A_4 = arith.constant 0 : index
    %get3A_5 = vector.load %arg1[%get3A, %get3A_4] : memref<64x4096xf32, #tpu.memory_space<vmem>>, vector<64x4096xf32>
    %dot_general3A = arith.constant dense<0.000000e+00> : vector<4096x64xf32>
    %dot_general3A_6 = tpu.matmul %get3A_5, %convert_element_type3A_3, %dot_general3A {dimension_numbers = #tpu.dot_dimension_numbers<[0], [0], [1], [1], [0, 1, 1, 1], [], []>, transpose_lhs_hint = false} : vector<64x4096xf32>, vector<64x64xf32>, vector<4096x64xf32> -> vector<4096x64xf32>
    %swap3A = arith.constant 0 : index
    %swap3A_7 = arith.constant 0 : index
    %swap3A_8 = vector.load %arg3[%swap3A, %swap3A_7] : memref<4096x128xf32, #tpu.memory_space<vmem>>, vector<4096x64xf32>
    tpu.vector_store %arg3[%swap3A, %swap3A_7], %dot_general3A_6 {strides = array<i32>} : memref<4096x128xf32, #tpu.memory_space<vmem>>, vector<4096x64xf32>,
    %get3A_9 = arith.constant 0 : index
    %get3A_10 = arith.constant 0 : index
    %get3A_11 = vector.load %arg2[%get3A_9, %get3A_10] : memref<64x4096xf32, #tpu.memory_space<vmem>>, vector<64x4096xf32>
    %dot_general3A_12 = arith.constant dense<0.000000e+00> : vector<4096x64xf32>
    %dot_general3A_13 = tpu.matmul %get3A_11, %convert_element_type3A_3, %dot_general3A_12 {dimension_numbers = #tpu.dot_dimension_numbers<[0], [0], [1], [1], [0, 1, 1, 1], [], []>, transpose_lhs_hint = false} : vector<64x4096xf32>, vector<64x64xf32>, vector<4096x64xf32> -> vector<4096x64xf32>
    %swap3A_14 = arith.constant 0 : index
    %swap3A_15 = arith.constant 64 : index
    %swap3A_16 = vector.load %arg3[%swap3A_14, %swap3A_15] : memref<4096x128xf32, #tpu.memory_space<vmem>>, vector<4096x64xf32>
    tpu.vector_store %arg3[%swap3A_14, %swap3A_15], %dot_general3A_13 {strides = array<i32>} : memref<4096x128xf32, #tpu.memory_space<vmem>>, vector<4096x64xf32>,
    return
  }
  func.func @transform_0(%arg0: i32) -> (i32, i32) {
    %c0_i32 = arith.constant 0 : i32
    %c0_i32_0 = arith.constant 0 : i32
    return %c0_i32, %arg0 : i32, i32
  }
  func.func @transform_1(%arg0: i32) -> (i32, i32) {
    %add3A = arith.constant 125 : i32
    %add3A_0 = arith.addi %arg0, %add3A : i32
    %min3A = arith.constant 244 : i32
    %min3A_1 = arith.minsi %add3A_0, %min3A : i32
    %c0_i32 = arith.constant 0 : i32
    %c0_i32_2 = arith.constant 0 : i32
    return %c0_i32, %min3A_1 : i32, i32
  }
  func.func @transform_2(%arg0: i32) -> (i32, i32) {
    %c0_i32 = arith.constant 0 : i32
    %c0_i32_0 = arith.constant 0 : i32
    return %arg0, %c0_i32 : i32, i32
  }
}

module attributes {stable_mosaic.version = 14 : i64} {
  func.func @_lstm_body(%arg0: i32, %arg1: memref<50x512x128xf32, #tpu.memory_space<vmem>>, %arg2: memref<512x50xi32, #tpu.memory_space<vmem>>, %arg3: memref<192x512xbf16, #tpu.memory_space<vmem>>, %arg4: memref<1x512xf32, #tpu.memory_space<vmem>>, %arg5: memref<128x128xf32, #tpu.memory_space<vmem>>, %arg6: memref<1x128xf32, #tpu.memory_space<vmem>>, %arg7: memref<512x128xf32, #tpu.memory_space<vmem>>) attributes {dimension_semantics = [#tpu.dimension_semantics<arbitrary>], iteration_bounds = array<i64: 8>, scalar_prefetch = 0 : i64, scratch_operands = 0 : i64, tpu.core_type = #tpu.core_type<tc>, window_params = [{transform_indices = @transform_0, window_bounds = array<i64: 50, 512, 128>}, {transform_indices = @transform_1, window_bounds = array<i64: 512, 50>}, {pipeline_mode = #tpu.pipeline_mode<synchronous>, transform_indices = @transform_2, window_bounds = array<i64: 192, 512>}, {pipeline_mode = #tpu.pipeline_mode<synchronous>, transform_indices = @transform_3, window_bounds = array<i64: 1, 512>}, {pipeline_mode = #tpu.pipeline_mode<synchronous>, transform_indices = @transform_4, window_bounds = array<i64: 128, 128>}, {pipeline_mode = #tpu.pipeline_mode<synchronous>, transform_indices = @transform_5, window_bounds = array<i64: 1, 128>}, {transform_indices = @transform_6, window_bounds = array<i64: 512, 128>}]} {
    %get3A = arith.constant 0 : index
    %get3A_0 = arith.constant 0 : index
    %get3A_1 = vector.load %arg3[%get3A, %get3A_0] : memref<192x512xbf16, #tpu.memory_space<vmem>>, vector<192x512xbf16>
    %get3A_2 = arith.constant 0 : index
    %get3A_3 = arith.constant 0 : index
    %get3A_4 = vector.load %arg4[%get3A_2, %get3A_3] : memref<1x512xf32, #tpu.memory_space<vmem>>, vector<1x512xf32>
    %broadcast_in_dim3A = arith.constant 0.000000e+00 : f32
    %broadcast_in_dim3A_5 = vector.broadcast %broadcast_in_dim3A : f32 to vector<512x128xf32>
    %broadcast_in_dim3A_6 = arith.constant 0.000000e+00 : f32
    %broadcast_in_dim3A_7 = vector.broadcast %broadcast_in_dim3A_6 : f32 to vector<512x128xf32>
    %get3A_8 = arith.constant 0 : index
    %get3A_9 = arith.constant 0 : index
    %get3A_10 = arith.constant 0 : index
    %get3A_11 = vector.load %arg1[%get3A_8, %get3A_9, %get3A_10] : memref<50x512x128xf32, #tpu.memory_space<vmem>>, vector<1x512x128xf32>
    %get3A_12 = vector.shape_cast %get3A_11 : vector<1x512x128xf32> to vector<512x128xf32>
    %get3A_13 = arith.constant 0 : index
    %get3A_14 = arith.constant 0 : index
    %get3A_15 = vector.load %arg2[%get3A_13, %get3A_14] : memref<512x50xi32, #tpu.memory_space<vmem>>, vector<512x1xi32>
    %ne3A = arith.constant 0 : i32
    %ne3A_16 = vector.broadcast %ne3A : i32 to vector<512x1xi32>
    %ne3A_17 = arith.cmpi ne, %get3A_15, %ne3A_16 : vector<512x1xi32>
    %slice3A = vector.extract_strided_slice %get3A_12 {offsets = [0, 64], sizes = [512, 64], strides = [1, 1]} : vector<512x128xf32> to vector<512x64xf32>
    %slice3A_18 = vector.extract_strided_slice %get3A_12 {offsets = [0, 0], sizes = [512, 64], strides = [1, 1]} : vector<512x128xf32> to vector<512x64xf32>
    %broadcast_in_dim3A_19 = vector.shape_cast %ne3A_17 : vector<512x1xi1> to vector<512x1xi1>
    %broadcast_in_dim3A_20 = vector.broadcast %broadcast_in_dim3A_19 : vector<512x1xi1> to vector<512x64xi1>
    %select_n3A = arith.select %broadcast_in_dim3A_20, %slice3A, %slice3A_18 : vector<512x64xi1>, vector<512x64xf32>
    %convert_element_type3A = arith.truncf %select_n3A : vector<512x64xf32> to vector<512x64xbf16>
    %convert_element_type3A_21 = arith.truncf %broadcast_in_dim3A_5 : vector<512x128xf32> to vector<512x128xbf16>
    %concatenate3A = tpu.concatenate %convert_element_type3A, %convert_element_type3A_21 in 1 : vector<512x64xbf16>, vector<512x128xbf16> -> vector<512x192xbf16>
    %dot_general3A = arith.constant dense<0.000000e+00> : vector<512x512xf32>
    %dot_general3A_22 = tpu.matmul %concatenate3A, %get3A_1, %dot_general3A {dimension_numbers = #tpu.dot_dimension_numbers<[1], [0], [0], [1], [0, 0, 1, 1], [], []>, transpose_lhs_hint = false} : vector<512x192xbf16>, vector<192x512xbf16>, vector<512x512xf32> -> vector<512x512xf32>
    %add3A = vector.broadcast %get3A_4 : vector<1x512xf32> to vector<512x512xf32>
    %add3A_23 = arith.addf %dot_general3A_22, %add3A : vector<512x512xf32>
    %slice3A_24 = vector.extract_strided_slice %add3A_23 {offsets = [0, 0], sizes = [512, 128], strides = [1, 1]} : vector<512x512xf32> to vector<512x128xf32>
    %mul3A = arith.constant 5.000000e-01 : f32
    %mul3A_25 = vector.broadcast %mul3A : f32 to vector<512x128xf32>
    %mul3A_26 = arith.mulf %mul3A_25, %slice3A_24 : vector<512x128xf32>
    %tanh3A = math.tanh %mul3A_26 : vector<512x128xf32>
    %mul3A_27 = arith.constant 5.000000e-01 : f32
    %mul3A_28 = vector.broadcast %mul3A_27 : f32 to vector<512x128xf32>
    %mul3A_29 = arith.mulf %mul3A_28, %tanh3A : vector<512x128xf32>
    %add3A_30 = arith.constant 5.000000e-01 : f32
    %add3A_31 = vector.broadcast %add3A_30 : f32 to vector<512x128xf32>
    %add3A_32 = arith.addf %mul3A_29, %add3A_31 : vector<512x128xf32>
    %slice3A_33 = vector.extract_strided_slice %add3A_23 {offsets = [0, 128], sizes = [512, 128], strides = [1, 1]} : vector<512x512xf32> to vector<512x128xf32>
    %mul3A_34 = arith.constant 5.000000e-01 : f32
    %mul3A_35 = vector.broadcast %mul3A_34 : f32 to vector<512x128xf32>
    %mul3A_36 = arith.mulf %mul3A_35, %slice3A_33 : vector<512x128xf32>
    %tanh3A_37 = math.tanh %mul3A_36 : vector<512x128xf32>
    %mul3A_38 = arith.constant 5.000000e-01 : f32
    %mul3A_39 = vector.broadcast %mul3A_38 : f32 to vector<512x128xf32>
    %mul3A_40 = arith.mulf %mul3A_39, %tanh3A_37 : vector<512x128xf32>
    %add3A_41 = arith.constant 5.000000e-01 : f32
    %add3A_42 = vector.broadcast %add3A_41 : f32 to vector<512x128xf32>
    %add3A_43 = arith.addf %mul3A_40, %add3A_42 : vector<512x128xf32>
    %slice3A_44 = vector.extract_strided_slice %add3A_23 {offsets = [0, 256], sizes = [512, 128], strides = [1, 1]} : vector<512x512xf32> to vector<512x128xf32>
    %tanh3A_45 = math.tanh %slice3A_44 : vector<512x128xf32>
    %slice3A_46 = vector.extract_strided_slice %add3A_23 {offsets = [0, 384], sizes = [512, 128], strides = [1, 1]} : vector<512x512xf32> to vector<512x128xf32>
    %mul3A_47 = arith.constant 5.000000e-01 : f32
    %mul3A_48 = vector.broadcast %mul3A_47 : f32 to vector<512x128xf32>
    %mul3A_49 = arith.mulf %mul3A_48, %slice3A_46 : vector<512x128xf32>
    %tanh3A_50 = math.tanh %mul3A_49 : vector<512x128xf32>
    %mul3A_51 = arith.constant 5.000000e-01 : f32
    %mul3A_52 = vector.broadcast %mul3A_51 : f32 to vector<512x128xf32>
    %mul3A_53 = arith.mulf %mul3A_52, %tanh3A_50 : vector<512x128xf32>
    %add3A_54 = arith.constant 5.000000e-01 : f32
    %add3A_55 = vector.broadcast %add3A_54 : f32 to vector<512x128xf32>
    %add3A_56 = arith.addf %mul3A_53, %add3A_55 : vector<512x128xf32>
    %mul3A_57 = arith.mulf %add3A_43, %broadcast_in_dim3A_7 : vector<512x128xf32>
    %mul3A_58 = arith.mulf %add3A_32, %tanh3A_45 : vector<512x128xf32>
    %add3A_59 = arith.addf %mul3A_57, %mul3A_58 : vector<512x128xf32>
    %tanh3A_60 = math.tanh %add3A_59 : vector<512x128xf32>
    %mul3A_61 = arith.mulf %add3A_56, %tanh3A_60 : vector<512x128xf32>
    %get3A_62 = arith.constant 1 : index
    %get3A_63 = arith.constant 0 : index
    %get3A_64 = arith.constant 0 : index
    %get3A_65 = vector.load %arg1[%get3A_62, %get3A_63, %get3A_64] : memref<50x512x128xf32, #tpu.memory_space<vmem>>, vector<1x512x128xf32>
    %get3A_66 = vector.shape_cast %get3A_65 : vector<1x512x128xf32> to vector<512x128xf32>
    %get3A_67 = arith.constant 0 : index
    %get3A_68 = arith.constant 1 : index
    %get3A_69 = vector.load %arg2[%get3A_67, %get3A_68] : memref<512x50xi32, #tpu.memory_space<vmem>>, vector<512x1xi32>
    %ne3A_70 = arith.constant 0 : i32
    %ne3A_71 = vector.broadcast %ne3A_70 : i32 to vector<512x1xi32>
    %ne3A_72 = arith.cmpi ne, %get3A_69, %ne3A_71 : vector<512x1xi32>
    %slice3A_73 = vector.extract_strided_slice %get3A_66 {offsets = [0, 64], sizes = [512, 64], strides = [1, 1]} : vector<512x128xf32> to vector<512x64xf32>
    %slice3A_74 = vector.extract_strided_slice %get3A_66 {offsets = [0, 0], sizes = [512, 64], strides = [1, 1]} : vector<512x128xf32> to vector<512x64xf32>
    %broadcast_in_dim3A_75 = vector.shape_cast %ne3A_72 : vector<512x1xi1> to vector<512x1xi1>
    %broadcast_in_dim3A_76 = vector.broadcast %broadcast_in_dim3A_75 : vector<512x1xi1> to vector<512x64xi1>
    %select_n3A_77 = arith.select %broadcast_in_dim3A_76, %slice3A_73, %slice3A_74 : vector<512x64xi1>, vector<512x64xf32>
    %convert_element_type3A_78 = arith.truncf %select_n3A_77 : vector<512x64xf32> to vector<512x64xbf16>
    %convert_element_type3A_79 = arith.truncf %mul3A_61 : vector<512x128xf32> to vector<512x128xbf16>
    %concatenate3A_80 = tpu.concatenate %convert_element_type3A_78, %convert_element_type3A_79 in 1 : vector<512x64xbf16>, vector<512x128xbf16> -> vector<512x192xbf16>
    %dot_general3A_81 = arith.constant dense<0.000000e+00> : vector<512x512xf32>
    %dot_general3A_82 = tpu.matmul %concatenate3A_80, %get3A_1, %dot_general3A_81 {dimension_numbers = #tpu.dot_dimension_numbers<[1], [0], [0], [1], [0, 0, 1, 1], [], []>, transpose_lhs_hint = false} : vector<512x192xbf16>, vector<192x512xbf16>, vector<512x512xf32> -> vector<512x512xf32>
    %add3A_83 = vector.broadcast %get3A_4 : vector<1x512xf32> to vector<512x512xf32>
    %add3A_84 = arith.addf %dot_general3A_82, %add3A_83 : vector<512x512xf32>
    %slice3A_85 = vector.extract_strided_slice %add3A_84 {offsets = [0, 0], sizes = [512, 128], strides = [1, 1]} : vector<512x512xf32> to vector<512x128xf32>
    %mul3A_86 = arith.constant 5.000000e-01 : f32
    %mul3A_87 = vector.broadcast %mul3A_86 : f32 to vector<512x128xf32>
    %mul3A_88 = arith.mulf %mul3A_87, %slice3A_85 : vector<512x128xf32>
    %tanh3A_89 = math.tanh %mul3A_88 : vector<512x128xf32>
    %mul3A_90 = arith.constant 5.000000e-01 : f32
    %mul3A_91 = vector.broadcast %mul3A_90 : f32 to vector<512x128xf32>
    %mul3A_92 = arith.mulf %mul3A_91, %tanh3A_89 : vector<512x128xf32>
    %add3A_93 = arith.constant 5.000000e-01 : f32
    %add3A_94 = vector.broadcast %add3A_93 : f32 to vector<512x128xf32>
    %add3A_95 = arith.addf %mul3A_92, %add3A_94 : vector<512x128xf32>
    %slice3A_96 = vector.extract_strided_slice %add3A_84 {offsets = [0, 128], sizes = [512, 128], strides = [1, 1]} : vector<512x512xf32> to vector<512x128xf32>
    %mul3A_97 = arith.constant 5.000000e-01 : f32
    %mul3A_98 = vector.broadcast %mul3A_97 : f32 to vector<512x128xf32>
    %mul3A_99 = arith.mulf %mul3A_98, %slice3A_96 : vector<512x128xf32>
    %tanh3A_100 = math.tanh %mul3A_99 : vector<512x128xf32>
    %mul3A_101 = arith.constant 5.000000e-01 : f32
    %mul3A_102 = vector.broadcast %mul3A_101 : f32 to vector<512x128xf32>
    %mul3A_103 = arith.mulf %mul3A_102, %tanh3A_100 : vector<512x128xf32>
    %add3A_104 = arith.constant 5.000000e-01 : f32
    %add3A_105 = vector.broadcast %add3A_104 : f32 to vector<512x128xf32>
    %add3A_106 = arith.addf %mul3A_103, %add3A_105 : vector<512x128xf32>
    %slice3A_107 = vector.extract_strided_slice %add3A_84 {offsets = [0, 256], sizes = [512, 128], strides = [1, 1]} : vector<512x512xf32> to vector<512x128xf32>
    %tanh3A_108 = math.tanh %slice3A_107 : vector<512x128xf32>
    %slice3A_109 = vector.extract_strided_slice %add3A_84 {offsets = [0, 384], sizes = [512, 128], strides = [1, 1]} : vector<512x512xf32> to vector<512x128xf32>
    %mul3A_110 = arith.constant 5.000000e-01 : f32
    %mul3A_111 = vector.broadcast %mul3A_110 : f32 to vector<512x128xf32>
    %mul3A_112 = arith.mulf %mul3A_111, %slice3A_109 : vector<512x128xf32>
    %tanh3A_113 = math.tanh %mul3A_112 : vector<512x128xf32>
    %mul3A_114 = arith.constant 5.000000e-01 : f32
    %mul3A_115 = vector.broadcast %mul3A_114 : f32 to vector<512x128xf32>
    %mul3A_116 = arith.mulf %mul3A_115, %tanh3A_113 : vector<512x128xf32>
    %add3A_117 = arith.constant 5.000000e-01 : f32
    %add3A_118 = vector.broadcast %add3A_117 : f32 to vector<512x128xf32>
    %add3A_119 = arith.addf %mul3A_116, %add3A_118 : vector<512x128xf32>
    %mul3A_120 = arith.mulf %add3A_106, %add3A_59 : vector<512x128xf32>
    %mul3A_121 = arith.mulf %add3A_95, %tanh3A_108 : vector<512x128xf32>
    %add3A_122 = arith.addf %mul3A_120, %mul3A_121 : vector<512x128xf32>
    %tanh3A_123 = math.tanh %add3A_122 : vector<512x128xf32>
    %mul3A_124 = arith.mulf %add3A_119, %tanh3A_123 : vector<512x128xf32>
    %get3A_125 = arith.constant 2 : index
    %get3A_126 = arith.constant 0 : index
    %get3A_127 = arith.constant 0 : index
    %get3A_128 = vector.load %arg1[%get3A_125, %get3A_126, %get3A_127] : memref<50x512x128xf32, #tpu.memory_space<vmem>>, vector<1x512x128xf32>
    %get3A_129 = vector.shape_cast %get3A_128 : vector<1x512x128xf32> to vector<512x128xf32>
    %get3A_130 = arith.constant 0 : index
    %get3A_131 = arith.constant 2 : index
    %get3A_132 = vector.load %arg2[%get3A_130, %get3A_131] : memref<512x50xi32, #tpu.memory_space<vmem>>, vector<512x1xi32>
    %ne3A_133 = arith.constant 0 : i32
    %ne3A_134 = vector.broadcast %ne3A_133 : i32 to vector<512x1xi32>
    %ne3A_135 = arith.cmpi ne, %get3A_132, %ne3A_134 : vector<512x1xi32>
    %slice3A_136 = vector.extract_strided_slice %get3A_129 {offsets = [0, 64], sizes = [512, 64], strides = [1, 1]} : vector<512x128xf32> to vector<512x64xf32>
    %slice3A_137 = vector.extract_strided_slice %get3A_129 {offsets = [0, 0], sizes = [512, 64], strides = [1, 1]} : vector<512x128xf32> to vector<512x64xf32>
    %broadcast_in_dim3A_138 = vector.shape_cast %ne3A_135 : vector<512x1xi1> to vector<512x1xi1>
    %broadcast_in_dim3A_139 = vector.broadcast %broadcast_in_dim3A_138 : vector<512x1xi1> to vector<512x64xi1>
    %select_n3A_140 = arith.select %broadcast_in_dim3A_139, %slice3A_136, %slice3A_137 : vector<512x64xi1>, vector<512x64xf32>
    %convert_element_type3A_141 = arith.truncf %select_n3A_140 : vector<512x64xf32> to vector<512x64xbf16>
    %convert_element_type3A_142 = arith.truncf %mul3A_124 : vector<512x128xf32> to vector<512x128xbf16>
    %concatenate3A_143 = tpu.concatenate %convert_element_type3A_141, %convert_element_type3A_142 in 1 : vector<512x64xbf16>, vector<512x128xbf16> -> vector<512x192xbf16>
    %dot_general3A_144 = arith.constant dense<0.000000e+00> : vector<512x512xf32>
    %dot_general3A_145 = tpu.matmul %concatenate3A_143, %get3A_1, %dot_general3A_144 {dimension_numbers = #tpu.dot_dimension_numbers<[1], [0], [0], [1], [0, 0, 1, 1], [], []>, transpose_lhs_hint = false} : vector<512x192xbf16>, vector<192x512xbf16>, vector<512x512xf32> -> vector<512x512xf32>
    %add3A_146 = vector.broadcast %get3A_4 : vector<1x512xf32> to vector<512x512xf32>
    %add3A_147 = arith.addf %dot_general3A_145, %add3A_146 : vector<512x512xf32>
    %slice3A_148 = vector.extract_strided_slice %add3A_147 {offsets = [0, 0], sizes = [512, 128], strides = [1, 1]} : vector<512x512xf32> to vector<512x128xf32>
    %mul3A_149 = arith.constant 5.000000e-01 : f32
    %mul3A_150 = vector.broadcast %mul3A_149 : f32 to vector<512x128xf32>
    %mul3A_151 = arith.mulf %mul3A_150, %slice3A_148 : vector<512x128xf32>
    %tanh3A_152 = math.tanh %mul3A_151 : vector<512x128xf32>
    %mul3A_153 = arith.constant 5.000000e-01 : f32
    %mul3A_154 = vector.broadcast %mul3A_153 : f32 to vector<512x128xf32>
    %mul3A_155 = arith.mulf %mul3A_154, %tanh3A_152 : vector<512x128xf32>
    %add3A_156 = arith.constant 5.000000e-01 : f32
    %add3A_157 = vector.broadcast %add3A_156 : f32 to vector<512x128xf32>
    %add3A_158 = arith.addf %mul3A_155, %add3A_157 : vector<512x128xf32>
    %slice3A_159 = vector.extract_strided_slice %add3A_147 {offsets = [0, 128], sizes = [512, 128], strides = [1, 1]} : vector<512x512xf32> to vector<512x128xf32>
    %mul3A_160 = arith.constant 5.000000e-01 : f32
    %mul3A_161 = vector.broadcast %mul3A_160 : f32 to vector<512x128xf32>
    %mul3A_162 = arith.mulf %mul3A_161, %slice3A_159 : vector<512x128xf32>
    %tanh3A_163 = math.tanh %mul3A_162 : vector<512x128xf32>
    %mul3A_164 = arith.constant 5.000000e-01 : f32
    %mul3A_165 = vector.broadcast %mul3A_164 : f32 to vector<512x128xf32>
    %mul3A_166 = arith.mulf %mul3A_165, %tanh3A_163 : vector<512x128xf32>
    %add3A_167 = arith.constant 5.000000e-01 : f32
    %add3A_168 = vector.broadcast %add3A_167 : f32 to vector<512x128xf32>
    %add3A_169 = arith.addf %mul3A_166, %add3A_168 : vector<512x128xf32>
    %slice3A_170 = vector.extract_strided_slice %add3A_147 {offsets = [0, 256], sizes = [512, 128], strides = [1, 1]} : vector<512x512xf32> to vector<512x128xf32>
    %tanh3A_171 = math.tanh %slice3A_170 : vector<512x128xf32>
    %slice3A_172 = vector.extract_strided_slice %add3A_147 {offsets = [0, 384], sizes = [512, 128], strides = [1, 1]} : vector<512x512xf32> to vector<512x128xf32>
    %mul3A_173 = arith.constant 5.000000e-01 : f32
    %mul3A_174 = vector.broadcast %mul3A_173 : f32 to vector<512x128xf32>
    %mul3A_175 = arith.mulf %mul3A_174, %slice3A_172 : vector<512x128xf32>
    %tanh3A_176 = math.tanh %mul3A_175 : vector<512x128xf32>
    %mul3A_177 = arith.constant 5.000000e-01 : f32
    %mul3A_178 = vector.broadcast %mul3A_177 : f32 to vector<512x128xf32>
    %mul3A_179 = arith.mulf %mul3A_178, %tanh3A_176 : vector<512x128xf32>
    %add3A_180 = arith.constant 5.000000e-01 : f32
    %add3A_181 = vector.broadcast %add3A_180 : f32 to vector<512x128xf32>
    %add3A_182 = arith.addf %mul3A_179, %add3A_181 : vector<512x128xf32>
    %mul3A_183 = arith.mulf %add3A_169, %add3A_122 : vector<512x128xf32>
    %mul3A_184 = arith.mulf %add3A_158, %tanh3A_171 : vector<512x128xf32>
    %add3A_185 = arith.addf %mul3A_183, %mul3A_184 : vector<512x128xf32>
    %tanh3A_186 = math.tanh %add3A_185 : vector<512x128xf32>
    %mul3A_187 = arith.mulf %add3A_182, %tanh3A_186 : vector<512x128xf32>
    %get3A_188 = arith.constant 3 : index
    %get3A_189 = arith.constant 0 : index
    %get3A_190 = arith.constant 0 : index
    %get3A_191 = vector.load %arg1[%get3A_188, %get3A_189, %get3A_190] : memref<50x512x128xf32, #tpu.memory_space<vmem>>, vector<1x512x128xf32>
    %get3A_192 = vector.shape_cast %get3A_191 : vector<1x512x128xf32> to vector<512x128xf32>
    %get3A_193 = arith.constant 0 : index
    %get3A_194 = arith.constant 3 : index
    %get3A_195 = vector.load %arg2[%get3A_193, %get3A_194] : memref<512x50xi32, #tpu.memory_space<vmem>>, vector<512x1xi32>
    %ne3A_196 = arith.constant 0 : i32
    %ne3A_197 = vector.broadcast %ne3A_196 : i32 to vector<512x1xi32>
    %ne3A_198 = arith.cmpi ne, %get3A_195, %ne3A_197 : vector<512x1xi32>
    %slice3A_199 = vector.extract_strided_slice %get3A_192 {offsets = [0, 64], sizes = [512, 64], strides = [1, 1]} : vector<512x128xf32> to vector<512x64xf32>
    %slice3A_200 = vector.extract_strided_slice %get3A_192 {offsets = [0, 0], sizes = [512, 64], strides = [1, 1]} : vector<512x128xf32> to vector<512x64xf32>
    %broadcast_in_dim3A_201 = vector.shape_cast %ne3A_198 : vector<512x1xi1> to vector<512x1xi1>
    %broadcast_in_dim3A_202 = vector.broadcast %broadcast_in_dim3A_201 : vector<512x1xi1> to vector<512x64xi1>
    %select_n3A_203 = arith.select %broadcast_in_dim3A_202, %slice3A_199, %slice3A_200 : vector<512x64xi1>, vector<512x64xf32>
    %convert_element_type3A_204 = arith.truncf %select_n3A_203 : vector<512x64xf32> to vector<512x64xbf16>
    %convert_element_type3A_205 = arith.truncf %mul3A_187 : vector<512x128xf32> to vector<512x128xbf16>
    %concatenate3A_206 = tpu.concatenate %convert_element_type3A_204, %convert_element_type3A_205 in 1 : vector<512x64xbf16>, vector<512x128xbf16> -> vector<512x192xbf16>
    %dot_general3A_207 = arith.constant dense<0.000000e+00> : vector<512x512xf32>
    %dot_general3A_208 = tpu.matmul %concatenate3A_206, %get3A_1, %dot_general3A_207 {dimension_numbers = #tpu.dot_dimension_numbers<[1], [0], [0], [1], [0, 0, 1, 1], [], []>, transpose_lhs_hint = false} : vector<512x192xbf16>, vector<192x512xbf16>, vector<512x512xf32> -> vector<512x512xf32>
    %add3A_209 = vector.broadcast %get3A_4 : vector<1x512xf32> to vector<512x512xf32>
    %add3A_210 = arith.addf %dot_general3A_208, %add3A_209 : vector<512x512xf32>
    %slice3A_211 = vector.extract_strided_slice %add3A_210 {offsets = [0, 0], sizes = [512, 128], strides = [1, 1]} : vector<512x512xf32> to vector<512x128xf32>
    %mul3A_212 = arith.constant 5.000000e-01 : f32
    %mul3A_213 = vector.broadcast %mul3A_212 : f32 to vector<512x128xf32>
    %mul3A_214 = arith.mulf %mul3A_213, %slice3A_211 : vector<512x128xf32>
    %tanh3A_215 = math.tanh %mul3A_214 : vector<512x128xf32>
    %mul3A_216 = arith.constant 5.000000e-01 : f32
    %mul3A_217 = vector.broadcast %mul3A_216 : f32 to vector<512x128xf32>
    %mul3A_218 = arith.mulf %mul3A_217, %tanh3A_215 : vector<512x128xf32>
    %add3A_219 = arith.constant 5.000000e-01 : f32
    %add3A_220 = vector.broadcast %add3A_219 : f32 to vector<512x128xf32>
    %add3A_221 = arith.addf %mul3A_218, %add3A_220 : vector<512x128xf32>
    %slice3A_222 = vector.extract_strided_slice %add3A_210 {offsets = [0, 128], sizes = [512, 128], strides = [1, 1]} : vector<512x512xf32> to vector<512x128xf32>
    %mul3A_223 = arith.constant 5.000000e-01 : f32
    %mul3A_224 = vector.broadcast %mul3A_223 : f32 to vector<512x128xf32>
    %mul3A_225 = arith.mulf %mul3A_224, %slice3A_222 : vector<512x128xf32>
    %tanh3A_226 = math.tanh %mul3A_225 : vector<512x128xf32>
    %mul3A_227 = arith.constant 5.000000e-01 : f32
    %mul3A_228 = vector.broadcast %mul3A_227 : f32 to vector<512x128xf32>
    %mul3A_229 = arith.mulf %mul3A_228, %tanh3A_226 : vector<512x128xf32>
    %add3A_230 = arith.constant 5.000000e-01 : f32
    %add3A_231 = vector.broadcast %add3A_230 : f32 to vector<512x128xf32>
    %add3A_232 = arith.addf %mul3A_229, %add3A_231 : vector<512x128xf32>
    %slice3A_233 = vector.extract_strided_slice %add3A_210 {offsets = [0, 256], sizes = [512, 128], strides = [1, 1]} : vector<512x512xf32> to vector<512x128xf32>
    %tanh3A_234 = math.tanh %slice3A_233 : vector<512x128xf32>
    %slice3A_235 = vector.extract_strided_slice %add3A_210 {offsets = [0, 384], sizes = [512, 128], strides = [1, 1]} : vector<512x512xf32> to vector<512x128xf32>
    %mul3A_236 = arith.constant 5.000000e-01 : f32
    %mul3A_237 = vector.broadcast %mul3A_236 : f32 to vector<512x128xf32>
    %mul3A_238 = arith.mulf %mul3A_237, %slice3A_235 : vector<512x128xf32>
    %tanh3A_239 = math.tanh %mul3A_238 : vector<512x128xf32>
    %mul3A_240 = arith.constant 5.000000e-01 : f32
    %mul3A_241 = vector.broadcast %mul3A_240 : f32 to vector<512x128xf32>
    %mul3A_242 = arith.mulf %mul3A_241, %tanh3A_239 : vector<512x128xf32>
    %add3A_243 = arith.constant 5.000000e-01 : f32
    %add3A_244 = vector.broadcast %add3A_243 : f32 to vector<512x128xf32>
    %add3A_245 = arith.addf %mul3A_242, %add3A_244 : vector<512x128xf32>
    %mul3A_246 = arith.mulf %add3A_232, %add3A_185 : vector<512x128xf32>
    %mul3A_247 = arith.mulf %add3A_221, %tanh3A_234 : vector<512x128xf32>
    %add3A_248 = arith.addf %mul3A_246, %mul3A_247 : vector<512x128xf32>
    %tanh3A_249 = math.tanh %add3A_248 : vector<512x128xf32>
    %mul3A_250 = arith.mulf %add3A_245, %tanh3A_249 : vector<512x128xf32>
    %get3A_251 = arith.constant 4 : index
    %get3A_252 = arith.constant 0 : index
    %get3A_253 = arith.constant 0 : index
    %get3A_254 = vector.load %arg1[%get3A_251, %get3A_252, %get3A_253] : memref<50x512x128xf32, #tpu.memory_space<vmem>>, vector<1x512x128xf32>
    %get3A_255 = vector.shape_cast %get3A_254 : vector<1x512x128xf32> to vector<512x128xf32>
    %get3A_256 = arith.constant 0 : index
    %get3A_257 = arith.constant 4 : index
    %get3A_258 = vector.load %arg2[%get3A_256, %get3A_257] : memref<512x50xi32, #tpu.memory_space<vmem>>, vector<512x1xi32>
    %ne3A_259 = arith.constant 0 : i32
    %ne3A_260 = vector.broadcast %ne3A_259 : i32 to vector<512x1xi32>
    %ne3A_261 = arith.cmpi ne, %get3A_258, %ne3A_260 : vector<512x1xi32>
    %slice3A_262 = vector.extract_strided_slice %get3A_255 {offsets = [0, 64], sizes = [512, 64], strides = [1, 1]} : vector<512x128xf32> to vector<512x64xf32>
    %slice3A_263 = vector.extract_strided_slice %get3A_255 {offsets = [0, 0], sizes = [512, 64], strides = [1, 1]} : vector<512x128xf32> to vector<512x64xf32>
    %broadcast_in_dim3A_264 = vector.shape_cast %ne3A_261 : vector<512x1xi1> to vector<512x1xi1>
    %broadcast_in_dim3A_265 = vector.broadcast %broadcast_in_dim3A_264 : vector<512x1xi1> to vector<512x64xi1>
    %select_n3A_266 = arith.select %broadcast_in_dim3A_265, %slice3A_262, %slice3A_263 : vector<512x64xi1>, vector<512x64xf32>
    %convert_element_type3A_267 = arith.truncf %select_n3A_266 : vector<512x64xf32> to vector<512x64xbf16>
    %convert_element_type3A_268 = arith.truncf %mul3A_250 : vector<512x128xf32> to vector<512x128xbf16>
    %concatenate3A_269 = tpu.concatenate %convert_element_type3A_267, %convert_element_type3A_268 in 1 : vector<512x64xbf16>, vector<512x128xbf16> -> vector<512x192xbf16>
    %dot_general3A_270 = arith.constant dense<0.000000e+00> : vector<512x512xf32>
    %dot_general3A_271 = tpu.matmul %concatenate3A_269, %get3A_1, %dot_general3A_270 {dimension_numbers = #tpu.dot_dimension_numbers<[1], [0], [0], [1], [0, 0, 1, 1], [], []>, transpose_lhs_hint = false} : vector<512x192xbf16>, vector<192x512xbf16>, vector<512x512xf32> -> vector<512x512xf32>
    %add3A_272 = vector.broadcast %get3A_4 : vector<1x512xf32> to vector<512x512xf32>
    %add3A_273 = arith.addf %dot_general3A_271, %add3A_272 : vector<512x512xf32>
    %slice3A_274 = vector.extract_strided_slice %add3A_273 {offsets = [0, 0], sizes = [512, 128], strides = [1, 1]} : vector<512x512xf32> to vector<512x128xf32>
    %mul3A_275 = arith.constant 5.000000e-01 : f32
    %mul3A_276 = vector.broadcast %mul3A_275 : f32 to vector<512x128xf32>
    %mul3A_277 = arith.mulf %mul3A_276, %slice3A_274 : vector<512x128xf32>
    %tanh3A_278 = math.tanh %mul3A_277 : vector<512x128xf32>
    %mul3A_279 = arith.constant 5.000000e-01 : f32
    %mul3A_280 = vector.broadcast %mul3A_279 : f32 to vector<512x128xf32>
    %mul3A_281 = arith.mulf %mul3A_280, %tanh3A_278 : vector<512x128xf32>
    %add3A_282 = arith.constant 5.000000e-01 : f32
    %add3A_283 = vector.broadcast %add3A_282 : f32 to vector<512x128xf32>
    %add3A_284 = arith.addf %mul3A_281, %add3A_283 : vector<512x128xf32>
    %slice3A_285 = vector.extract_strided_slice %add3A_273 {offsets = [0, 128], sizes = [512, 128], strides = [1, 1]} : vector<512x512xf32> to vector<512x128xf32>
    %mul3A_286 = arith.constant 5.000000e-01 : f32
    %mul3A_287 = vector.broadcast %mul3A_286 : f32 to vector<512x128xf32>
    %mul3A_288 = arith.mulf %mul3A_287, %slice3A_285 : vector<512x128xf32>
    %tanh3A_289 = math.tanh %mul3A_288 : vector<512x128xf32>
    %mul3A_290 = arith.constant 5.000000e-01 : f32
    %mul3A_291 = vector.broadcast %mul3A_290 : f32 to vector<512x128xf32>
    %mul3A_292 = arith.mulf %mul3A_291, %tanh3A_289 : vector<512x128xf32>
    %add3A_293 = arith.constant 5.000000e-01 : f32
    %add3A_294 = vector.broadcast %add3A_293 : f32 to vector<512x128xf32>
    %add3A_295 = arith.addf %mul3A_292, %add3A_294 : vector<512x128xf32>
    %slice3A_296 = vector.extract_strided_slice %add3A_273 {offsets = [0, 256], sizes = [512, 128], strides = [1, 1]} : vector<512x512xf32> to vector<512x128xf32>
    %tanh3A_297 = math.tanh %slice3A_296 : vector<512x128xf32>
    %slice3A_298 = vector.extract_strided_slice %add3A_273 {offsets = [0, 384], sizes = [512, 128], strides = [1, 1]} : vector<512x512xf32> to vector<512x128xf32>
    %mul3A_299 = arith.constant 5.000000e-01 : f32
    %mul3A_300 = vector.broadcast %mul3A_299 : f32 to vector<512x128xf32>
    %mul3A_301 = arith.mulf %mul3A_300, %slice3A_298 : vector<512x128xf32>
    %tanh3A_302 = math.tanh %mul3A_301 : vector<512x128xf32>
    %mul3A_303 = arith.constant 5.000000e-01 : f32
    %mul3A_304 = vector.broadcast %mul3A_303 : f32 to vector<512x128xf32>
    %mul3A_305 = arith.mulf %mul3A_304, %tanh3A_302 : vector<512x128xf32>
    %add3A_306 = arith.constant 5.000000e-01 : f32
    %add3A_307 = vector.broadcast %add3A_306 : f32 to vector<512x128xf32>
    %add3A_308 = arith.addf %mul3A_305, %add3A_307 : vector<512x128xf32>
    %mul3A_309 = arith.mulf %add3A_295, %add3A_248 : vector<512x128xf32>
    %mul3A_310 = arith.mulf %add3A_284, %tanh3A_297 : vector<512x128xf32>
    %add3A_311 = arith.addf %mul3A_309, %mul3A_310 : vector<512x128xf32>
    %tanh3A_312 = math.tanh %add3A_311 : vector<512x128xf32>
    %mul3A_313 = arith.mulf %add3A_308, %tanh3A_312 : vector<512x128xf32>
    %get3A_314 = arith.constant 5 : index
    %get3A_315 = arith.constant 0 : index
    %get3A_316 = arith.constant 0 : index
    %get3A_317 = vector.load %arg1[%get3A_314, %get3A_315, %get3A_316] : memref<50x512x128xf32, #tpu.memory_space<vmem>>, vector<1x512x128xf32>
    %get3A_318 = vector.shape_cast %get3A_317 : vector<1x512x128xf32> to vector<512x128xf32>
    %get3A_319 = arith.constant 0 : index
    %get3A_320 = arith.constant 5 : index
    %get3A_321 = vector.load %arg2[%get3A_319, %get3A_320] : memref<512x50xi32, #tpu.memory_space<vmem>>, vector<512x1xi32>
    %ne3A_322 = arith.constant 0 : i32
    %ne3A_323 = vector.broadcast %ne3A_322 : i32 to vector<512x1xi32>
    %ne3A_324 = arith.cmpi ne, %get3A_321, %ne3A_323 : vector<512x1xi32>
    %slice3A_325 = vector.extract_strided_slice %get3A_318 {offsets = [0, 64], sizes = [512, 64], strides = [1, 1]} : vector<512x128xf32> to vector<512x64xf32>
    %slice3A_326 = vector.extract_strided_slice %get3A_318 {offsets = [0, 0], sizes = [512, 64], strides = [1, 1]} : vector<512x128xf32> to vector<512x64xf32>
    %broadcast_in_dim3A_327 = vector.shape_cast %ne3A_324 : vector<512x1xi1> to vector<512x1xi1>
    %broadcast_in_dim3A_328 = vector.broadcast %broadcast_in_dim3A_327 : vector<512x1xi1> to vector<512x64xi1>
    %select_n3A_329 = arith.select %broadcast_in_dim3A_328, %slice3A_325, %slice3A_326 : vector<512x64xi1>, vector<512x64xf32>
    %convert_element_type3A_330 = arith.truncf %select_n3A_329 : vector<512x64xf32> to vector<512x64xbf16>
    %convert_element_type3A_331 = arith.truncf %mul3A_313 : vector<512x128xf32> to vector<512x128xbf16>
    %concatenate3A_332 = tpu.concatenate %convert_element_type3A_330, %convert_element_type3A_331 in 1 : vector<512x64xbf16>, vector<512x128xbf16> -> vector<512x192xbf16>
    %dot_general3A_333 = arith.constant dense<0.000000e+00> : vector<512x512xf32>
    %dot_general3A_334 = tpu.matmul %concatenate3A_332, %get3A_1, %dot_general3A_333 {dimension_numbers = #tpu.dot_dimension_numbers<[1], [0], [0], [1], [0, 0, 1, 1], [], []>, transpose_lhs_hint = false} : vector<512x192xbf16>, vector<192x512xbf16>, vector<512x512xf32> -> vector<512x512xf32>
    %add3A_335 = vector.broadcast %get3A_4 : vector<1x512xf32> to vector<512x512xf32>
    %add3A_336 = arith.addf %dot_general3A_334, %add3A_335 : vector<512x512xf32>
    %slice3A_337 = vector.extract_strided_slice %add3A_336 {offsets = [0, 0], sizes = [512, 128], strides = [1, 1]} : vector<512x512xf32> to vector<512x128xf32>
    %mul3A_338 = arith.constant 5.000000e-01 : f32
    %mul3A_339 = vector.broadcast %mul3A_338 : f32 to vector<512x128xf32>
    %mul3A_340 = arith.mulf %mul3A_339, %slice3A_337 : vector<512x128xf32>
    %tanh3A_341 = math.tanh %mul3A_340 : vector<512x128xf32>
    %mul3A_342 = arith.constant 5.000000e-01 : f32
    %mul3A_343 = vector.broadcast %mul3A_342 : f32 to vector<512x128xf32>
    %mul3A_344 = arith.mulf %mul3A_343, %tanh3A_341 : vector<512x128xf32>
    %add3A_345 = arith.constant 5.000000e-01 : f32
    %add3A_346 = vector.broadcast %add3A_345 : f32 to vector<512x128xf32>
    %add3A_347 = arith.addf %mul3A_344, %add3A_346 : vector<512x128xf32>
    %slice3A_348 = vector.extract_strided_slice %add3A_336 {offsets = [0, 128], sizes = [512, 128], strides = [1, 1]} : vector<512x512xf32> to vector<512x128xf32>
    %mul3A_349 = arith.constant 5.000000e-01 : f32
    %mul3A_350 = vector.broadcast %mul3A_349 : f32 to vector<512x128xf32>
    %mul3A_351 = arith.mulf %mul3A_350, %slice3A_348 : vector<512x128xf32>
    %tanh3A_352 = math.tanh %mul3A_351 : vector<512x128xf32>
    %mul3A_353 = arith.constant 5.000000e-01 : f32
    %mul3A_354 = vector.broadcast %mul3A_353 : f32 to vector<512x128xf32>
    %mul3A_355 = arith.mulf %mul3A_354, %tanh3A_352 : vector<512x128xf32>
    %add3A_356 = arith.constant 5.000000e-01 : f32
    %add3A_357 = vector.broadcast %add3A_356 : f32 to vector<512x128xf32>
    %add3A_358 = arith.addf %mul3A_355, %add3A_357 : vector<512x128xf32>
    %slice3A_359 = vector.extract_strided_slice %add3A_336 {offsets = [0, 256], sizes = [512, 128], strides = [1, 1]} : vector<512x512xf32> to vector<512x128xf32>
    %tanh3A_360 = math.tanh %slice3A_359 : vector<512x128xf32>
    %slice3A_361 = vector.extract_strided_slice %add3A_336 {offsets = [0, 384], sizes = [512, 128], strides = [1, 1]} : vector<512x512xf32> to vector<512x128xf32>
    %mul3A_362 = arith.constant 5.000000e-01 : f32
    %mul3A_363 = vector.broadcast %mul3A_362 : f32 to vector<512x128xf32>
    %mul3A_364 = arith.mulf %mul3A_363, %slice3A_361 : vector<512x128xf32>
    %tanh3A_365 = math.tanh %mul3A_364 : vector<512x128xf32>
    %mul3A_366 = arith.constant 5.000000e-01 : f32
    %mul3A_367 = vector.broadcast %mul3A_366 : f32 to vector<512x128xf32>
    %mul3A_368 = arith.mulf %mul3A_367, %tanh3A_365 : vector<512x128xf32>
    %add3A_369 = arith.constant 5.000000e-01 : f32
    %add3A_370 = vector.broadcast %add3A_369 : f32 to vector<512x128xf32>
    %add3A_371 = arith.addf %mul3A_368, %add3A_370 : vector<512x128xf32>
    %mul3A_372 = arith.mulf %add3A_358, %add3A_311 : vector<512x128xf32>
    %mul3A_373 = arith.mulf %add3A_347, %tanh3A_360 : vector<512x128xf32>
    %add3A_374 = arith.addf %mul3A_372, %mul3A_373 : vector<512x128xf32>
    %tanh3A_375 = math.tanh %add3A_374 : vector<512x128xf32>
    %mul3A_376 = arith.mulf %add3A_371, %tanh3A_375 : vector<512x128xf32>
    %get3A_377 = arith.constant 6 : index
    %get3A_378 = arith.constant 0 : index
    %get3A_379 = arith.constant 0 : index
    %get3A_380 = vector.load %arg1[%get3A_377, %get3A_378, %get3A_379] : memref<50x512x128xf32, #tpu.memory_space<vmem>>, vector<1x512x128xf32>
    %get3A_381 = vector.shape_cast %get3A_380 : vector<1x512x128xf32> to vector<512x128xf32>
    %get3A_382 = arith.constant 0 : index
    %get3A_383 = arith.constant 6 : index
    %get3A_384 = vector.load %arg2[%get3A_382, %get3A_383] : memref<512x50xi32, #tpu.memory_space<vmem>>, vector<512x1xi32>
    %ne3A_385 = arith.constant 0 : i32
    %ne3A_386 = vector.broadcast %ne3A_385 : i32 to vector<512x1xi32>
    %ne3A_387 = arith.cmpi ne, %get3A_384, %ne3A_386 : vector<512x1xi32>
    %slice3A_388 = vector.extract_strided_slice %get3A_381 {offsets = [0, 64], sizes = [512, 64], strides = [1, 1]} : vector<512x128xf32> to vector<512x64xf32>
    %slice3A_389 = vector.extract_strided_slice %get3A_381 {offsets = [0, 0], sizes = [512, 64], strides = [1, 1]} : vector<512x128xf32> to vector<512x64xf32>
    %broadcast_in_dim3A_390 = vector.shape_cast %ne3A_387 : vector<512x1xi1> to vector<512x1xi1>
    %broadcast_in_dim3A_391 = vector.broadcast %broadcast_in_dim3A_390 : vector<512x1xi1> to vector<512x64xi1>
    %select_n3A_392 = arith.select %broadcast_in_dim3A_391, %slice3A_388, %slice3A_389 : vector<512x64xi1>, vector<512x64xf32>
    %convert_element_type3A_393 = arith.truncf %select_n3A_392 : vector<512x64xf32> to vector<512x64xbf16>
    %convert_element_type3A_394 = arith.truncf %mul3A_376 : vector<512x128xf32> to vector<512x128xbf16>
    %concatenate3A_395 = tpu.concatenate %convert_element_type3A_393, %convert_element_type3A_394 in 1 : vector<512x64xbf16>, vector<512x128xbf16> -> vector<512x192xbf16>
    %dot_general3A_396 = arith.constant dense<0.000000e+00> : vector<512x512xf32>
    %dot_general3A_397 = tpu.matmul %concatenate3A_395, %get3A_1, %dot_general3A_396 {dimension_numbers = #tpu.dot_dimension_numbers<[1], [0], [0], [1], [0, 0, 1, 1], [], []>, transpose_lhs_hint = false} : vector<512x192xbf16>, vector<192x512xbf16>, vector<512x512xf32> -> vector<512x512xf32>
    %add3A_398 = vector.broadcast %get3A_4 : vector<1x512xf32> to vector<512x512xf32>
    %add3A_399 = arith.addf %dot_general3A_397, %add3A_398 : vector<512x512xf32>
    %slice3A_400 = vector.extract_strided_slice %add3A_399 {offsets = [0, 0], sizes = [512, 128], strides = [1, 1]} : vector<512x512xf32> to vector<512x128xf32>
    %mul3A_401 = arith.constant 5.000000e-01 : f32
    %mul3A_402 = vector.broadcast %mul3A_401 : f32 to vector<512x128xf32>
    %mul3A_403 = arith.mulf %mul3A_402, %slice3A_400 : vector<512x128xf32>
    %tanh3A_404 = math.tanh %mul3A_403 : vector<512x128xf32>
    %mul3A_405 = arith.constant 5.000000e-01 : f32
    %mul3A_406 = vector.broadcast %mul3A_405 : f32 to vector<512x128xf32>
    %mul3A_407 = arith.mulf %mul3A_406, %tanh3A_404 : vector<512x128xf32>
    %add3A_408 = arith.constant 5.000000e-01 : f32
    %add3A_409 = vector.broadcast %add3A_408 : f32 to vector<512x128xf32>
    %add3A_410 = arith.addf %mul3A_407, %add3A_409 : vector<512x128xf32>
    %slice3A_411 = vector.extract_strided_slice %add3A_399 {offsets = [0, 128], sizes = [512, 128], strides = [1, 1]} : vector<512x512xf32> to vector<512x128xf32>
    %mul3A_412 = arith.constant 5.000000e-01 : f32
    %mul3A_413 = vector.broadcast %mul3A_412 : f32 to vector<512x128xf32>
    %mul3A_414 = arith.mulf %mul3A_413, %slice3A_411 : vector<512x128xf32>
    %tanh3A_415 = math.tanh %mul3A_414 : vector<512x128xf32>
    %mul3A_416 = arith.constant 5.000000e-01 : f32
    %mul3A_417 = vector.broadcast %mul3A_416 : f32 to vector<512x128xf32>
    %mul3A_418 = arith.mulf %mul3A_417, %tanh3A_415 : vector<512x128xf32>
    %add3A_419 = arith.constant 5.000000e-01 : f32
    %add3A_420 = vector.broadcast %add3A_419 : f32 to vector<512x128xf32>
    %add3A_421 = arith.addf %mul3A_418, %add3A_420 : vector<512x128xf32>
    %slice3A_422 = vector.extract_strided_slice %add3A_399 {offsets = [0, 256], sizes = [512, 128], strides = [1, 1]} : vector<512x512xf32> to vector<512x128xf32>
    %tanh3A_423 = math.tanh %slice3A_422 : vector<512x128xf32>
    %slice3A_424 = vector.extract_strided_slice %add3A_399 {offsets = [0, 384], sizes = [512, 128], strides = [1, 1]} : vector<512x512xf32> to vector<512x128xf32>
    %mul3A_425 = arith.constant 5.000000e-01 : f32
    %mul3A_426 = vector.broadcast %mul3A_425 : f32 to vector<512x128xf32>
    %mul3A_427 = arith.mulf %mul3A_426, %slice3A_424 : vector<512x128xf32>
    %tanh3A_428 = math.tanh %mul3A_427 : vector<512x128xf32>
    %mul3A_429 = arith.constant 5.000000e-01 : f32
    %mul3A_430 = vector.broadcast %mul3A_429 : f32 to vector<512x128xf32>
    %mul3A_431 = arith.mulf %mul3A_430, %tanh3A_428 : vector<512x128xf32>
    %add3A_432 = arith.constant 5.000000e-01 : f32
    %add3A_433 = vector.broadcast %add3A_432 : f32 to vector<512x128xf32>
    %add3A_434 = arith.addf %mul3A_431, %add3A_433 : vector<512x128xf32>
    %mul3A_435 = arith.mulf %add3A_421, %add3A_374 : vector<512x128xf32>
    %mul3A_436 = arith.mulf %add3A_410, %tanh3A_423 : vector<512x128xf32>
    %add3A_437 = arith.addf %mul3A_435, %mul3A_436 : vector<512x128xf32>
    %tanh3A_438 = math.tanh %add3A_437 : vector<512x128xf32>
    %mul3A_439 = arith.mulf %add3A_434, %tanh3A_438 : vector<512x128xf32>
    %get3A_440 = arith.constant 7 : index
    %get3A_441 = arith.constant 0 : index
    %get3A_442 = arith.constant 0 : index
    %get3A_443 = vector.load %arg1[%get3A_440, %get3A_441, %get3A_442] : memref<50x512x128xf32, #tpu.memory_space<vmem>>, vector<1x512x128xf32>
    %get3A_444 = vector.shape_cast %get3A_443 : vector<1x512x128xf32> to vector<512x128xf32>
    %get3A_445 = arith.constant 0 : index
    %get3A_446 = arith.constant 7 : index
    %get3A_447 = vector.load %arg2[%get3A_445, %get3A_446] : memref<512x50xi32, #tpu.memory_space<vmem>>, vector<512x1xi32>
    %ne3A_448 = arith.constant 0 : i32
    %ne3A_449 = vector.broadcast %ne3A_448 : i32 to vector<512x1xi32>
    %ne3A_450 = arith.cmpi ne, %get3A_447, %ne3A_449 : vector<512x1xi32>
    %slice3A_451 = vector.extract_strided_slice %get3A_444 {offsets = [0, 64], sizes = [512, 64], strides = [1, 1]} : vector<512x128xf32> to vector<512x64xf32>
    %slice3A_452 = vector.extract_strided_slice %get3A_444 {offsets = [0, 0], sizes = [512, 64], strides = [1, 1]} : vector<512x128xf32> to vector<512x64xf32>
    %broadcast_in_dim3A_453 = vector.shape_cast %ne3A_450 : vector<512x1xi1> to vector<512x1xi1>
    %broadcast_in_dim3A_454 = vector.broadcast %broadcast_in_dim3A_453 : vector<512x1xi1> to vector<512x64xi1>
    %select_n3A_455 = arith.select %broadcast_in_dim3A_454, %slice3A_451, %slice3A_452 : vector<512x64xi1>, vector<512x64xf32>
    %convert_element_type3A_456 = arith.truncf %select_n3A_455 : vector<512x64xf32> to vector<512x64xbf16>
    %convert_element_type3A_457 = arith.truncf %mul3A_439 : vector<512x128xf32> to vector<512x128xbf16>
    %concatenate3A_458 = tpu.concatenate %convert_element_type3A_456, %convert_element_type3A_457 in 1 : vector<512x64xbf16>, vector<512x128xbf16> -> vector<512x192xbf16>
    %dot_general3A_459 = arith.constant dense<0.000000e+00> : vector<512x512xf32>
    %dot_general3A_460 = tpu.matmul %concatenate3A_458, %get3A_1, %dot_general3A_459 {dimension_numbers = #tpu.dot_dimension_numbers<[1], [0], [0], [1], [0, 0, 1, 1], [], []>, transpose_lhs_hint = false} : vector<512x192xbf16>, vector<192x512xbf16>, vector<512x512xf32> -> vector<512x512xf32>
    %add3A_461 = vector.broadcast %get3A_4 : vector<1x512xf32> to vector<512x512xf32>
    %add3A_462 = arith.addf %dot_general3A_460, %add3A_461 : vector<512x512xf32>
    %slice3A_463 = vector.extract_strided_slice %add3A_462 {offsets = [0, 0], sizes = [512, 128], strides = [1, 1]} : vector<512x512xf32> to vector<512x128xf32>
    %mul3A_464 = arith.constant 5.000000e-01 : f32
    %mul3A_465 = vector.broadcast %mul3A_464 : f32 to vector<512x128xf32>
    %mul3A_466 = arith.mulf %mul3A_465, %slice3A_463 : vector<512x128xf32>
    %tanh3A_467 = math.tanh %mul3A_466 : vector<512x128xf32>
    %mul3A_468 = arith.constant 5.000000e-01 : f32
    %mul3A_469 = vector.broadcast %mul3A_468 : f32 to vector<512x128xf32>
    %mul3A_470 = arith.mulf %mul3A_469, %tanh3A_467 : vector<512x128xf32>
    %add3A_471 = arith.constant 5.000000e-01 : f32
    %add3A_472 = vector.broadcast %add3A_471 : f32 to vector<512x128xf32>
    %add3A_473 = arith.addf %mul3A_470, %add3A_472 : vector<512x128xf32>
    %slice3A_474 = vector.extract_strided_slice %add3A_462 {offsets = [0, 128], sizes = [512, 128], strides = [1, 1]} : vector<512x512xf32> to vector<512x128xf32>
    %mul3A_475 = arith.constant 5.000000e-01 : f32
    %mul3A_476 = vector.broadcast %mul3A_475 : f32 to vector<512x128xf32>
    %mul3A_477 = arith.mulf %mul3A_476, %slice3A_474 : vector<512x128xf32>
    %tanh3A_478 = math.tanh %mul3A_477 : vector<512x128xf32>
    %mul3A_479 = arith.constant 5.000000e-01 : f32
    %mul3A_480 = vector.broadcast %mul3A_479 : f32 to vector<512x128xf32>
    %mul3A_481 = arith.mulf %mul3A_480, %tanh3A_478 : vector<512x128xf32>
    %add3A_482 = arith.constant 5.000000e-01 : f32
    %add3A_483 = vector.broadcast %add3A_482 : f32 to vector<512x128xf32>
    %add3A_484 = arith.addf %mul3A_481, %add3A_483 : vector<512x128xf32>
    %slice3A_485 = vector.extract_strided_slice %add3A_462 {offsets = [0, 256], sizes = [512, 128], strides = [1, 1]} : vector<512x512xf32> to vector<512x128xf32>
    %tanh3A_486 = math.tanh %slice3A_485 : vector<512x128xf32>
    %slice3A_487 = vector.extract_strided_slice %add3A_462 {offsets = [0, 384], sizes = [512, 128], strides = [1, 1]} : vector<512x512xf32> to vector<512x128xf32>
    %mul3A_488 = arith.constant 5.000000e-01 : f32
    %mul3A_489 = vector.broadcast %mul3A_488 : f32 to vector<512x128xf32>
    %mul3A_490 = arith.mulf %mul3A_489, %slice3A_487 : vector<512x128xf32>
    %tanh3A_491 = math.tanh %mul3A_490 : vector<512x128xf32>
    %mul3A_492 = arith.constant 5.000000e-01 : f32
    %mul3A_493 = vector.broadcast %mul3A_492 : f32 to vector<512x128xf32>
    %mul3A_494 = arith.mulf %mul3A_493, %tanh3A_491 : vector<512x128xf32>
    %add3A_495 = arith.constant 5.000000e-01 : f32
    %add3A_496 = vector.broadcast %add3A_495 : f32 to vector<512x128xf32>
    %add3A_497 = arith.addf %mul3A_494, %add3A_496 : vector<512x128xf32>
    %mul3A_498 = arith.mulf %add3A_484, %add3A_437 : vector<512x128xf32>
    %mul3A_499 = arith.mulf %add3A_473, %tanh3A_486 : vector<512x128xf32>
    %add3A_500 = arith.addf %mul3A_498, %mul3A_499 : vector<512x128xf32>
    %tanh3A_501 = math.tanh %add3A_500 : vector<512x128xf32>
    %mul3A_502 = arith.mulf %add3A_497, %tanh3A_501 : vector<512x128xf32>
    %get3A_503 = arith.constant 8 : index
    %get3A_504 = arith.constant 0 : index
    %get3A_505 = arith.constant 0 : index
    %get3A_506 = vector.load %arg1[%get3A_503, %get3A_504, %get3A_505] : memref<50x512x128xf32, #tpu.memory_space<vmem>>, vector<1x512x128xf32>
    %get3A_507 = vector.shape_cast %get3A_506 : vector<1x512x128xf32> to vector<512x128xf32>
    %get3A_508 = arith.constant 0 : index
    %get3A_509 = arith.constant 8 : index
    %get3A_510 = vector.load %arg2[%get3A_508, %get3A_509] : memref<512x50xi32, #tpu.memory_space<vmem>>, vector<512x1xi32>
    %ne3A_511 = arith.constant 0 : i32
    %ne3A_512 = vector.broadcast %ne3A_511 : i32 to vector<512x1xi32>
    %ne3A_513 = arith.cmpi ne, %get3A_510, %ne3A_512 : vector<512x1xi32>
    %slice3A_514 = vector.extract_strided_slice %get3A_507 {offsets = [0, 64], sizes = [512, 64], strides = [1, 1]} : vector<512x128xf32> to vector<512x64xf32>
    %slice3A_515 = vector.extract_strided_slice %get3A_507 {offsets = [0, 0], sizes = [512, 64], strides = [1, 1]} : vector<512x128xf32> to vector<512x64xf32>
    %broadcast_in_dim3A_516 = vector.shape_cast %ne3A_513 : vector<512x1xi1> to vector<512x1xi1>
    %broadcast_in_dim3A_517 = vector.broadcast %broadcast_in_dim3A_516 : vector<512x1xi1> to vector<512x64xi1>
    %select_n3A_518 = arith.select %broadcast_in_dim3A_517, %slice3A_514, %slice3A_515 : vector<512x64xi1>, vector<512x64xf32>
    %convert_element_type3A_519 = arith.truncf %select_n3A_518 : vector<512x64xf32> to vector<512x64xbf16>
    %convert_element_type3A_520 = arith.truncf %mul3A_502 : vector<512x128xf32> to vector<512x128xbf16>
    %concatenate3A_521 = tpu.concatenate %convert_element_type3A_519, %convert_element_type3A_520 in 1 : vector<512x64xbf16>, vector<512x128xbf16> -> vector<512x192xbf16>
    %dot_general3A_522 = arith.constant dense<0.000000e+00> : vector<512x512xf32>
    %dot_general3A_523 = tpu.matmul %concatenate3A_521, %get3A_1, %dot_general3A_522 {dimension_numbers = #tpu.dot_dimension_numbers<[1], [0], [0], [1], [0, 0, 1, 1], [], []>, transpose_lhs_hint = false} : vector<512x192xbf16>, vector<192x512xbf16>, vector<512x512xf32> -> vector<512x512xf32>
    %add3A_524 = vector.broadcast %get3A_4 : vector<1x512xf32> to vector<512x512xf32>
    %add3A_525 = arith.addf %dot_general3A_523, %add3A_524 : vector<512x512xf32>
    %slice3A_526 = vector.extract_strided_slice %add3A_525 {offsets = [0, 0], sizes = [512, 128], strides = [1, 1]} : vector<512x512xf32> to vector<512x128xf32>
    %mul3A_527 = arith.constant 5.000000e-01 : f32
    %mul3A_528 = vector.broadcast %mul3A_527 : f32 to vector<512x128xf32>
    %mul3A_529 = arith.mulf %mul3A_528, %slice3A_526 : vector<512x128xf32>
    %tanh3A_530 = math.tanh %mul3A_529 : vector<512x128xf32>
    %mul3A_531 = arith.constant 5.000000e-01 : f32
    %mul3A_532 = vector.broadcast %mul3A_531 : f32 to vector<512x128xf32>
    %mul3A_533 = arith.mulf %mul3A_532, %tanh3A_530 : vector<512x128xf32>
    %add3A_534 = arith.constant 5.000000e-01 : f32
    %add3A_535 = vector.broadcast %add3A_534 : f32 to vector<512x128xf32>
    %add3A_536 = arith.addf %mul3A_533, %add3A_535 : vector<512x128xf32>
    %slice3A_537 = vector.extract_strided_slice %add3A_525 {offsets = [0, 128], sizes = [512, 128], strides = [1, 1]} : vector<512x512xf32> to vector<512x128xf32>
    %mul3A_538 = arith.constant 5.000000e-01 : f32
    %mul3A_539 = vector.broadcast %mul3A_538 : f32 to vector<512x128xf32>
    %mul3A_540 = arith.mulf %mul3A_539, %slice3A_537 : vector<512x128xf32>
    %tanh3A_541 = math.tanh %mul3A_540 : vector<512x128xf32>
    %mul3A_542 = arith.constant 5.000000e-01 : f32
    %mul3A_543 = vector.broadcast %mul3A_542 : f32 to vector<512x128xf32>
    %mul3A_544 = arith.mulf %mul3A_543, %tanh3A_541 : vector<512x128xf32>
    %add3A_545 = arith.constant 5.000000e-01 : f32
    %add3A_546 = vector.broadcast %add3A_545 : f32 to vector<512x128xf32>
    %add3A_547 = arith.addf %mul3A_544, %add3A_546 : vector<512x128xf32>
    %slice3A_548 = vector.extract_strided_slice %add3A_525 {offsets = [0, 256], sizes = [512, 128], strides = [1, 1]} : vector<512x512xf32> to vector<512x128xf32>
    %tanh3A_549 = math.tanh %slice3A_548 : vector<512x128xf32>
    %slice3A_550 = vector.extract_strided_slice %add3A_525 {offsets = [0, 384], sizes = [512, 128], strides = [1, 1]} : vector<512x512xf32> to vector<512x128xf32>
    %mul3A_551 = arith.constant 5.000000e-01 : f32
    %mul3A_552 = vector.broadcast %mul3A_551 : f32 to vector<512x128xf32>
    %mul3A_553 = arith.mulf %mul3A_552, %slice3A_550 : vector<512x128xf32>
    %tanh3A_554 = math.tanh %mul3A_553 : vector<512x128xf32>
    %mul3A_555 = arith.constant 5.000000e-01 : f32
    %mul3A_556 = vector.broadcast %mul3A_555 : f32 to vector<512x128xf32>
    %mul3A_557 = arith.mulf %mul3A_556, %tanh3A_554 : vector<512x128xf32>
    %add3A_558 = arith.constant 5.000000e-01 : f32
    %add3A_559 = vector.broadcast %add3A_558 : f32 to vector<512x128xf32>
    %add3A_560 = arith.addf %mul3A_557, %add3A_559 : vector<512x128xf32>
    %mul3A_561 = arith.mulf %add3A_547, %add3A_500 : vector<512x128xf32>
    %mul3A_562 = arith.mulf %add3A_536, %tanh3A_549 : vector<512x128xf32>
    %add3A_563 = arith.addf %mul3A_561, %mul3A_562 : vector<512x128xf32>
    %tanh3A_564 = math.tanh %add3A_563 : vector<512x128xf32>
    %mul3A_565 = arith.mulf %add3A_560, %tanh3A_564 : vector<512x128xf32>
    %get3A_566 = arith.constant 9 : index
    %get3A_567 = arith.constant 0 : index
    %get3A_568 = arith.constant 0 : index
    %get3A_569 = vector.load %arg1[%get3A_566, %get3A_567, %get3A_568] : memref<50x512x128xf32, #tpu.memory_space<vmem>>, vector<1x512x128xf32>
    %get3A_570 = vector.shape_cast %get3A_569 : vector<1x512x128xf32> to vector<512x128xf32>
    %get3A_571 = arith.constant 0 : index
    %get3A_572 = arith.constant 9 : index
    %get3A_573 = vector.load %arg2[%get3A_571, %get3A_572] : memref<512x50xi32, #tpu.memory_space<vmem>>, vector<512x1xi32>
    %ne3A_574 = arith.constant 0 : i32
    %ne3A_575 = vector.broadcast %ne3A_574 : i32 to vector<512x1xi32>
    %ne3A_576 = arith.cmpi ne, %get3A_573, %ne3A_575 : vector<512x1xi32>
    %slice3A_577 = vector.extract_strided_slice %get3A_570 {offsets = [0, 64], sizes = [512, 64], strides = [1, 1]} : vector<512x128xf32> to vector<512x64xf32>
    %slice3A_578 = vector.extract_strided_slice %get3A_570 {offsets = [0, 0], sizes = [512, 64], strides = [1, 1]} : vector<512x128xf32> to vector<512x64xf32>
    %broadcast_in_dim3A_579 = vector.shape_cast %ne3A_576 : vector<512x1xi1> to vector<512x1xi1>
    %broadcast_in_dim3A_580 = vector.broadcast %broadcast_in_dim3A_579 : vector<512x1xi1> to vector<512x64xi1>
    %select_n3A_581 = arith.select %broadcast_in_dim3A_580, %slice3A_577, %slice3A_578 : vector<512x64xi1>, vector<512x64xf32>
    %convert_element_type3A_582 = arith.truncf %select_n3A_581 : vector<512x64xf32> to vector<512x64xbf16>
    %convert_element_type3A_583 = arith.truncf %mul3A_565 : vector<512x128xf32> to vector<512x128xbf16>
    %concatenate3A_584 = tpu.concatenate %convert_element_type3A_582, %convert_element_type3A_583 in 1 : vector<512x64xbf16>, vector<512x128xbf16> -> vector<512x192xbf16>
    %dot_general3A_585 = arith.constant dense<0.000000e+00> : vector<512x512xf32>
    %dot_general3A_586 = tpu.matmul %concatenate3A_584, %get3A_1, %dot_general3A_585 {dimension_numbers = #tpu.dot_dimension_numbers<[1], [0], [0], [1], [0, 0, 1, 1], [], []>, transpose_lhs_hint = false} : vector<512x192xbf16>, vector<192x512xbf16>, vector<512x512xf32> -> vector<512x512xf32>
    %add3A_587 = vector.broadcast %get3A_4 : vector<1x512xf32> to vector<512x512xf32>
    %add3A_588 = arith.addf %dot_general3A_586, %add3A_587 : vector<512x512xf32>
    %slice3A_589 = vector.extract_strided_slice %add3A_588 {offsets = [0, 0], sizes = [512, 128], strides = [1, 1]} : vector<512x512xf32> to vector<512x128xf32>
    %mul3A_590 = arith.constant 5.000000e-01 : f32
    %mul3A_591 = vector.broadcast %mul3A_590 : f32 to vector<512x128xf32>
    %mul3A_592 = arith.mulf %mul3A_591, %slice3A_589 : vector<512x128xf32>
    %tanh3A_593 = math.tanh %mul3A_592 : vector<512x128xf32>
    %mul3A_594 = arith.constant 5.000000e-01 : f32
    %mul3A_595 = vector.broadcast %mul3A_594 : f32 to vector<512x128xf32>
    %mul3A_596 = arith.mulf %mul3A_595, %tanh3A_593 : vector<512x128xf32>
    %add3A_597 = arith.constant 5.000000e-01 : f32
    %add3A_598 = vector.broadcast %add3A_597 : f32 to vector<512x128xf32>
    %add3A_599 = arith.addf %mul3A_596, %add3A_598 : vector<512x128xf32>
    %slice3A_600 = vector.extract_strided_slice %add3A_588 {offsets = [0, 128], sizes = [512, 128], strides = [1, 1]} : vector<512x512xf32> to vector<512x128xf32>
    %mul3A_601 = arith.constant 5.000000e-01 : f32
    %mul3A_602 = vector.broadcast %mul3A_601 : f32 to vector<512x128xf32>
    %mul3A_603 = arith.mulf %mul3A_602, %slice3A_600 : vector<512x128xf32>
    %tanh3A_604 = math.tanh %mul3A_603 : vector<512x128xf32>
    %mul3A_605 = arith.constant 5.000000e-01 : f32
    %mul3A_606 = vector.broadcast %mul3A_605 : f32 to vector<512x128xf32>
    %mul3A_607 = arith.mulf %mul3A_606, %tanh3A_604 : vector<512x128xf32>
    %add3A_608 = arith.constant 5.000000e-01 : f32
    %add3A_609 = vector.broadcast %add3A_608 : f32 to vector<512x128xf32>
    %add3A_610 = arith.addf %mul3A_607, %add3A_609 : vector<512x128xf32>
    %slice3A_611 = vector.extract_strided_slice %add3A_588 {offsets = [0, 256], sizes = [512, 128], strides = [1, 1]} : vector<512x512xf32> to vector<512x128xf32>
    %tanh3A_612 = math.tanh %slice3A_611 : vector<512x128xf32>
    %slice3A_613 = vector.extract_strided_slice %add3A_588 {offsets = [0, 384], sizes = [512, 128], strides = [1, 1]} : vector<512x512xf32> to vector<512x128xf32>
    %mul3A_614 = arith.constant 5.000000e-01 : f32
    %mul3A_615 = vector.broadcast %mul3A_614 : f32 to vector<512x128xf32>
    %mul3A_616 = arith.mulf %mul3A_615, %slice3A_613 : vector<512x128xf32>
    %tanh3A_617 = math.tanh %mul3A_616 : vector<512x128xf32>
    %mul3A_618 = arith.constant 5.000000e-01 : f32
    %mul3A_619 = vector.broadcast %mul3A_618 : f32 to vector<512x128xf32>
    %mul3A_620 = arith.mulf %mul3A_619, %tanh3A_617 : vector<512x128xf32>
    %add3A_621 = arith.constant 5.000000e-01 : f32
    %add3A_622 = vector.broadcast %add3A_621 : f32 to vector<512x128xf32>
    %add3A_623 = arith.addf %mul3A_620, %add3A_622 : vector<512x128xf32>
    %mul3A_624 = arith.mulf %add3A_610, %add3A_563 : vector<512x128xf32>
    %mul3A_625 = arith.mulf %add3A_599, %tanh3A_612 : vector<512x128xf32>
    %add3A_626 = arith.addf %mul3A_624, %mul3A_625 : vector<512x128xf32>
    %tanh3A_627 = math.tanh %add3A_626 : vector<512x128xf32>
    %mul3A_628 = arith.mulf %add3A_623, %tanh3A_627 : vector<512x128xf32>
    %get3A_629 = arith.constant 10 : index
    %get3A_630 = arith.constant 0 : index
    %get3A_631 = arith.constant 0 : index
    %get3A_632 = vector.load %arg1[%get3A_629, %get3A_630, %get3A_631] : memref<50x512x128xf32, #tpu.memory_space<vmem>>, vector<1x512x128xf32>
    %get3A_633 = vector.shape_cast %get3A_632 : vector<1x512x128xf32> to vector<512x128xf32>
    %get3A_634 = arith.constant 0 : index
    %get3A_635 = arith.constant 10 : index
    %get3A_636 = vector.load %arg2[%get3A_634, %get3A_635] : memref<512x50xi32, #tpu.memory_space<vmem>>, vector<512x1xi32>
    %ne3A_637 = arith.constant 0 : i32
    %ne3A_638 = vector.broadcast %ne3A_637 : i32 to vector<512x1xi32>
    %ne3A_639 = arith.cmpi ne, %get3A_636, %ne3A_638 : vector<512x1xi32>
    %slice3A_640 = vector.extract_strided_slice %get3A_633 {offsets = [0, 64], sizes = [512, 64], strides = [1, 1]} : vector<512x128xf32> to vector<512x64xf32>
    %slice3A_641 = vector.extract_strided_slice %get3A_633 {offsets = [0, 0], sizes = [512, 64], strides = [1, 1]} : vector<512x128xf32> to vector<512x64xf32>
    %broadcast_in_dim3A_642 = vector.shape_cast %ne3A_639 : vector<512x1xi1> to vector<512x1xi1>
    %broadcast_in_dim3A_643 = vector.broadcast %broadcast_in_dim3A_642 : vector<512x1xi1> to vector<512x64xi1>
    %select_n3A_644 = arith.select %broadcast_in_dim3A_643, %slice3A_640, %slice3A_641 : vector<512x64xi1>, vector<512x64xf32>
    %convert_element_type3A_645 = arith.truncf %select_n3A_644 : vector<512x64xf32> to vector<512x64xbf16>
    %convert_element_type3A_646 = arith.truncf %mul3A_628 : vector<512x128xf32> to vector<512x128xbf16>
    %concatenate3A_647 = tpu.concatenate %convert_element_type3A_645, %convert_element_type3A_646 in 1 : vector<512x64xbf16>, vector<512x128xbf16> -> vector<512x192xbf16>
    %dot_general3A_648 = arith.constant dense<0.000000e+00> : vector<512x512xf32>
    %dot_general3A_649 = tpu.matmul %concatenate3A_647, %get3A_1, %dot_general3A_648 {dimension_numbers = #tpu.dot_dimension_numbers<[1], [0], [0], [1], [0, 0, 1, 1], [], []>, transpose_lhs_hint = false} : vector<512x192xbf16>, vector<192x512xbf16>, vector<512x512xf32> -> vector<512x512xf32>
    %add3A_650 = vector.broadcast %get3A_4 : vector<1x512xf32> to vector<512x512xf32>
    %add3A_651 = arith.addf %dot_general3A_649, %add3A_650 : vector<512x512xf32>
    %slice3A_652 = vector.extract_strided_slice %add3A_651 {offsets = [0, 0], sizes = [512, 128], strides = [1, 1]} : vector<512x512xf32> to vector<512x128xf32>
    %mul3A_653 = arith.constant 5.000000e-01 : f32
    %mul3A_654 = vector.broadcast %mul3A_653 : f32 to vector<512x128xf32>
    %mul3A_655 = arith.mulf %mul3A_654, %slice3A_652 : vector<512x128xf32>
    %tanh3A_656 = math.tanh %mul3A_655 : vector<512x128xf32>
    %mul3A_657 = arith.constant 5.000000e-01 : f32
    %mul3A_658 = vector.broadcast %mul3A_657 : f32 to vector<512x128xf32>
    %mul3A_659 = arith.mulf %mul3A_658, %tanh3A_656 : vector<512x128xf32>
    %add3A_660 = arith.constant 5.000000e-01 : f32
    %add3A_661 = vector.broadcast %add3A_660 : f32 to vector<512x128xf32>
    %add3A_662 = arith.addf %mul3A_659, %add3A_661 : vector<512x128xf32>
    %slice3A_663 = vector.extract_strided_slice %add3A_651 {offsets = [0, 128], sizes = [512, 128], strides = [1, 1]} : vector<512x512xf32> to vector<512x128xf32>
    %mul3A_664 = arith.constant 5.000000e-01 : f32
    %mul3A_665 = vector.broadcast %mul3A_664 : f32 to vector<512x128xf32>
    %mul3A_666 = arith.mulf %mul3A_665, %slice3A_663 : vector<512x128xf32>
    %tanh3A_667 = math.tanh %mul3A_666 : vector<512x128xf32>
    %mul3A_668 = arith.constant 5.000000e-01 : f32
    %mul3A_669 = vector.broadcast %mul3A_668 : f32 to vector<512x128xf32>
    %mul3A_670 = arith.mulf %mul3A_669, %tanh3A_667 : vector<512x128xf32>
    %add3A_671 = arith.constant 5.000000e-01 : f32
    %add3A_672 = vector.broadcast %add3A_671 : f32 to vector<512x128xf32>
    %add3A_673 = arith.addf %mul3A_670, %add3A_672 : vector<512x128xf32>
    %slice3A_674 = vector.extract_strided_slice %add3A_651 {offsets = [0, 256], sizes = [512, 128], strides = [1, 1]} : vector<512x512xf32> to vector<512x128xf32>
    %tanh3A_675 = math.tanh %slice3A_674 : vector<512x128xf32>
    %slice3A_676 = vector.extract_strided_slice %add3A_651 {offsets = [0, 384], sizes = [512, 128], strides = [1, 1]} : vector<512x512xf32> to vector<512x128xf32>
    %mul3A_677 = arith.constant 5.000000e-01 : f32
    %mul3A_678 = vector.broadcast %mul3A_677 : f32 to vector<512x128xf32>
    %mul3A_679 = arith.mulf %mul3A_678, %slice3A_676 : vector<512x128xf32>
    %tanh3A_680 = math.tanh %mul3A_679 : vector<512x128xf32>
    %mul3A_681 = arith.constant 5.000000e-01 : f32
    %mul3A_682 = vector.broadcast %mul3A_681 : f32 to vector<512x128xf32>
    %mul3A_683 = arith.mulf %mul3A_682, %tanh3A_680 : vector<512x128xf32>
    %add3A_684 = arith.constant 5.000000e-01 : f32
    %add3A_685 = vector.broadcast %add3A_684 : f32 to vector<512x128xf32>
    %add3A_686 = arith.addf %mul3A_683, %add3A_685 : vector<512x128xf32>
    %mul3A_687 = arith.mulf %add3A_673, %add3A_626 : vector<512x128xf32>
    %mul3A_688 = arith.mulf %add3A_662, %tanh3A_675 : vector<512x128xf32>
    %add3A_689 = arith.addf %mul3A_687, %mul3A_688 : vector<512x128xf32>
    %tanh3A_690 = math.tanh %add3A_689 : vector<512x128xf32>
    %mul3A_691 = arith.mulf %add3A_686, %tanh3A_690 : vector<512x128xf32>
    %get3A_692 = arith.constant 11 : index
    %get3A_693 = arith.constant 0 : index
    %get3A_694 = arith.constant 0 : index
    %get3A_695 = vector.load %arg1[%get3A_692, %get3A_693, %get3A_694] : memref<50x512x128xf32, #tpu.memory_space<vmem>>, vector<1x512x128xf32>
    %get3A_696 = vector.shape_cast %get3A_695 : vector<1x512x128xf32> to vector<512x128xf32>
    %get3A_697 = arith.constant 0 : index
    %get3A_698 = arith.constant 11 : index
    %get3A_699 = vector.load %arg2[%get3A_697, %get3A_698] : memref<512x50xi32, #tpu.memory_space<vmem>>, vector<512x1xi32>
    %ne3A_700 = arith.constant 0 : i32
    %ne3A_701 = vector.broadcast %ne3A_700 : i32 to vector<512x1xi32>
    %ne3A_702 = arith.cmpi ne, %get3A_699, %ne3A_701 : vector<512x1xi32>
    %slice3A_703 = vector.extract_strided_slice %get3A_696 {offsets = [0, 64], sizes = [512, 64], strides = [1, 1]} : vector<512x128xf32> to vector<512x64xf32>
    %slice3A_704 = vector.extract_strided_slice %get3A_696 {offsets = [0, 0], sizes = [512, 64], strides = [1, 1]} : vector<512x128xf32> to vector<512x64xf32>
    %broadcast_in_dim3A_705 = vector.shape_cast %ne3A_702 : vector<512x1xi1> to vector<512x1xi1>
    %broadcast_in_dim3A_706 = vector.broadcast %broadcast_in_dim3A_705 : vector<512x1xi1> to vector<512x64xi1>
    %select_n3A_707 = arith.select %broadcast_in_dim3A_706, %slice3A_703, %slice3A_704 : vector<512x64xi1>, vector<512x64xf32>
    %convert_element_type3A_708 = arith.truncf %select_n3A_707 : vector<512x64xf32> to vector<512x64xbf16>
    %convert_element_type3A_709 = arith.truncf %mul3A_691 : vector<512x128xf32> to vector<512x128xbf16>
    %concatenate3A_710 = tpu.concatenate %convert_element_type3A_708, %convert_element_type3A_709 in 1 : vector<512x64xbf16>, vector<512x128xbf16> -> vector<512x192xbf16>
    %dot_general3A_711 = arith.constant dense<0.000000e+00> : vector<512x512xf32>
    %dot_general3A_712 = tpu.matmul %concatenate3A_710, %get3A_1, %dot_general3A_711 {dimension_numbers = #tpu.dot_dimension_numbers<[1], [0], [0], [1], [0, 0, 1, 1], [], []>, transpose_lhs_hint = false} : vector<512x192xbf16>, vector<192x512xbf16>, vector<512x512xf32> -> vector<512x512xf32>
    %add3A_713 = vector.broadcast %get3A_4 : vector<1x512xf32> to vector<512x512xf32>
    %add3A_714 = arith.addf %dot_general3A_712, %add3A_713 : vector<512x512xf32>
    %slice3A_715 = vector.extract_strided_slice %add3A_714 {offsets = [0, 0], sizes = [512, 128], strides = [1, 1]} : vector<512x512xf32> to vector<512x128xf32>
    %mul3A_716 = arith.constant 5.000000e-01 : f32
    %mul3A_717 = vector.broadcast %mul3A_716 : f32 to vector<512x128xf32>
    %mul3A_718 = arith.mulf %mul3A_717, %slice3A_715 : vector<512x128xf32>
    %tanh3A_719 = math.tanh %mul3A_718 : vector<512x128xf32>
    %mul3A_720 = arith.constant 5.000000e-01 : f32
    %mul3A_721 = vector.broadcast %mul3A_720 : f32 to vector<512x128xf32>
    %mul3A_722 = arith.mulf %mul3A_721, %tanh3A_719 : vector<512x128xf32>
    %add3A_723 = arith.constant 5.000000e-01 : f32
    %add3A_724 = vector.broadcast %add3A_723 : f32 to vector<512x128xf32>
    %add3A_725 = arith.addf %mul3A_722, %add3A_724 : vector<512x128xf32>
    %slice3A_726 = vector.extract_strided_slice %add3A_714 {offsets = [0, 128], sizes = [512, 128], strides = [1, 1]} : vector<512x512xf32> to vector<512x128xf32>
    %mul3A_727 = arith.constant 5.000000e-01 : f32
    %mul3A_728 = vector.broadcast %mul3A_727 : f32 to vector<512x128xf32>
    %mul3A_729 = arith.mulf %mul3A_728, %slice3A_726 : vector<512x128xf32>
    %tanh3A_730 = math.tanh %mul3A_729 : vector<512x128xf32>
    %mul3A_731 = arith.constant 5.000000e-01 : f32
    %mul3A_732 = vector.broadcast %mul3A_731 : f32 to vector<512x128xf32>
    %mul3A_733 = arith.mulf %mul3A_732, %tanh3A_730 : vector<512x128xf32>
    %add3A_734 = arith.constant 5.000000e-01 : f32
    %add3A_735 = vector.broadcast %add3A_734 : f32 to vector<512x128xf32>
    %add3A_736 = arith.addf %mul3A_733, %add3A_735 : vector<512x128xf32>
    %slice3A_737 = vector.extract_strided_slice %add3A_714 {offsets = [0, 256], sizes = [512, 128], strides = [1, 1]} : vector<512x512xf32> to vector<512x128xf32>
    %tanh3A_738 = math.tanh %slice3A_737 : vector<512x128xf32>
    %slice3A_739 = vector.extract_strided_slice %add3A_714 {offsets = [0, 384], sizes = [512, 128], strides = [1, 1]} : vector<512x512xf32> to vector<512x128xf32>
    %mul3A_740 = arith.constant 5.000000e-01 : f32
    %mul3A_741 = vector.broadcast %mul3A_740 : f32 to vector<512x128xf32>
    %mul3A_742 = arith.mulf %mul3A_741, %slice3A_739 : vector<512x128xf32>
    %tanh3A_743 = math.tanh %mul3A_742 : vector<512x128xf32>
    %mul3A_744 = arith.constant 5.000000e-01 : f32
    %mul3A_745 = vector.broadcast %mul3A_744 : f32 to vector<512x128xf32>
    %mul3A_746 = arith.mulf %mul3A_745, %tanh3A_743 : vector<512x128xf32>
    %add3A_747 = arith.constant 5.000000e-01 : f32
    %add3A_748 = vector.broadcast %add3A_747 : f32 to vector<512x128xf32>
    %add3A_749 = arith.addf %mul3A_746, %add3A_748 : vector<512x128xf32>
    %mul3A_750 = arith.mulf %add3A_736, %add3A_689 : vector<512x128xf32>
    %mul3A_751 = arith.mulf %add3A_725, %tanh3A_738 : vector<512x128xf32>
    %add3A_752 = arith.addf %mul3A_750, %mul3A_751 : vector<512x128xf32>
    %tanh3A_753 = math.tanh %add3A_752 : vector<512x128xf32>
    %mul3A_754 = arith.mulf %add3A_749, %tanh3A_753 : vector<512x128xf32>
    %get3A_755 = arith.constant 12 : index
    %get3A_756 = arith.constant 0 : index
    %get3A_757 = arith.constant 0 : index
    %get3A_758 = vector.load %arg1[%get3A_755, %get3A_756, %get3A_757] : memref<50x512x128xf32, #tpu.memory_space<vmem>>, vector<1x512x128xf32>
    %get3A_759 = vector.shape_cast %get3A_758 : vector<1x512x128xf32> to vector<512x128xf32>
    %get3A_760 = arith.constant 0 : index
    %get3A_761 = arith.constant 12 : index
    %get3A_762 = vector.load %arg2[%get3A_760, %get3A_761] : memref<512x50xi32, #tpu.memory_space<vmem>>, vector<512x1xi32>
    %ne3A_763 = arith.constant 0 : i32
    %ne3A_764 = vector.broadcast %ne3A_763 : i32 to vector<512x1xi32>
    %ne3A_765 = arith.cmpi ne, %get3A_762, %ne3A_764 : vector<512x1xi32>
    %slice3A_766 = vector.extract_strided_slice %get3A_759 {offsets = [0, 64], sizes = [512, 64], strides = [1, 1]} : vector<512x128xf32> to vector<512x64xf32>
    %slice3A_767 = vector.extract_strided_slice %get3A_759 {offsets = [0, 0], sizes = [512, 64], strides = [1, 1]} : vector<512x128xf32> to vector<512x64xf32>
    %broadcast_in_dim3A_768 = vector.shape_cast %ne3A_765 : vector<512x1xi1> to vector<512x1xi1>
    %broadcast_in_dim3A_769 = vector.broadcast %broadcast_in_dim3A_768 : vector<512x1xi1> to vector<512x64xi1>
    %select_n3A_770 = arith.select %broadcast_in_dim3A_769, %slice3A_766, %slice3A_767 : vector<512x64xi1>, vector<512x64xf32>
    %convert_element_type3A_771 = arith.truncf %select_n3A_770 : vector<512x64xf32> to vector<512x64xbf16>
    %convert_element_type3A_772 = arith.truncf %mul3A_754 : vector<512x128xf32> to vector<512x128xbf16>
    %concatenate3A_773 = tpu.concatenate %convert_element_type3A_771, %convert_element_type3A_772 in 1 : vector<512x64xbf16>, vector<512x128xbf16> -> vector<512x192xbf16>
    %dot_general3A_774 = arith.constant dense<0.000000e+00> : vector<512x512xf32>
    %dot_general3A_775 = tpu.matmul %concatenate3A_773, %get3A_1, %dot_general3A_774 {dimension_numbers = #tpu.dot_dimension_numbers<[1], [0], [0], [1], [0, 0, 1, 1], [], []>, transpose_lhs_hint = false} : vector<512x192xbf16>, vector<192x512xbf16>, vector<512x512xf32> -> vector<512x512xf32>
    %add3A_776 = vector.broadcast %get3A_4 : vector<1x512xf32> to vector<512x512xf32>
    %add3A_777 = arith.addf %dot_general3A_775, %add3A_776 : vector<512x512xf32>
    %slice3A_778 = vector.extract_strided_slice %add3A_777 {offsets = [0, 0], sizes = [512, 128], strides = [1, 1]} : vector<512x512xf32> to vector<512x128xf32>
    %mul3A_779 = arith.constant 5.000000e-01 : f32
    %mul3A_780 = vector.broadcast %mul3A_779 : f32 to vector<512x128xf32>
    %mul3A_781 = arith.mulf %mul3A_780, %slice3A_778 : vector<512x128xf32>
    %tanh3A_782 = math.tanh %mul3A_781 : vector<512x128xf32>
    %mul3A_783 = arith.constant 5.000000e-01 : f32
    %mul3A_784 = vector.broadcast %mul3A_783 : f32 to vector<512x128xf32>
    %mul3A_785 = arith.mulf %mul3A_784, %tanh3A_782 : vector<512x128xf32>
    %add3A_786 = arith.constant 5.000000e-01 : f32
    %add3A_787 = vector.broadcast %add3A_786 : f32 to vector<512x128xf32>
    %add3A_788 = arith.addf %mul3A_785, %add3A_787 : vector<512x128xf32>
    %slice3A_789 = vector.extract_strided_slice %add3A_777 {offsets = [0, 128], sizes = [512, 128], strides = [1, 1]} : vector<512x512xf32> to vector<512x128xf32>
    %mul3A_790 = arith.constant 5.000000e-01 : f32
    %mul3A_791 = vector.broadcast %mul3A_790 : f32 to vector<512x128xf32>
    %mul3A_792 = arith.mulf %mul3A_791, %slice3A_789 : vector<512x128xf32>
    %tanh3A_793 = math.tanh %mul3A_792 : vector<512x128xf32>
    %mul3A_794 = arith.constant 5.000000e-01 : f32
    %mul3A_795 = vector.broadcast %mul3A_794 : f32 to vector<512x128xf32>
    %mul3A_796 = arith.mulf %mul3A_795, %tanh3A_793 : vector<512x128xf32>
    %add3A_797 = arith.constant 5.000000e-01 : f32
    %add3A_798 = vector.broadcast %add3A_797 : f32 to vector<512x128xf32>
    %add3A_799 = arith.addf %mul3A_796, %add3A_798 : vector<512x128xf32>
    %slice3A_800 = vector.extract_strided_slice %add3A_777 {offsets = [0, 256], sizes = [512, 128], strides = [1, 1]} : vector<512x512xf32> to vector<512x128xf32>
    %tanh3A_801 = math.tanh %slice3A_800 : vector<512x128xf32>
    %slice3A_802 = vector.extract_strided_slice %add3A_777 {offsets = [0, 384], sizes = [512, 128], strides = [1, 1]} : vector<512x512xf32> to vector<512x128xf32>
    %mul3A_803 = arith.constant 5.000000e-01 : f32
    %mul3A_804 = vector.broadcast %mul3A_803 : f32 to vector<512x128xf32>
    %mul3A_805 = arith.mulf %mul3A_804, %slice3A_802 : vector<512x128xf32>
    %tanh3A_806 = math.tanh %mul3A_805 : vector<512x128xf32>
    %mul3A_807 = arith.constant 5.000000e-01 : f32
    %mul3A_808 = vector.broadcast %mul3A_807 : f32 to vector<512x128xf32>
    %mul3A_809 = arith.mulf %mul3A_808, %tanh3A_806 : vector<512x128xf32>
    %add3A_810 = arith.constant 5.000000e-01 : f32
    %add3A_811 = vector.broadcast %add3A_810 : f32 to vector<512x128xf32>
    %add3A_812 = arith.addf %mul3A_809, %add3A_811 : vector<512x128xf32>
    %mul3A_813 = arith.mulf %add3A_799, %add3A_752 : vector<512x128xf32>
    %mul3A_814 = arith.mulf %add3A_788, %tanh3A_801 : vector<512x128xf32>
    %add3A_815 = arith.addf %mul3A_813, %mul3A_814 : vector<512x128xf32>
    %tanh3A_816 = math.tanh %add3A_815 : vector<512x128xf32>
    %mul3A_817 = arith.mulf %add3A_812, %tanh3A_816 : vector<512x128xf32>
    %get3A_818 = arith.constant 13 : index
    %get3A_819 = arith.constant 0 : index
    %get3A_820 = arith.constant 0 : index
    %get3A_821 = vector.load %arg1[%get3A_818, %get3A_819, %get3A_820] : memref<50x512x128xf32, #tpu.memory_space<vmem>>, vector<1x512x128xf32>
    %get3A_822 = vector.shape_cast %get3A_821 : vector<1x512x128xf32> to vector<512x128xf32>
    %get3A_823 = arith.constant 0 : index
    %get3A_824 = arith.constant 13 : index
    %get3A_825 = vector.load %arg2[%get3A_823, %get3A_824] : memref<512x50xi32, #tpu.memory_space<vmem>>, vector<512x1xi32>
    %ne3A_826 = arith.constant 0 : i32
    %ne3A_827 = vector.broadcast %ne3A_826 : i32 to vector<512x1xi32>
    %ne3A_828 = arith.cmpi ne, %get3A_825, %ne3A_827 : vector<512x1xi32>
    %slice3A_829 = vector.extract_strided_slice %get3A_822 {offsets = [0, 64], sizes = [512, 64], strides = [1, 1]} : vector<512x128xf32> to vector<512x64xf32>
    %slice3A_830 = vector.extract_strided_slice %get3A_822 {offsets = [0, 0], sizes = [512, 64], strides = [1, 1]} : vector<512x128xf32> to vector<512x64xf32>
    %broadcast_in_dim3A_831 = vector.shape_cast %ne3A_828 : vector<512x1xi1> to vector<512x1xi1>
    %broadcast_in_dim3A_832 = vector.broadcast %broadcast_in_dim3A_831 : vector<512x1xi1> to vector<512x64xi1>
    %select_n3A_833 = arith.select %broadcast_in_dim3A_832, %slice3A_829, %slice3A_830 : vector<512x64xi1>, vector<512x64xf32>
    %convert_element_type3A_834 = arith.truncf %select_n3A_833 : vector<512x64xf32> to vector<512x64xbf16>
    %convert_element_type3A_835 = arith.truncf %mul3A_817 : vector<512x128xf32> to vector<512x128xbf16>
    %concatenate3A_836 = tpu.concatenate %convert_element_type3A_834, %convert_element_type3A_835 in 1 : vector<512x64xbf16>, vector<512x128xbf16> -> vector<512x192xbf16>
    %dot_general3A_837 = arith.constant dense<0.000000e+00> : vector<512x512xf32>
    %dot_general3A_838 = tpu.matmul %concatenate3A_836, %get3A_1, %dot_general3A_837 {dimension_numbers = #tpu.dot_dimension_numbers<[1], [0], [0], [1], [0, 0, 1, 1], [], []>, transpose_lhs_hint = false} : vector<512x192xbf16>, vector<192x512xbf16>, vector<512x512xf32> -> vector<512x512xf32>
    %add3A_839 = vector.broadcast %get3A_4 : vector<1x512xf32> to vector<512x512xf32>
    %add3A_840 = arith.addf %dot_general3A_838, %add3A_839 : vector<512x512xf32>
    %slice3A_841 = vector.extract_strided_slice %add3A_840 {offsets = [0, 0], sizes = [512, 128], strides = [1, 1]} : vector<512x512xf32> to vector<512x128xf32>
    %mul3A_842 = arith.constant 5.000000e-01 : f32
    %mul3A_843 = vector.broadcast %mul3A_842 : f32 to vector<512x128xf32>
    %mul3A_844 = arith.mulf %mul3A_843, %slice3A_841 : vector<512x128xf32>
    %tanh3A_845 = math.tanh %mul3A_844 : vector<512x128xf32>
    %mul3A_846 = arith.constant 5.000000e-01 : f32
    %mul3A_847 = vector.broadcast %mul3A_846 : f32 to vector<512x128xf32>
    %mul3A_848 = arith.mulf %mul3A_847, %tanh3A_845 : vector<512x128xf32>
    %add3A_849 = arith.constant 5.000000e-01 : f32
    %add3A_850 = vector.broadcast %add3A_849 : f32 to vector<512x128xf32>
    %add3A_851 = arith.addf %mul3A_848, %add3A_850 : vector<512x128xf32>
    %slice3A_852 = vector.extract_strided_slice %add3A_840 {offsets = [0, 128], sizes = [512, 128], strides = [1, 1]} : vector<512x512xf32> to vector<512x128xf32>
    %mul3A_853 = arith.constant 5.000000e-01 : f32
    %mul3A_854 = vector.broadcast %mul3A_853 : f32 to vector<512x128xf32>
    %mul3A_855 = arith.mulf %mul3A_854, %slice3A_852 : vector<512x128xf32>
    %tanh3A_856 = math.tanh %mul3A_855 : vector<512x128xf32>
    %mul3A_857 = arith.constant 5.000000e-01 : f32
    %mul3A_858 = vector.broadcast %mul3A_857 : f32 to vector<512x128xf32>
    %mul3A_859 = arith.mulf %mul3A_858, %tanh3A_856 : vector<512x128xf32>
    %add3A_860 = arith.constant 5.000000e-01 : f32
    %add3A_861 = vector.broadcast %add3A_860 : f32 to vector<512x128xf32>
    %add3A_862 = arith.addf %mul3A_859, %add3A_861 : vector<512x128xf32>
    %slice3A_863 = vector.extract_strided_slice %add3A_840 {offsets = [0, 256], sizes = [512, 128], strides = [1, 1]} : vector<512x512xf32> to vector<512x128xf32>
    %tanh3A_864 = math.tanh %slice3A_863 : vector<512x128xf32>
    %slice3A_865 = vector.extract_strided_slice %add3A_840 {offsets = [0, 384], sizes = [512, 128], strides = [1, 1]} : vector<512x512xf32> to vector<512x128xf32>
    %mul3A_866 = arith.constant 5.000000e-01 : f32
    %mul3A_867 = vector.broadcast %mul3A_866 : f32 to vector<512x128xf32>
    %mul3A_868 = arith.mulf %mul3A_867, %slice3A_865 : vector<512x128xf32>
    %tanh3A_869 = math.tanh %mul3A_868 : vector<512x128xf32>
    %mul3A_870 = arith.constant 5.000000e-01 : f32
    %mul3A_871 = vector.broadcast %mul3A_870 : f32 to vector<512x128xf32>
    %mul3A_872 = arith.mulf %mul3A_871, %tanh3A_869 : vector<512x128xf32>
    %add3A_873 = arith.constant 5.000000e-01 : f32
    %add3A_874 = vector.broadcast %add3A_873 : f32 to vector<512x128xf32>
    %add3A_875 = arith.addf %mul3A_872, %add3A_874 : vector<512x128xf32>
    %mul3A_876 = arith.mulf %add3A_862, %add3A_815 : vector<512x128xf32>
    %mul3A_877 = arith.mulf %add3A_851, %tanh3A_864 : vector<512x128xf32>
    %add3A_878 = arith.addf %mul3A_876, %mul3A_877 : vector<512x128xf32>
    %tanh3A_879 = math.tanh %add3A_878 : vector<512x128xf32>
    %mul3A_880 = arith.mulf %add3A_875, %tanh3A_879 : vector<512x128xf32>
    %get3A_881 = arith.constant 14 : index
    %get3A_882 = arith.constant 0 : index
    %get3A_883 = arith.constant 0 : index
    %get3A_884 = vector.load %arg1[%get3A_881, %get3A_882, %get3A_883] : memref<50x512x128xf32, #tpu.memory_space<vmem>>, vector<1x512x128xf32>
    %get3A_885 = vector.shape_cast %get3A_884 : vector<1x512x128xf32> to vector<512x128xf32>
    %get3A_886 = arith.constant 0 : index
    %get3A_887 = arith.constant 14 : index
    %get3A_888 = vector.load %arg2[%get3A_886, %get3A_887] : memref<512x50xi32, #tpu.memory_space<vmem>>, vector<512x1xi32>
    %ne3A_889 = arith.constant 0 : i32
    %ne3A_890 = vector.broadcast %ne3A_889 : i32 to vector<512x1xi32>
    %ne3A_891 = arith.cmpi ne, %get3A_888, %ne3A_890 : vector<512x1xi32>
    %slice3A_892 = vector.extract_strided_slice %get3A_885 {offsets = [0, 64], sizes = [512, 64], strides = [1, 1]} : vector<512x128xf32> to vector<512x64xf32>
    %slice3A_893 = vector.extract_strided_slice %get3A_885 {offsets = [0, 0], sizes = [512, 64], strides = [1, 1]} : vector<512x128xf32> to vector<512x64xf32>
    %broadcast_in_dim3A_894 = vector.shape_cast %ne3A_891 : vector<512x1xi1> to vector<512x1xi1>
    %broadcast_in_dim3A_895 = vector.broadcast %broadcast_in_dim3A_894 : vector<512x1xi1> to vector<512x64xi1>
    %select_n3A_896 = arith.select %broadcast_in_dim3A_895, %slice3A_892, %slice3A_893 : vector<512x64xi1>, vector<512x64xf32>
    %convert_element_type3A_897 = arith.truncf %select_n3A_896 : vector<512x64xf32> to vector<512x64xbf16>
    %convert_element_type3A_898 = arith.truncf %mul3A_880 : vector<512x128xf32> to vector<512x128xbf16>
    %concatenate3A_899 = tpu.concatenate %convert_element_type3A_897, %convert_element_type3A_898 in 1 : vector<512x64xbf16>, vector<512x128xbf16> -> vector<512x192xbf16>
    %dot_general3A_900 = arith.constant dense<0.000000e+00> : vector<512x512xf32>
    %dot_general3A_901 = tpu.matmul %concatenate3A_899, %get3A_1, %dot_general3A_900 {dimension_numbers = #tpu.dot_dimension_numbers<[1], [0], [0], [1], [0, 0, 1, 1], [], []>, transpose_lhs_hint = false} : vector<512x192xbf16>, vector<192x512xbf16>, vector<512x512xf32> -> vector<512x512xf32>
    %add3A_902 = vector.broadcast %get3A_4 : vector<1x512xf32> to vector<512x512xf32>
    %add3A_903 = arith.addf %dot_general3A_901, %add3A_902 : vector<512x512xf32>
    %slice3A_904 = vector.extract_strided_slice %add3A_903 {offsets = [0, 0], sizes = [512, 128], strides = [1, 1]} : vector<512x512xf32> to vector<512x128xf32>
    %mul3A_905 = arith.constant 5.000000e-01 : f32
    %mul3A_906 = vector.broadcast %mul3A_905 : f32 to vector<512x128xf32>
    %mul3A_907 = arith.mulf %mul3A_906, %slice3A_904 : vector<512x128xf32>
    %tanh3A_908 = math.tanh %mul3A_907 : vector<512x128xf32>
    %mul3A_909 = arith.constant 5.000000e-01 : f32
    %mul3A_910 = vector.broadcast %mul3A_909 : f32 to vector<512x128xf32>
    %mul3A_911 = arith.mulf %mul3A_910, %tanh3A_908 : vector<512x128xf32>
    %add3A_912 = arith.constant 5.000000e-01 : f32
    %add3A_913 = vector.broadcast %add3A_912 : f32 to vector<512x128xf32>
    %add3A_914 = arith.addf %mul3A_911, %add3A_913 : vector<512x128xf32>
    %slice3A_915 = vector.extract_strided_slice %add3A_903 {offsets = [0, 128], sizes = [512, 128], strides = [1, 1]} : vector<512x512xf32> to vector<512x128xf32>
    %mul3A_916 = arith.constant 5.000000e-01 : f32
    %mul3A_917 = vector.broadcast %mul3A_916 : f32 to vector<512x128xf32>
    %mul3A_918 = arith.mulf %mul3A_917, %slice3A_915 : vector<512x128xf32>
    %tanh3A_919 = math.tanh %mul3A_918 : vector<512x128xf32>
    %mul3A_920 = arith.constant 5.000000e-01 : f32
    %mul3A_921 = vector.broadcast %mul3A_920 : f32 to vector<512x128xf32>
    %mul3A_922 = arith.mulf %mul3A_921, %tanh3A_919 : vector<512x128xf32>
    %add3A_923 = arith.constant 5.000000e-01 : f32
    %add3A_924 = vector.broadcast %add3A_923 : f32 to vector<512x128xf32>
    %add3A_925 = arith.addf %mul3A_922, %add3A_924 : vector<512x128xf32>
    %slice3A_926 = vector.extract_strided_slice %add3A_903 {offsets = [0, 256], sizes = [512, 128], strides = [1, 1]} : vector<512x512xf32> to vector<512x128xf32>
    %tanh3A_927 = math.tanh %slice3A_926 : vector<512x128xf32>
    %slice3A_928 = vector.extract_strided_slice %add3A_903 {offsets = [0, 384], sizes = [512, 128], strides = [1, 1]} : vector<512x512xf32> to vector<512x128xf32>
    %mul3A_929 = arith.constant 5.000000e-01 : f32
    %mul3A_930 = vector.broadcast %mul3A_929 : f32 to vector<512x128xf32>
    %mul3A_931 = arith.mulf %mul3A_930, %slice3A_928 : vector<512x128xf32>
    %tanh3A_932 = math.tanh %mul3A_931 : vector<512x128xf32>
    %mul3A_933 = arith.constant 5.000000e-01 : f32
    %mul3A_934 = vector.broadcast %mul3A_933 : f32 to vector<512x128xf32>
    %mul3A_935 = arith.mulf %mul3A_934, %tanh3A_932 : vector<512x128xf32>
    %add3A_936 = arith.constant 5.000000e-01 : f32
    %add3A_937 = vector.broadcast %add3A_936 : f32 to vector<512x128xf32>
    %add3A_938 = arith.addf %mul3A_935, %add3A_937 : vector<512x128xf32>
    %mul3A_939 = arith.mulf %add3A_925, %add3A_878 : vector<512x128xf32>
    %mul3A_940 = arith.mulf %add3A_914, %tanh3A_927 : vector<512x128xf32>
    %add3A_941 = arith.addf %mul3A_939, %mul3A_940 : vector<512x128xf32>
    %tanh3A_942 = math.tanh %add3A_941 : vector<512x128xf32>
    %mul3A_943 = arith.mulf %add3A_938, %tanh3A_942 : vector<512x128xf32>
    %get3A_944 = arith.constant 15 : index
    %get3A_945 = arith.constant 0 : index
    %get3A_946 = arith.constant 0 : index
    %get3A_947 = vector.load %arg1[%get3A_944, %get3A_945, %get3A_946] : memref<50x512x128xf32, #tpu.memory_space<vmem>>, vector<1x512x128xf32>
    %get3A_948 = vector.shape_cast %get3A_947 : vector<1x512x128xf32> to vector<512x128xf32>
    %get3A_949 = arith.constant 0 : index
    %get3A_950 = arith.constant 15 : index
    %get3A_951 = vector.load %arg2[%get3A_949, %get3A_950] : memref<512x50xi32, #tpu.memory_space<vmem>>, vector<512x1xi32>
    %ne3A_952 = arith.constant 0 : i32
    %ne3A_953 = vector.broadcast %ne3A_952 : i32 to vector<512x1xi32>
    %ne3A_954 = arith.cmpi ne, %get3A_951, %ne3A_953 : vector<512x1xi32>
    %slice3A_955 = vector.extract_strided_slice %get3A_948 {offsets = [0, 64], sizes = [512, 64], strides = [1, 1]} : vector<512x128xf32> to vector<512x64xf32>
    %slice3A_956 = vector.extract_strided_slice %get3A_948 {offsets = [0, 0], sizes = [512, 64], strides = [1, 1]} : vector<512x128xf32> to vector<512x64xf32>
    %broadcast_in_dim3A_957 = vector.shape_cast %ne3A_954 : vector<512x1xi1> to vector<512x1xi1>
    %broadcast_in_dim3A_958 = vector.broadcast %broadcast_in_dim3A_957 : vector<512x1xi1> to vector<512x64xi1>
    %select_n3A_959 = arith.select %broadcast_in_dim3A_958, %slice3A_955, %slice3A_956 : vector<512x64xi1>, vector<512x64xf32>
    %convert_element_type3A_960 = arith.truncf %select_n3A_959 : vector<512x64xf32> to vector<512x64xbf16>
    %convert_element_type3A_961 = arith.truncf %mul3A_943 : vector<512x128xf32> to vector<512x128xbf16>
    %concatenate3A_962 = tpu.concatenate %convert_element_type3A_960, %convert_element_type3A_961 in 1 : vector<512x64xbf16>, vector<512x128xbf16> -> vector<512x192xbf16>
    %dot_general3A_963 = arith.constant dense<0.000000e+00> : vector<512x512xf32>
    %dot_general3A_964 = tpu.matmul %concatenate3A_962, %get3A_1, %dot_general3A_963 {dimension_numbers = #tpu.dot_dimension_numbers<[1], [0], [0], [1], [0, 0, 1, 1], [], []>, transpose_lhs_hint = false} : vector<512x192xbf16>, vector<192x512xbf16>, vector<512x512xf32> -> vector<512x512xf32>
    %add3A_965 = vector.broadcast %get3A_4 : vector<1x512xf32> to vector<512x512xf32>
    %add3A_966 = arith.addf %dot_general3A_964, %add3A_965 : vector<512x512xf32>
    %slice3A_967 = vector.extract_strided_slice %add3A_966 {offsets = [0, 0], sizes = [512, 128], strides = [1, 1]} : vector<512x512xf32> to vector<512x128xf32>
    %mul3A_968 = arith.constant 5.000000e-01 : f32
    %mul3A_969 = vector.broadcast %mul3A_968 : f32 to vector<512x128xf32>
    %mul3A_970 = arith.mulf %mul3A_969, %slice3A_967 : vector<512x128xf32>
    %tanh3A_971 = math.tanh %mul3A_970 : vector<512x128xf32>
    %mul3A_972 = arith.constant 5.000000e-01 : f32
    %mul3A_973 = vector.broadcast %mul3A_972 : f32 to vector<512x128xf32>
    %mul3A_974 = arith.mulf %mul3A_973, %tanh3A_971 : vector<512x128xf32>
    %add3A_975 = arith.constant 5.000000e-01 : f32
    %add3A_976 = vector.broadcast %add3A_975 : f32 to vector<512x128xf32>
    %add3A_977 = arith.addf %mul3A_974, %add3A_976 : vector<512x128xf32>
    %slice3A_978 = vector.extract_strided_slice %add3A_966 {offsets = [0, 128], sizes = [512, 128], strides = [1, 1]} : vector<512x512xf32> to vector<512x128xf32>
    %mul3A_979 = arith.constant 5.000000e-01 : f32
    %mul3A_980 = vector.broadcast %mul3A_979 : f32 to vector<512x128xf32>
    %mul3A_981 = arith.mulf %mul3A_980, %slice3A_978 : vector<512x128xf32>
    %tanh3A_982 = math.tanh %mul3A_981 : vector<512x128xf32>
    %mul3A_983 = arith.constant 5.000000e-01 : f32
    %mul3A_984 = vector.broadcast %mul3A_983 : f32 to vector<512x128xf32>
    %mul3A_985 = arith.mulf %mul3A_984, %tanh3A_982 : vector<512x128xf32>
    %add3A_986 = arith.constant 5.000000e-01 : f32
    %add3A_987 = vector.broadcast %add3A_986 : f32 to vector<512x128xf32>
    %add3A_988 = arith.addf %mul3A_985, %add3A_987 : vector<512x128xf32>
    %slice3A_989 = vector.extract_strided_slice %add3A_966 {offsets = [0, 256], sizes = [512, 128], strides = [1, 1]} : vector<512x512xf32> to vector<512x128xf32>
    %tanh3A_990 = math.tanh %slice3A_989 : vector<512x128xf32>
    %slice3A_991 = vector.extract_strided_slice %add3A_966 {offsets = [0, 384], sizes = [512, 128], strides = [1, 1]} : vector<512x512xf32> to vector<512x128xf32>
    %mul3A_992 = arith.constant 5.000000e-01 : f32
    %mul3A_993 = vector.broadcast %mul3A_992 : f32 to vector<512x128xf32>
    %mul3A_994 = arith.mulf %mul3A_993, %slice3A_991 : vector<512x128xf32>
    %tanh3A_995 = math.tanh %mul3A_994 : vector<512x128xf32>
    %mul3A_996 = arith.constant 5.000000e-01 : f32
    %mul3A_997 = vector.broadcast %mul3A_996 : f32 to vector<512x128xf32>
    %mul3A_998 = arith.mulf %mul3A_997, %tanh3A_995 : vector<512x128xf32>
    %add3A_999 = arith.constant 5.000000e-01 : f32
    %add3A_1000 = vector.broadcast %add3A_999 : f32 to vector<512x128xf32>
    %add3A_1001 = arith.addf %mul3A_998, %add3A_1000 : vector<512x128xf32>
    %mul3A_1002 = arith.mulf %add3A_988, %add3A_941 : vector<512x128xf32>
    %mul3A_1003 = arith.mulf %add3A_977, %tanh3A_990 : vector<512x128xf32>
    %add3A_1004 = arith.addf %mul3A_1002, %mul3A_1003 : vector<512x128xf32>
    %tanh3A_1005 = math.tanh %add3A_1004 : vector<512x128xf32>
    %mul3A_1006 = arith.mulf %add3A_1001, %tanh3A_1005 : vector<512x128xf32>
    %get3A_1007 = arith.constant 16 : index
    %get3A_1008 = arith.constant 0 : index
    %get3A_1009 = arith.constant 0 : index
    %get3A_1010 = vector.load %arg1[%get3A_1007, %get3A_1008, %get3A_1009] : memref<50x512x128xf32, #tpu.memory_space<vmem>>, vector<1x512x128xf32>
    %get3A_1011 = vector.shape_cast %get3A_1010 : vector<1x512x128xf32> to vector<512x128xf32>
    %get3A_1012 = arith.constant 0 : index
    %get3A_1013 = arith.constant 16 : index
    %get3A_1014 = vector.load %arg2[%get3A_1012, %get3A_1013] : memref<512x50xi32, #tpu.memory_space<vmem>>, vector<512x1xi32>
    %ne3A_1015 = arith.constant 0 : i32
    %ne3A_1016 = vector.broadcast %ne3A_1015 : i32 to vector<512x1xi32>
    %ne3A_1017 = arith.cmpi ne, %get3A_1014, %ne3A_1016 : vector<512x1xi32>
    %slice3A_1018 = vector.extract_strided_slice %get3A_1011 {offsets = [0, 64], sizes = [512, 64], strides = [1, 1]} : vector<512x128xf32> to vector<512x64xf32>
    %slice3A_1019 = vector.extract_strided_slice %get3A_1011 {offsets = [0, 0], sizes = [512, 64], strides = [1, 1]} : vector<512x128xf32> to vector<512x64xf32>
    %broadcast_in_dim3A_1020 = vector.shape_cast %ne3A_1017 : vector<512x1xi1> to vector<512x1xi1>
    %broadcast_in_dim3A_1021 = vector.broadcast %broadcast_in_dim3A_1020 : vector<512x1xi1> to vector<512x64xi1>
    %select_n3A_1022 = arith.select %broadcast_in_dim3A_1021, %slice3A_1018, %slice3A_1019 : vector<512x64xi1>, vector<512x64xf32>
    %convert_element_type3A_1023 = arith.truncf %select_n3A_1022 : vector<512x64xf32> to vector<512x64xbf16>
    %convert_element_type3A_1024 = arith.truncf %mul3A_1006 : vector<512x128xf32> to vector<512x128xbf16>
    %concatenate3A_1025 = tpu.concatenate %convert_element_type3A_1023, %convert_element_type3A_1024 in 1 : vector<512x64xbf16>, vector<512x128xbf16> -> vector<512x192xbf16>
    %dot_general3A_1026 = arith.constant dense<0.000000e+00> : vector<512x512xf32>
    %dot_general3A_1027 = tpu.matmul %concatenate3A_1025, %get3A_1, %dot_general3A_1026 {dimension_numbers = #tpu.dot_dimension_numbers<[1], [0], [0], [1], [0, 0, 1, 1], [], []>, transpose_lhs_hint = false} : vector<512x192xbf16>, vector<192x512xbf16>, vector<512x512xf32> -> vector<512x512xf32>
    %add3A_1028 = vector.broadcast %get3A_4 : vector<1x512xf32> to vector<512x512xf32>
    %add3A_1029 = arith.addf %dot_general3A_1027, %add3A_1028 : vector<512x512xf32>
    %slice3A_1030 = vector.extract_strided_slice %add3A_1029 {offsets = [0, 0], sizes = [512, 128], strides = [1, 1]} : vector<512x512xf32> to vector<512x128xf32>
    %mul3A_1031 = arith.constant 5.000000e-01 : f32
    %mul3A_1032 = vector.broadcast %mul3A_1031 : f32 to vector<512x128xf32>
    %mul3A_1033 = arith.mulf %mul3A_1032, %slice3A_1030 : vector<512x128xf32>
    %tanh3A_1034 = math.tanh %mul3A_1033 : vector<512x128xf32>
    %mul3A_1035 = arith.constant 5.000000e-01 : f32
    %mul3A_1036 = vector.broadcast %mul3A_1035 : f32 to vector<512x128xf32>
    %mul3A_1037 = arith.mulf %mul3A_1036, %tanh3A_1034 : vector<512x128xf32>
    %add3A_1038 = arith.constant 5.000000e-01 : f32
    %add3A_1039 = vector.broadcast %add3A_1038 : f32 to vector<512x128xf32>
    %add3A_1040 = arith.addf %mul3A_1037, %add3A_1039 : vector<512x128xf32>
    %slice3A_1041 = vector.extract_strided_slice %add3A_1029 {offsets = [0, 128], sizes = [512, 128], strides = [1, 1]} : vector<512x512xf32> to vector<512x128xf32>
    %mul3A_1042 = arith.constant 5.000000e-01 : f32
    %mul3A_1043 = vector.broadcast %mul3A_1042 : f32 to vector<512x128xf32>
    %mul3A_1044 = arith.mulf %mul3A_1043, %slice3A_1041 : vector<512x128xf32>
    %tanh3A_1045 = math.tanh %mul3A_1044 : vector<512x128xf32>
    %mul3A_1046 = arith.constant 5.000000e-01 : f32
    %mul3A_1047 = vector.broadcast %mul3A_1046 : f32 to vector<512x128xf32>
    %mul3A_1048 = arith.mulf %mul3A_1047, %tanh3A_1045 : vector<512x128xf32>
    %add3A_1049 = arith.constant 5.000000e-01 : f32
    %add3A_1050 = vector.broadcast %add3A_1049 : f32 to vector<512x128xf32>
    %add3A_1051 = arith.addf %mul3A_1048, %add3A_1050 : vector<512x128xf32>
    %slice3A_1052 = vector.extract_strided_slice %add3A_1029 {offsets = [0, 256], sizes = [512, 128], strides = [1, 1]} : vector<512x512xf32> to vector<512x128xf32>
    %tanh3A_1053 = math.tanh %slice3A_1052 : vector<512x128xf32>
    %slice3A_1054 = vector.extract_strided_slice %add3A_1029 {offsets = [0, 384], sizes = [512, 128], strides = [1, 1]} : vector<512x512xf32> to vector<512x128xf32>
    %mul3A_1055 = arith.constant 5.000000e-01 : f32
    %mul3A_1056 = vector.broadcast %mul3A_1055 : f32 to vector<512x128xf32>
    %mul3A_1057 = arith.mulf %mul3A_1056, %slice3A_1054 : vector<512x128xf32>
    %tanh3A_1058 = math.tanh %mul3A_1057 : vector<512x128xf32>
    %mul3A_1059 = arith.constant 5.000000e-01 : f32
    %mul3A_1060 = vector.broadcast %mul3A_1059 : f32 to vector<512x128xf32>
    %mul3A_1061 = arith.mulf %mul3A_1060, %tanh3A_1058 : vector<512x128xf32>
    %add3A_1062 = arith.constant 5.000000e-01 : f32
    %add3A_1063 = vector.broadcast %add3A_1062 : f32 to vector<512x128xf32>
    %add3A_1064 = arith.addf %mul3A_1061, %add3A_1063 : vector<512x128xf32>
    %mul3A_1065 = arith.mulf %add3A_1051, %add3A_1004 : vector<512x128xf32>
    %mul3A_1066 = arith.mulf %add3A_1040, %tanh3A_1053 : vector<512x128xf32>
    %add3A_1067 = arith.addf %mul3A_1065, %mul3A_1066 : vector<512x128xf32>
    %tanh3A_1068 = math.tanh %add3A_1067 : vector<512x128xf32>
    %mul3A_1069 = arith.mulf %add3A_1064, %tanh3A_1068 : vector<512x128xf32>
    %get3A_1070 = arith.constant 17 : index
    %get3A_1071 = arith.constant 0 : index
    %get3A_1072 = arith.constant 0 : index
    %get3A_1073 = vector.load %arg1[%get3A_1070, %get3A_1071, %get3A_1072] : memref<50x512x128xf32, #tpu.memory_space<vmem>>, vector<1x512x128xf32>
    %get3A_1074 = vector.shape_cast %get3A_1073 : vector<1x512x128xf32> to vector<512x128xf32>
    %get3A_1075 = arith.constant 0 : index
    %get3A_1076 = arith.constant 17 : index
    %get3A_1077 = vector.load %arg2[%get3A_1075, %get3A_1076] : memref<512x50xi32, #tpu.memory_space<vmem>>, vector<512x1xi32>
    %ne3A_1078 = arith.constant 0 : i32
    %ne3A_1079 = vector.broadcast %ne3A_1078 : i32 to vector<512x1xi32>
    %ne3A_1080 = arith.cmpi ne, %get3A_1077, %ne3A_1079 : vector<512x1xi32>
    %slice3A_1081 = vector.extract_strided_slice %get3A_1074 {offsets = [0, 64], sizes = [512, 64], strides = [1, 1]} : vector<512x128xf32> to vector<512x64xf32>
    %slice3A_1082 = vector.extract_strided_slice %get3A_1074 {offsets = [0, 0], sizes = [512, 64], strides = [1, 1]} : vector<512x128xf32> to vector<512x64xf32>
    %broadcast_in_dim3A_1083 = vector.shape_cast %ne3A_1080 : vector<512x1xi1> to vector<512x1xi1>
    %broadcast_in_dim3A_1084 = vector.broadcast %broadcast_in_dim3A_1083 : vector<512x1xi1> to vector<512x64xi1>
    %select_n3A_1085 = arith.select %broadcast_in_dim3A_1084, %slice3A_1081, %slice3A_1082 : vector<512x64xi1>, vector<512x64xf32>
    %convert_element_type3A_1086 = arith.truncf %select_n3A_1085 : vector<512x64xf32> to vector<512x64xbf16>
    %convert_element_type3A_1087 = arith.truncf %mul3A_1069 : vector<512x128xf32> to vector<512x128xbf16>
    %concatenate3A_1088 = tpu.concatenate %convert_element_type3A_1086, %convert_element_type3A_1087 in 1 : vector<512x64xbf16>, vector<512x128xbf16> -> vector<512x192xbf16>
    %dot_general3A_1089 = arith.constant dense<0.000000e+00> : vector<512x512xf32>
    %dot_general3A_1090 = tpu.matmul %concatenate3A_1088, %get3A_1, %dot_general3A_1089 {dimension_numbers = #tpu.dot_dimension_numbers<[1], [0], [0], [1], [0, 0, 1, 1], [], []>, transpose_lhs_hint = false} : vector<512x192xbf16>, vector<192x512xbf16>, vector<512x512xf32> -> vector<512x512xf32>
    %add3A_1091 = vector.broadcast %get3A_4 : vector<1x512xf32> to vector<512x512xf32>
    %add3A_1092 = arith.addf %dot_general3A_1090, %add3A_1091 : vector<512x512xf32>
    %slice3A_1093 = vector.extract_strided_slice %add3A_1092 {offsets = [0, 0], sizes = [512, 128], strides = [1, 1]} : vector<512x512xf32> to vector<512x128xf32>
    %mul3A_1094 = arith.constant 5.000000e-01 : f32
    %mul3A_1095 = vector.broadcast %mul3A_1094 : f32 to vector<512x128xf32>
    %mul3A_1096 = arith.mulf %mul3A_1095, %slice3A_1093 : vector<512x128xf32>
    %tanh3A_1097 = math.tanh %mul3A_1096 : vector<512x128xf32>
    %mul3A_1098 = arith.constant 5.000000e-01 : f32
    %mul3A_1099 = vector.broadcast %mul3A_1098 : f32 to vector<512x128xf32>
    %mul3A_1100 = arith.mulf %mul3A_1099, %tanh3A_1097 : vector<512x128xf32>
    %add3A_1101 = arith.constant 5.000000e-01 : f32
    %add3A_1102 = vector.broadcast %add3A_1101 : f32 to vector<512x128xf32>
    %add3A_1103 = arith.addf %mul3A_1100, %add3A_1102 : vector<512x128xf32>
    %slice3A_1104 = vector.extract_strided_slice %add3A_1092 {offsets = [0, 128], sizes = [512, 128], strides = [1, 1]} : vector<512x512xf32> to vector<512x128xf32>
    %mul3A_1105 = arith.constant 5.000000e-01 : f32
    %mul3A_1106 = vector.broadcast %mul3A_1105 : f32 to vector<512x128xf32>
    %mul3A_1107 = arith.mulf %mul3A_1106, %slice3A_1104 : vector<512x128xf32>
    %tanh3A_1108 = math.tanh %mul3A_1107 : vector<512x128xf32>
    %mul3A_1109 = arith.constant 5.000000e-01 : f32
    %mul3A_1110 = vector.broadcast %mul3A_1109 : f32 to vector<512x128xf32>
    %mul3A_1111 = arith.mulf %mul3A_1110, %tanh3A_1108 : vector<512x128xf32>
    %add3A_1112 = arith.constant 5.000000e-01 : f32
    %add3A_1113 = vector.broadcast %add3A_1112 : f32 to vector<512x128xf32>
    %add3A_1114 = arith.addf %mul3A_1111, %add3A_1113 : vector<512x128xf32>
    %slice3A_1115 = vector.extract_strided_slice %add3A_1092 {offsets = [0, 256], sizes = [512, 128], strides = [1, 1]} : vector<512x512xf32> to vector<512x128xf32>
    %tanh3A_1116 = math.tanh %slice3A_1115 : vector<512x128xf32>
    %slice3A_1117 = vector.extract_strided_slice %add3A_1092 {offsets = [0, 384], sizes = [512, 128], strides = [1, 1]} : vector<512x512xf32> to vector<512x128xf32>
    %mul3A_1118 = arith.constant 5.000000e-01 : f32
    %mul3A_1119 = vector.broadcast %mul3A_1118 : f32 to vector<512x128xf32>
    %mul3A_1120 = arith.mulf %mul3A_1119, %slice3A_1117 : vector<512x128xf32>
    %tanh3A_1121 = math.tanh %mul3A_1120 : vector<512x128xf32>
    %mul3A_1122 = arith.constant 5.000000e-01 : f32
    %mul3A_1123 = vector.broadcast %mul3A_1122 : f32 to vector<512x128xf32>
    %mul3A_1124 = arith.mulf %mul3A_1123, %tanh3A_1121 : vector<512x128xf32>
    %add3A_1125 = arith.constant 5.000000e-01 : f32
    %add3A_1126 = vector.broadcast %add3A_1125 : f32 to vector<512x128xf32>
    %add3A_1127 = arith.addf %mul3A_1124, %add3A_1126 : vector<512x128xf32>
    %mul3A_1128 = arith.mulf %add3A_1114, %add3A_1067 : vector<512x128xf32>
    %mul3A_1129 = arith.mulf %add3A_1103, %tanh3A_1116 : vector<512x128xf32>
    %add3A_1130 = arith.addf %mul3A_1128, %mul3A_1129 : vector<512x128xf32>
    %tanh3A_1131 = math.tanh %add3A_1130 : vector<512x128xf32>
    %mul3A_1132 = arith.mulf %add3A_1127, %tanh3A_1131 : vector<512x128xf32>
    %get3A_1133 = arith.constant 18 : index
    %get3A_1134 = arith.constant 0 : index
    %get3A_1135 = arith.constant 0 : index
    %get3A_1136 = vector.load %arg1[%get3A_1133, %get3A_1134, %get3A_1135] : memref<50x512x128xf32, #tpu.memory_space<vmem>>, vector<1x512x128xf32>
    %get3A_1137 = vector.shape_cast %get3A_1136 : vector<1x512x128xf32> to vector<512x128xf32>
    %get3A_1138 = arith.constant 0 : index
    %get3A_1139 = arith.constant 18 : index
    %get3A_1140 = vector.load %arg2[%get3A_1138, %get3A_1139] : memref<512x50xi32, #tpu.memory_space<vmem>>, vector<512x1xi32>
    %ne3A_1141 = arith.constant 0 : i32
    %ne3A_1142 = vector.broadcast %ne3A_1141 : i32 to vector<512x1xi32>
    %ne3A_1143 = arith.cmpi ne, %get3A_1140, %ne3A_1142 : vector<512x1xi32>
    %slice3A_1144 = vector.extract_strided_slice %get3A_1137 {offsets = [0, 64], sizes = [512, 64], strides = [1, 1]} : vector<512x128xf32> to vector<512x64xf32>
    %slice3A_1145 = vector.extract_strided_slice %get3A_1137 {offsets = [0, 0], sizes = [512, 64], strides = [1, 1]} : vector<512x128xf32> to vector<512x64xf32>
    %broadcast_in_dim3A_1146 = vector.shape_cast %ne3A_1143 : vector<512x1xi1> to vector<512x1xi1>
    %broadcast_in_dim3A_1147 = vector.broadcast %broadcast_in_dim3A_1146 : vector<512x1xi1> to vector<512x64xi1>
    %select_n3A_1148 = arith.select %broadcast_in_dim3A_1147, %slice3A_1144, %slice3A_1145 : vector<512x64xi1>, vector<512x64xf32>
    %convert_element_type3A_1149 = arith.truncf %select_n3A_1148 : vector<512x64xf32> to vector<512x64xbf16>
    %convert_element_type3A_1150 = arith.truncf %mul3A_1132 : vector<512x128xf32> to vector<512x128xbf16>
    %concatenate3A_1151 = tpu.concatenate %convert_element_type3A_1149, %convert_element_type3A_1150 in 1 : vector<512x64xbf16>, vector<512x128xbf16> -> vector<512x192xbf16>
    %dot_general3A_1152 = arith.constant dense<0.000000e+00> : vector<512x512xf32>
    %dot_general3A_1153 = tpu.matmul %concatenate3A_1151, %get3A_1, %dot_general3A_1152 {dimension_numbers = #tpu.dot_dimension_numbers<[1], [0], [0], [1], [0, 0, 1, 1], [], []>, transpose_lhs_hint = false} : vector<512x192xbf16>, vector<192x512xbf16>, vector<512x512xf32> -> vector<512x512xf32>
    %add3A_1154 = vector.broadcast %get3A_4 : vector<1x512xf32> to vector<512x512xf32>
    %add3A_1155 = arith.addf %dot_general3A_1153, %add3A_1154 : vector<512x512xf32>
    %slice3A_1156 = vector.extract_strided_slice %add3A_1155 {offsets = [0, 0], sizes = [512, 128], strides = [1, 1]} : vector<512x512xf32> to vector<512x128xf32>
    %mul3A_1157 = arith.constant 5.000000e-01 : f32
    %mul3A_1158 = vector.broadcast %mul3A_1157 : f32 to vector<512x128xf32>
    %mul3A_1159 = arith.mulf %mul3A_1158, %slice3A_1156 : vector<512x128xf32>
    %tanh3A_1160 = math.tanh %mul3A_1159 : vector<512x128xf32>
    %mul3A_1161 = arith.constant 5.000000e-01 : f32
    %mul3A_1162 = vector.broadcast %mul3A_1161 : f32 to vector<512x128xf32>
    %mul3A_1163 = arith.mulf %mul3A_1162, %tanh3A_1160 : vector<512x128xf32>
    %add3A_1164 = arith.constant 5.000000e-01 : f32
    %add3A_1165 = vector.broadcast %add3A_1164 : f32 to vector<512x128xf32>
    %add3A_1166 = arith.addf %mul3A_1163, %add3A_1165 : vector<512x128xf32>
    %slice3A_1167 = vector.extract_strided_slice %add3A_1155 {offsets = [0, 128], sizes = [512, 128], strides = [1, 1]} : vector<512x512xf32> to vector<512x128xf32>
    %mul3A_1168 = arith.constant 5.000000e-01 : f32
    %mul3A_1169 = vector.broadcast %mul3A_1168 : f32 to vector<512x128xf32>
    %mul3A_1170 = arith.mulf %mul3A_1169, %slice3A_1167 : vector<512x128xf32>
    %tanh3A_1171 = math.tanh %mul3A_1170 : vector<512x128xf32>
    %mul3A_1172 = arith.constant 5.000000e-01 : f32
    %mul3A_1173 = vector.broadcast %mul3A_1172 : f32 to vector<512x128xf32>
    %mul3A_1174 = arith.mulf %mul3A_1173, %tanh3A_1171 : vector<512x128xf32>
    %add3A_1175 = arith.constant 5.000000e-01 : f32
    %add3A_1176 = vector.broadcast %add3A_1175 : f32 to vector<512x128xf32>
    %add3A_1177 = arith.addf %mul3A_1174, %add3A_1176 : vector<512x128xf32>
    %slice3A_1178 = vector.extract_strided_slice %add3A_1155 {offsets = [0, 256], sizes = [512, 128], strides = [1, 1]} : vector<512x512xf32> to vector<512x128xf32>
    %tanh3A_1179 = math.tanh %slice3A_1178 : vector<512x128xf32>
    %slice3A_1180 = vector.extract_strided_slice %add3A_1155 {offsets = [0, 384], sizes = [512, 128], strides = [1, 1]} : vector<512x512xf32> to vector<512x128xf32>
    %mul3A_1181 = arith.constant 5.000000e-01 : f32
    %mul3A_1182 = vector.broadcast %mul3A_1181 : f32 to vector<512x128xf32>
    %mul3A_1183 = arith.mulf %mul3A_1182, %slice3A_1180 : vector<512x128xf32>
    %tanh3A_1184 = math.tanh %mul3A_1183 : vector<512x128xf32>
    %mul3A_1185 = arith.constant 5.000000e-01 : f32
    %mul3A_1186 = vector.broadcast %mul3A_1185 : f32 to vector<512x128xf32>
    %mul3A_1187 = arith.mulf %mul3A_1186, %tanh3A_1184 : vector<512x128xf32>
    %add3A_1188 = arith.constant 5.000000e-01 : f32
    %add3A_1189 = vector.broadcast %add3A_1188 : f32 to vector<512x128xf32>
    %add3A_1190 = arith.addf %mul3A_1187, %add3A_1189 : vector<512x128xf32>
    %mul3A_1191 = arith.mulf %add3A_1177, %add3A_1130 : vector<512x128xf32>
    %mul3A_1192 = arith.mulf %add3A_1166, %tanh3A_1179 : vector<512x128xf32>
    %add3A_1193 = arith.addf %mul3A_1191, %mul3A_1192 : vector<512x128xf32>
    %tanh3A_1194 = math.tanh %add3A_1193 : vector<512x128xf32>
    %mul3A_1195 = arith.mulf %add3A_1190, %tanh3A_1194 : vector<512x128xf32>
    %get3A_1196 = arith.constant 19 : index
    %get3A_1197 = arith.constant 0 : index
    %get3A_1198 = arith.constant 0 : index
    %get3A_1199 = vector.load %arg1[%get3A_1196, %get3A_1197, %get3A_1198] : memref<50x512x128xf32, #tpu.memory_space<vmem>>, vector<1x512x128xf32>
    %get3A_1200 = vector.shape_cast %get3A_1199 : vector<1x512x128xf32> to vector<512x128xf32>
    %get3A_1201 = arith.constant 0 : index
    %get3A_1202 = arith.constant 19 : index
    %get3A_1203 = vector.load %arg2[%get3A_1201, %get3A_1202] : memref<512x50xi32, #tpu.memory_space<vmem>>, vector<512x1xi32>
    %ne3A_1204 = arith.constant 0 : i32
    %ne3A_1205 = vector.broadcast %ne3A_1204 : i32 to vector<512x1xi32>
    %ne3A_1206 = arith.cmpi ne, %get3A_1203, %ne3A_1205 : vector<512x1xi32>
    %slice3A_1207 = vector.extract_strided_slice %get3A_1200 {offsets = [0, 64], sizes = [512, 64], strides = [1, 1]} : vector<512x128xf32> to vector<512x64xf32>
    %slice3A_1208 = vector.extract_strided_slice %get3A_1200 {offsets = [0, 0], sizes = [512, 64], strides = [1, 1]} : vector<512x128xf32> to vector<512x64xf32>
    %broadcast_in_dim3A_1209 = vector.shape_cast %ne3A_1206 : vector<512x1xi1> to vector<512x1xi1>
    %broadcast_in_dim3A_1210 = vector.broadcast %broadcast_in_dim3A_1209 : vector<512x1xi1> to vector<512x64xi1>
    %select_n3A_1211 = arith.select %broadcast_in_dim3A_1210, %slice3A_1207, %slice3A_1208 : vector<512x64xi1>, vector<512x64xf32>
    %convert_element_type3A_1212 = arith.truncf %select_n3A_1211 : vector<512x64xf32> to vector<512x64xbf16>
    %convert_element_type3A_1213 = arith.truncf %mul3A_1195 : vector<512x128xf32> to vector<512x128xbf16>
    %concatenate3A_1214 = tpu.concatenate %convert_element_type3A_1212, %convert_element_type3A_1213 in 1 : vector<512x64xbf16>, vector<512x128xbf16> -> vector<512x192xbf16>
    %dot_general3A_1215 = arith.constant dense<0.000000e+00> : vector<512x512xf32>
    %dot_general3A_1216 = tpu.matmul %concatenate3A_1214, %get3A_1, %dot_general3A_1215 {dimension_numbers = #tpu.dot_dimension_numbers<[1], [0], [0], [1], [0, 0, 1, 1], [], []>, transpose_lhs_hint = false} : vector<512x192xbf16>, vector<192x512xbf16>, vector<512x512xf32> -> vector<512x512xf32>
    %add3A_1217 = vector.broadcast %get3A_4 : vector<1x512xf32> to vector<512x512xf32>
    %add3A_1218 = arith.addf %dot_general3A_1216, %add3A_1217 : vector<512x512xf32>
    %slice3A_1219 = vector.extract_strided_slice %add3A_1218 {offsets = [0, 0], sizes = [512, 128], strides = [1, 1]} : vector<512x512xf32> to vector<512x128xf32>
    %mul3A_1220 = arith.constant 5.000000e-01 : f32
    %mul3A_1221 = vector.broadcast %mul3A_1220 : f32 to vector<512x128xf32>
    %mul3A_1222 = arith.mulf %mul3A_1221, %slice3A_1219 : vector<512x128xf32>
    %tanh3A_1223 = math.tanh %mul3A_1222 : vector<512x128xf32>
    %mul3A_1224 = arith.constant 5.000000e-01 : f32
    %mul3A_1225 = vector.broadcast %mul3A_1224 : f32 to vector<512x128xf32>
    %mul3A_1226 = arith.mulf %mul3A_1225, %tanh3A_1223 : vector<512x128xf32>
    %add3A_1227 = arith.constant 5.000000e-01 : f32
    %add3A_1228 = vector.broadcast %add3A_1227 : f32 to vector<512x128xf32>
    %add3A_1229 = arith.addf %mul3A_1226, %add3A_1228 : vector<512x128xf32>
    %slice3A_1230 = vector.extract_strided_slice %add3A_1218 {offsets = [0, 128], sizes = [512, 128], strides = [1, 1]} : vector<512x512xf32> to vector<512x128xf32>
    %mul3A_1231 = arith.constant 5.000000e-01 : f32
    %mul3A_1232 = vector.broadcast %mul3A_1231 : f32 to vector<512x128xf32>
    %mul3A_1233 = arith.mulf %mul3A_1232, %slice3A_1230 : vector<512x128xf32>
    %tanh3A_1234 = math.tanh %mul3A_1233 : vector<512x128xf32>
    %mul3A_1235 = arith.constant 5.000000e-01 : f32
    %mul3A_1236 = vector.broadcast %mul3A_1235 : f32 to vector<512x128xf32>
    %mul3A_1237 = arith.mulf %mul3A_1236, %tanh3A_1234 : vector<512x128xf32>
    %add3A_1238 = arith.constant 5.000000e-01 : f32
    %add3A_1239 = vector.broadcast %add3A_1238 : f32 to vector<512x128xf32>
    %add3A_1240 = arith.addf %mul3A_1237, %add3A_1239 : vector<512x128xf32>
    %slice3A_1241 = vector.extract_strided_slice %add3A_1218 {offsets = [0, 256], sizes = [512, 128], strides = [1, 1]} : vector<512x512xf32> to vector<512x128xf32>
    %tanh3A_1242 = math.tanh %slice3A_1241 : vector<512x128xf32>
    %slice3A_1243 = vector.extract_strided_slice %add3A_1218 {offsets = [0, 384], sizes = [512, 128], strides = [1, 1]} : vector<512x512xf32> to vector<512x128xf32>
    %mul3A_1244 = arith.constant 5.000000e-01 : f32
    %mul3A_1245 = vector.broadcast %mul3A_1244 : f32 to vector<512x128xf32>
    %mul3A_1246 = arith.mulf %mul3A_1245, %slice3A_1243 : vector<512x128xf32>
    %tanh3A_1247 = math.tanh %mul3A_1246 : vector<512x128xf32>
    %mul3A_1248 = arith.constant 5.000000e-01 : f32
    %mul3A_1249 = vector.broadcast %mul3A_1248 : f32 to vector<512x128xf32>
    %mul3A_1250 = arith.mulf %mul3A_1249, %tanh3A_1247 : vector<512x128xf32>
    %add3A_1251 = arith.constant 5.000000e-01 : f32
    %add3A_1252 = vector.broadcast %add3A_1251 : f32 to vector<512x128xf32>
    %add3A_1253 = arith.addf %mul3A_1250, %add3A_1252 : vector<512x128xf32>
    %mul3A_1254 = arith.mulf %add3A_1240, %add3A_1193 : vector<512x128xf32>
    %mul3A_1255 = arith.mulf %add3A_1229, %tanh3A_1242 : vector<512x128xf32>
    %add3A_1256 = arith.addf %mul3A_1254, %mul3A_1255 : vector<512x128xf32>
    %tanh3A_1257 = math.tanh %add3A_1256 : vector<512x128xf32>
    %mul3A_1258 = arith.mulf %add3A_1253, %tanh3A_1257 : vector<512x128xf32>
    %get3A_1259 = arith.constant 20 : index
    %get3A_1260 = arith.constant 0 : index
    %get3A_1261 = arith.constant 0 : index
    %get3A_1262 = vector.load %arg1[%get3A_1259, %get3A_1260, %get3A_1261] : memref<50x512x128xf32, #tpu.memory_space<vmem>>, vector<1x512x128xf32>
    %get3A_1263 = vector.shape_cast %get3A_1262 : vector<1x512x128xf32> to vector<512x128xf32>
    %get3A_1264 = arith.constant 0 : index
    %get3A_1265 = arith.constant 20 : index
    %get3A_1266 = vector.load %arg2[%get3A_1264, %get3A_1265] : memref<512x50xi32, #tpu.memory_space<vmem>>, vector<512x1xi32>
    %ne3A_1267 = arith.constant 0 : i32
    %ne3A_1268 = vector.broadcast %ne3A_1267 : i32 to vector<512x1xi32>
    %ne3A_1269 = arith.cmpi ne, %get3A_1266, %ne3A_1268 : vector<512x1xi32>
    %slice3A_1270 = vector.extract_strided_slice %get3A_1263 {offsets = [0, 64], sizes = [512, 64], strides = [1, 1]} : vector<512x128xf32> to vector<512x64xf32>
    %slice3A_1271 = vector.extract_strided_slice %get3A_1263 {offsets = [0, 0], sizes = [512, 64], strides = [1, 1]} : vector<512x128xf32> to vector<512x64xf32>
    %broadcast_in_dim3A_1272 = vector.shape_cast %ne3A_1269 : vector<512x1xi1> to vector<512x1xi1>
    %broadcast_in_dim3A_1273 = vector.broadcast %broadcast_in_dim3A_1272 : vector<512x1xi1> to vector<512x64xi1>
    %select_n3A_1274 = arith.select %broadcast_in_dim3A_1273, %slice3A_1270, %slice3A_1271 : vector<512x64xi1>, vector<512x64xf32>
    %convert_element_type3A_1275 = arith.truncf %select_n3A_1274 : vector<512x64xf32> to vector<512x64xbf16>
    %convert_element_type3A_1276 = arith.truncf %mul3A_1258 : vector<512x128xf32> to vector<512x128xbf16>
    %concatenate3A_1277 = tpu.concatenate %convert_element_type3A_1275, %convert_element_type3A_1276 in 1 : vector<512x64xbf16>, vector<512x128xbf16> -> vector<512x192xbf16>
    %dot_general3A_1278 = arith.constant dense<0.000000e+00> : vector<512x512xf32>
    %dot_general3A_1279 = tpu.matmul %concatenate3A_1277, %get3A_1, %dot_general3A_1278 {dimension_numbers = #tpu.dot_dimension_numbers<[1], [0], [0], [1], [0, 0, 1, 1], [], []>, transpose_lhs_hint = false} : vector<512x192xbf16>, vector<192x512xbf16>, vector<512x512xf32> -> vector<512x512xf32>
    %add3A_1280 = vector.broadcast %get3A_4 : vector<1x512xf32> to vector<512x512xf32>
    %add3A_1281 = arith.addf %dot_general3A_1279, %add3A_1280 : vector<512x512xf32>
    %slice3A_1282 = vector.extract_strided_slice %add3A_1281 {offsets = [0, 0], sizes = [512, 128], strides = [1, 1]} : vector<512x512xf32> to vector<512x128xf32>
    %mul3A_1283 = arith.constant 5.000000e-01 : f32
    %mul3A_1284 = vector.broadcast %mul3A_1283 : f32 to vector<512x128xf32>
    %mul3A_1285 = arith.mulf %mul3A_1284, %slice3A_1282 : vector<512x128xf32>
    %tanh3A_1286 = math.tanh %mul3A_1285 : vector<512x128xf32>
    %mul3A_1287 = arith.constant 5.000000e-01 : f32
    %mul3A_1288 = vector.broadcast %mul3A_1287 : f32 to vector<512x128xf32>
    %mul3A_1289 = arith.mulf %mul3A_1288, %tanh3A_1286 : vector<512x128xf32>
    %add3A_1290 = arith.constant 5.000000e-01 : f32
    %add3A_1291 = vector.broadcast %add3A_1290 : f32 to vector<512x128xf32>
    %add3A_1292 = arith.addf %mul3A_1289, %add3A_1291 : vector<512x128xf32>
    %slice3A_1293 = vector.extract_strided_slice %add3A_1281 {offsets = [0, 128], sizes = [512, 128], strides = [1, 1]} : vector<512x512xf32> to vector<512x128xf32>
    %mul3A_1294 = arith.constant 5.000000e-01 : f32
    %mul3A_1295 = vector.broadcast %mul3A_1294 : f32 to vector<512x128xf32>
    %mul3A_1296 = arith.mulf %mul3A_1295, %slice3A_1293 : vector<512x128xf32>
    %tanh3A_1297 = math.tanh %mul3A_1296 : vector<512x128xf32>
    %mul3A_1298 = arith.constant 5.000000e-01 : f32
    %mul3A_1299 = vector.broadcast %mul3A_1298 : f32 to vector<512x128xf32>
    %mul3A_1300 = arith.mulf %mul3A_1299, %tanh3A_1297 : vector<512x128xf32>
    %add3A_1301 = arith.constant 5.000000e-01 : f32
    %add3A_1302 = vector.broadcast %add3A_1301 : f32 to vector<512x128xf32>
    %add3A_1303 = arith.addf %mul3A_1300, %add3A_1302 : vector<512x128xf32>
    %slice3A_1304 = vector.extract_strided_slice %add3A_1281 {offsets = [0, 256], sizes = [512, 128], strides = [1, 1]} : vector<512x512xf32> to vector<512x128xf32>
    %tanh3A_1305 = math.tanh %slice3A_1304 : vector<512x128xf32>
    %slice3A_1306 = vector.extract_strided_slice %add3A_1281 {offsets = [0, 384], sizes = [512, 128], strides = [1, 1]} : vector<512x512xf32> to vector<512x128xf32>
    %mul3A_1307 = arith.constant 5.000000e-01 : f32
    %mul3A_1308 = vector.broadcast %mul3A_1307 : f32 to vector<512x128xf32>
    %mul3A_1309 = arith.mulf %mul3A_1308, %slice3A_1306 : vector<512x128xf32>
    %tanh3A_1310 = math.tanh %mul3A_1309 : vector<512x128xf32>
    %mul3A_1311 = arith.constant 5.000000e-01 : f32
    %mul3A_1312 = vector.broadcast %mul3A_1311 : f32 to vector<512x128xf32>
    %mul3A_1313 = arith.mulf %mul3A_1312, %tanh3A_1310 : vector<512x128xf32>
    %add3A_1314 = arith.constant 5.000000e-01 : f32
    %add3A_1315 = vector.broadcast %add3A_1314 : f32 to vector<512x128xf32>
    %add3A_1316 = arith.addf %mul3A_1313, %add3A_1315 : vector<512x128xf32>
    %mul3A_1317 = arith.mulf %add3A_1303, %add3A_1256 : vector<512x128xf32>
    %mul3A_1318 = arith.mulf %add3A_1292, %tanh3A_1305 : vector<512x128xf32>
    %add3A_1319 = arith.addf %mul3A_1317, %mul3A_1318 : vector<512x128xf32>
    %tanh3A_1320 = math.tanh %add3A_1319 : vector<512x128xf32>
    %mul3A_1321 = arith.mulf %add3A_1316, %tanh3A_1320 : vector<512x128xf32>
    %get3A_1322 = arith.constant 21 : index
    %get3A_1323 = arith.constant 0 : index
    %get3A_1324 = arith.constant 0 : index
    %get3A_1325 = vector.load %arg1[%get3A_1322, %get3A_1323, %get3A_1324] : memref<50x512x128xf32, #tpu.memory_space<vmem>>, vector<1x512x128xf32>
    %get3A_1326 = vector.shape_cast %get3A_1325 : vector<1x512x128xf32> to vector<512x128xf32>
    %get3A_1327 = arith.constant 0 : index
    %get3A_1328 = arith.constant 21 : index
    %get3A_1329 = vector.load %arg2[%get3A_1327, %get3A_1328] : memref<512x50xi32, #tpu.memory_space<vmem>>, vector<512x1xi32>
    %ne3A_1330 = arith.constant 0 : i32
    %ne3A_1331 = vector.broadcast %ne3A_1330 : i32 to vector<512x1xi32>
    %ne3A_1332 = arith.cmpi ne, %get3A_1329, %ne3A_1331 : vector<512x1xi32>
    %slice3A_1333 = vector.extract_strided_slice %get3A_1326 {offsets = [0, 64], sizes = [512, 64], strides = [1, 1]} : vector<512x128xf32> to vector<512x64xf32>
    %slice3A_1334 = vector.extract_strided_slice %get3A_1326 {offsets = [0, 0], sizes = [512, 64], strides = [1, 1]} : vector<512x128xf32> to vector<512x64xf32>
    %broadcast_in_dim3A_1335 = vector.shape_cast %ne3A_1332 : vector<512x1xi1> to vector<512x1xi1>
    %broadcast_in_dim3A_1336 = vector.broadcast %broadcast_in_dim3A_1335 : vector<512x1xi1> to vector<512x64xi1>
    %select_n3A_1337 = arith.select %broadcast_in_dim3A_1336, %slice3A_1333, %slice3A_1334 : vector<512x64xi1>, vector<512x64xf32>
    %convert_element_type3A_1338 = arith.truncf %select_n3A_1337 : vector<512x64xf32> to vector<512x64xbf16>
    %convert_element_type3A_1339 = arith.truncf %mul3A_1321 : vector<512x128xf32> to vector<512x128xbf16>
    %concatenate3A_1340 = tpu.concatenate %convert_element_type3A_1338, %convert_element_type3A_1339 in 1 : vector<512x64xbf16>, vector<512x128xbf16> -> vector<512x192xbf16>
    %dot_general3A_1341 = arith.constant dense<0.000000e+00> : vector<512x512xf32>
    %dot_general3A_1342 = tpu.matmul %concatenate3A_1340, %get3A_1, %dot_general3A_1341 {dimension_numbers = #tpu.dot_dimension_numbers<[1], [0], [0], [1], [0, 0, 1, 1], [], []>, transpose_lhs_hint = false} : vector<512x192xbf16>, vector<192x512xbf16>, vector<512x512xf32> -> vector<512x512xf32>
    %add3A_1343 = vector.broadcast %get3A_4 : vector<1x512xf32> to vector<512x512xf32>
    %add3A_1344 = arith.addf %dot_general3A_1342, %add3A_1343 : vector<512x512xf32>
    %slice3A_1345 = vector.extract_strided_slice %add3A_1344 {offsets = [0, 0], sizes = [512, 128], strides = [1, 1]} : vector<512x512xf32> to vector<512x128xf32>
    %mul3A_1346 = arith.constant 5.000000e-01 : f32
    %mul3A_1347 = vector.broadcast %mul3A_1346 : f32 to vector<512x128xf32>
    %mul3A_1348 = arith.mulf %mul3A_1347, %slice3A_1345 : vector<512x128xf32>
    %tanh3A_1349 = math.tanh %mul3A_1348 : vector<512x128xf32>
    %mul3A_1350 = arith.constant 5.000000e-01 : f32
    %mul3A_1351 = vector.broadcast %mul3A_1350 : f32 to vector<512x128xf32>
    %mul3A_1352 = arith.mulf %mul3A_1351, %tanh3A_1349 : vector<512x128xf32>
    %add3A_1353 = arith.constant 5.000000e-01 : f32
    %add3A_1354 = vector.broadcast %add3A_1353 : f32 to vector<512x128xf32>
    %add3A_1355 = arith.addf %mul3A_1352, %add3A_1354 : vector<512x128xf32>
    %slice3A_1356 = vector.extract_strided_slice %add3A_1344 {offsets = [0, 128], sizes = [512, 128], strides = [1, 1]} : vector<512x512xf32> to vector<512x128xf32>
    %mul3A_1357 = arith.constant 5.000000e-01 : f32
    %mul3A_1358 = vector.broadcast %mul3A_1357 : f32 to vector<512x128xf32>
    %mul3A_1359 = arith.mulf %mul3A_1358, %slice3A_1356 : vector<512x128xf32>
    %tanh3A_1360 = math.tanh %mul3A_1359 : vector<512x128xf32>
    %mul3A_1361 = arith.constant 5.000000e-01 : f32
    %mul3A_1362 = vector.broadcast %mul3A_1361 : f32 to vector<512x128xf32>
    %mul3A_1363 = arith.mulf %mul3A_1362, %tanh3A_1360 : vector<512x128xf32>
    %add3A_1364 = arith.constant 5.000000e-01 : f32
    %add3A_1365 = vector.broadcast %add3A_1364 : f32 to vector<512x128xf32>
    %add3A_1366 = arith.addf %mul3A_1363, %add3A_1365 : vector<512x128xf32>
    %slice3A_1367 = vector.extract_strided_slice %add3A_1344 {offsets = [0, 256], sizes = [512, 128], strides = [1, 1]} : vector<512x512xf32> to vector<512x128xf32>
    %tanh3A_1368 = math.tanh %slice3A_1367 : vector<512x128xf32>
    %slice3A_1369 = vector.extract_strided_slice %add3A_1344 {offsets = [0, 384], sizes = [512, 128], strides = [1, 1]} : vector<512x512xf32> to vector<512x128xf32>
    %mul3A_1370 = arith.constant 5.000000e-01 : f32
    %mul3A_1371 = vector.broadcast %mul3A_1370 : f32 to vector<512x128xf32>
    %mul3A_1372 = arith.mulf %mul3A_1371, %slice3A_1369 : vector<512x128xf32>
    %tanh3A_1373 = math.tanh %mul3A_1372 : vector<512x128xf32>
    %mul3A_1374 = arith.constant 5.000000e-01 : f32
    %mul3A_1375 = vector.broadcast %mul3A_1374 : f32 to vector<512x128xf32>
    %mul3A_1376 = arith.mulf %mul3A_1375, %tanh3A_1373 : vector<512x128xf32>
    %add3A_1377 = arith.constant 5.000000e-01 : f32
    %add3A_1378 = vector.broadcast %add3A_1377 : f32 to vector<512x128xf32>
    %add3A_1379 = arith.addf %mul3A_1376, %add3A_1378 : vector<512x128xf32>
    %mul3A_1380 = arith.mulf %add3A_1366, %add3A_1319 : vector<512x128xf32>
    %mul3A_1381 = arith.mulf %add3A_1355, %tanh3A_1368 : vector<512x128xf32>
    %add3A_1382 = arith.addf %mul3A_1380, %mul3A_1381 : vector<512x128xf32>
    %tanh3A_1383 = math.tanh %add3A_1382 : vector<512x128xf32>
    %mul3A_1384 = arith.mulf %add3A_1379, %tanh3A_1383 : vector<512x128xf32>
    %get3A_1385 = arith.constant 22 : index
    %get3A_1386 = arith.constant 0 : index
    %get3A_1387 = arith.constant 0 : index
    %get3A_1388 = vector.load %arg1[%get3A_1385, %get3A_1386, %get3A_1387] : memref<50x512x128xf32, #tpu.memory_space<vmem>>, vector<1x512x128xf32>
    %get3A_1389 = vector.shape_cast %get3A_1388 : vector<1x512x128xf32> to vector<512x128xf32>
    %get3A_1390 = arith.constant 0 : index
    %get3A_1391 = arith.constant 22 : index
    %get3A_1392 = vector.load %arg2[%get3A_1390, %get3A_1391] : memref<512x50xi32, #tpu.memory_space<vmem>>, vector<512x1xi32>
    %ne3A_1393 = arith.constant 0 : i32
    %ne3A_1394 = vector.broadcast %ne3A_1393 : i32 to vector<512x1xi32>
    %ne3A_1395 = arith.cmpi ne, %get3A_1392, %ne3A_1394 : vector<512x1xi32>
    %slice3A_1396 = vector.extract_strided_slice %get3A_1389 {offsets = [0, 64], sizes = [512, 64], strides = [1, 1]} : vector<512x128xf32> to vector<512x64xf32>
    %slice3A_1397 = vector.extract_strided_slice %get3A_1389 {offsets = [0, 0], sizes = [512, 64], strides = [1, 1]} : vector<512x128xf32> to vector<512x64xf32>
    %broadcast_in_dim3A_1398 = vector.shape_cast %ne3A_1395 : vector<512x1xi1> to vector<512x1xi1>
    %broadcast_in_dim3A_1399 = vector.broadcast %broadcast_in_dim3A_1398 : vector<512x1xi1> to vector<512x64xi1>
    %select_n3A_1400 = arith.select %broadcast_in_dim3A_1399, %slice3A_1396, %slice3A_1397 : vector<512x64xi1>, vector<512x64xf32>
    %convert_element_type3A_1401 = arith.truncf %select_n3A_1400 : vector<512x64xf32> to vector<512x64xbf16>
    %convert_element_type3A_1402 = arith.truncf %mul3A_1384 : vector<512x128xf32> to vector<512x128xbf16>
    %concatenate3A_1403 = tpu.concatenate %convert_element_type3A_1401, %convert_element_type3A_1402 in 1 : vector<512x64xbf16>, vector<512x128xbf16> -> vector<512x192xbf16>
    %dot_general3A_1404 = arith.constant dense<0.000000e+00> : vector<512x512xf32>
    %dot_general3A_1405 = tpu.matmul %concatenate3A_1403, %get3A_1, %dot_general3A_1404 {dimension_numbers = #tpu.dot_dimension_numbers<[1], [0], [0], [1], [0, 0, 1, 1], [], []>, transpose_lhs_hint = false} : vector<512x192xbf16>, vector<192x512xbf16>, vector<512x512xf32> -> vector<512x512xf32>
    %add3A_1406 = vector.broadcast %get3A_4 : vector<1x512xf32> to vector<512x512xf32>
    %add3A_1407 = arith.addf %dot_general3A_1405, %add3A_1406 : vector<512x512xf32>
    %slice3A_1408 = vector.extract_strided_slice %add3A_1407 {offsets = [0, 0], sizes = [512, 128], strides = [1, 1]} : vector<512x512xf32> to vector<512x128xf32>
    %mul3A_1409 = arith.constant 5.000000e-01 : f32
    %mul3A_1410 = vector.broadcast %mul3A_1409 : f32 to vector<512x128xf32>
    %mul3A_1411 = arith.mulf %mul3A_1410, %slice3A_1408 : vector<512x128xf32>
    %tanh3A_1412 = math.tanh %mul3A_1411 : vector<512x128xf32>
    %mul3A_1413 = arith.constant 5.000000e-01 : f32
    %mul3A_1414 = vector.broadcast %mul3A_1413 : f32 to vector<512x128xf32>
    %mul3A_1415 = arith.mulf %mul3A_1414, %tanh3A_1412 : vector<512x128xf32>
    %add3A_1416 = arith.constant 5.000000e-01 : f32
    %add3A_1417 = vector.broadcast %add3A_1416 : f32 to vector<512x128xf32>
    %add3A_1418 = arith.addf %mul3A_1415, %add3A_1417 : vector<512x128xf32>
    %slice3A_1419 = vector.extract_strided_slice %add3A_1407 {offsets = [0, 128], sizes = [512, 128], strides = [1, 1]} : vector<512x512xf32> to vector<512x128xf32>
    %mul3A_1420 = arith.constant 5.000000e-01 : f32
    %mul3A_1421 = vector.broadcast %mul3A_1420 : f32 to vector<512x128xf32>
    %mul3A_1422 = arith.mulf %mul3A_1421, %slice3A_1419 : vector<512x128xf32>
    %tanh3A_1423 = math.tanh %mul3A_1422 : vector<512x128xf32>
    %mul3A_1424 = arith.constant 5.000000e-01 : f32
    %mul3A_1425 = vector.broadcast %mul3A_1424 : f32 to vector<512x128xf32>
    %mul3A_1426 = arith.mulf %mul3A_1425, %tanh3A_1423 : vector<512x128xf32>
    %add3A_1427 = arith.constant 5.000000e-01 : f32
    %add3A_1428 = vector.broadcast %add3A_1427 : f32 to vector<512x128xf32>
    %add3A_1429 = arith.addf %mul3A_1426, %add3A_1428 : vector<512x128xf32>
    %slice3A_1430 = vector.extract_strided_slice %add3A_1407 {offsets = [0, 256], sizes = [512, 128], strides = [1, 1]} : vector<512x512xf32> to vector<512x128xf32>
    %tanh3A_1431 = math.tanh %slice3A_1430 : vector<512x128xf32>
    %slice3A_1432 = vector.extract_strided_slice %add3A_1407 {offsets = [0, 384], sizes = [512, 128], strides = [1, 1]} : vector<512x512xf32> to vector<512x128xf32>
    %mul3A_1433 = arith.constant 5.000000e-01 : f32
    %mul3A_1434 = vector.broadcast %mul3A_1433 : f32 to vector<512x128xf32>
    %mul3A_1435 = arith.mulf %mul3A_1434, %slice3A_1432 : vector<512x128xf32>
    %tanh3A_1436 = math.tanh %mul3A_1435 : vector<512x128xf32>
    %mul3A_1437 = arith.constant 5.000000e-01 : f32
    %mul3A_1438 = vector.broadcast %mul3A_1437 : f32 to vector<512x128xf32>
    %mul3A_1439 = arith.mulf %mul3A_1438, %tanh3A_1436 : vector<512x128xf32>
    %add3A_1440 = arith.constant 5.000000e-01 : f32
    %add3A_1441 = vector.broadcast %add3A_1440 : f32 to vector<512x128xf32>
    %add3A_1442 = arith.addf %mul3A_1439, %add3A_1441 : vector<512x128xf32>
    %mul3A_1443 = arith.mulf %add3A_1429, %add3A_1382 : vector<512x128xf32>
    %mul3A_1444 = arith.mulf %add3A_1418, %tanh3A_1431 : vector<512x128xf32>
    %add3A_1445 = arith.addf %mul3A_1443, %mul3A_1444 : vector<512x128xf32>
    %tanh3A_1446 = math.tanh %add3A_1445 : vector<512x128xf32>
    %mul3A_1447 = arith.mulf %add3A_1442, %tanh3A_1446 : vector<512x128xf32>
    %get3A_1448 = arith.constant 23 : index
    %get3A_1449 = arith.constant 0 : index
    %get3A_1450 = arith.constant 0 : index
    %get3A_1451 = vector.load %arg1[%get3A_1448, %get3A_1449, %get3A_1450] : memref<50x512x128xf32, #tpu.memory_space<vmem>>, vector<1x512x128xf32>
    %get3A_1452 = vector.shape_cast %get3A_1451 : vector<1x512x128xf32> to vector<512x128xf32>
    %get3A_1453 = arith.constant 0 : index
    %get3A_1454 = arith.constant 23 : index
    %get3A_1455 = vector.load %arg2[%get3A_1453, %get3A_1454] : memref<512x50xi32, #tpu.memory_space<vmem>>, vector<512x1xi32>
    %ne3A_1456 = arith.constant 0 : i32
    %ne3A_1457 = vector.broadcast %ne3A_1456 : i32 to vector<512x1xi32>
    %ne3A_1458 = arith.cmpi ne, %get3A_1455, %ne3A_1457 : vector<512x1xi32>
    %slice3A_1459 = vector.extract_strided_slice %get3A_1452 {offsets = [0, 64], sizes = [512, 64], strides = [1, 1]} : vector<512x128xf32> to vector<512x64xf32>
    %slice3A_1460 = vector.extract_strided_slice %get3A_1452 {offsets = [0, 0], sizes = [512, 64], strides = [1, 1]} : vector<512x128xf32> to vector<512x64xf32>
    %broadcast_in_dim3A_1461 = vector.shape_cast %ne3A_1458 : vector<512x1xi1> to vector<512x1xi1>
    %broadcast_in_dim3A_1462 = vector.broadcast %broadcast_in_dim3A_1461 : vector<512x1xi1> to vector<512x64xi1>
    %select_n3A_1463 = arith.select %broadcast_in_dim3A_1462, %slice3A_1459, %slice3A_1460 : vector<512x64xi1>, vector<512x64xf32>
    %convert_element_type3A_1464 = arith.truncf %select_n3A_1463 : vector<512x64xf32> to vector<512x64xbf16>
    %convert_element_type3A_1465 = arith.truncf %mul3A_1447 : vector<512x128xf32> to vector<512x128xbf16>
    %concatenate3A_1466 = tpu.concatenate %convert_element_type3A_1464, %convert_element_type3A_1465 in 1 : vector<512x64xbf16>, vector<512x128xbf16> -> vector<512x192xbf16>
    %dot_general3A_1467 = arith.constant dense<0.000000e+00> : vector<512x512xf32>
    %dot_general3A_1468 = tpu.matmul %concatenate3A_1466, %get3A_1, %dot_general3A_1467 {dimension_numbers = #tpu.dot_dimension_numbers<[1], [0], [0], [1], [0, 0, 1, 1], [], []>, transpose_lhs_hint = false} : vector<512x192xbf16>, vector<192x512xbf16>, vector<512x512xf32> -> vector<512x512xf32>
    %add3A_1469 = vector.broadcast %get3A_4 : vector<1x512xf32> to vector<512x512xf32>
    %add3A_1470 = arith.addf %dot_general3A_1468, %add3A_1469 : vector<512x512xf32>
    %slice3A_1471 = vector.extract_strided_slice %add3A_1470 {offsets = [0, 0], sizes = [512, 128], strides = [1, 1]} : vector<512x512xf32> to vector<512x128xf32>
    %mul3A_1472 = arith.constant 5.000000e-01 : f32
    %mul3A_1473 = vector.broadcast %mul3A_1472 : f32 to vector<512x128xf32>
    %mul3A_1474 = arith.mulf %mul3A_1473, %slice3A_1471 : vector<512x128xf32>
    %tanh3A_1475 = math.tanh %mul3A_1474 : vector<512x128xf32>
    %mul3A_1476 = arith.constant 5.000000e-01 : f32
    %mul3A_1477 = vector.broadcast %mul3A_1476 : f32 to vector<512x128xf32>
    %mul3A_1478 = arith.mulf %mul3A_1477, %tanh3A_1475 : vector<512x128xf32>
    %add3A_1479 = arith.constant 5.000000e-01 : f32
    %add3A_1480 = vector.broadcast %add3A_1479 : f32 to vector<512x128xf32>
    %add3A_1481 = arith.addf %mul3A_1478, %add3A_1480 : vector<512x128xf32>
    %slice3A_1482 = vector.extract_strided_slice %add3A_1470 {offsets = [0, 128], sizes = [512, 128], strides = [1, 1]} : vector<512x512xf32> to vector<512x128xf32>
    %mul3A_1483 = arith.constant 5.000000e-01 : f32
    %mul3A_1484 = vector.broadcast %mul3A_1483 : f32 to vector<512x128xf32>
    %mul3A_1485 = arith.mulf %mul3A_1484, %slice3A_1482 : vector<512x128xf32>
    %tanh3A_1486 = math.tanh %mul3A_1485 : vector<512x128xf32>
    %mul3A_1487 = arith.constant 5.000000e-01 : f32
    %mul3A_1488 = vector.broadcast %mul3A_1487 : f32 to vector<512x128xf32>
    %mul3A_1489 = arith.mulf %mul3A_1488, %tanh3A_1486 : vector<512x128xf32>
    %add3A_1490 = arith.constant 5.000000e-01 : f32
    %add3A_1491 = vector.broadcast %add3A_1490 : f32 to vector<512x128xf32>
    %add3A_1492 = arith.addf %mul3A_1489, %add3A_1491 : vector<512x128xf32>
    %slice3A_1493 = vector.extract_strided_slice %add3A_1470 {offsets = [0, 256], sizes = [512, 128], strides = [1, 1]} : vector<512x512xf32> to vector<512x128xf32>
    %tanh3A_1494 = math.tanh %slice3A_1493 : vector<512x128xf32>
    %slice3A_1495 = vector.extract_strided_slice %add3A_1470 {offsets = [0, 384], sizes = [512, 128], strides = [1, 1]} : vector<512x512xf32> to vector<512x128xf32>
    %mul3A_1496 = arith.constant 5.000000e-01 : f32
    %mul3A_1497 = vector.broadcast %mul3A_1496 : f32 to vector<512x128xf32>
    %mul3A_1498 = arith.mulf %mul3A_1497, %slice3A_1495 : vector<512x128xf32>
    %tanh3A_1499 = math.tanh %mul3A_1498 : vector<512x128xf32>
    %mul3A_1500 = arith.constant 5.000000e-01 : f32
    %mul3A_1501 = vector.broadcast %mul3A_1500 : f32 to vector<512x128xf32>
    %mul3A_1502 = arith.mulf %mul3A_1501, %tanh3A_1499 : vector<512x128xf32>
    %add3A_1503 = arith.constant 5.000000e-01 : f32
    %add3A_1504 = vector.broadcast %add3A_1503 : f32 to vector<512x128xf32>
    %add3A_1505 = arith.addf %mul3A_1502, %add3A_1504 : vector<512x128xf32>
    %mul3A_1506 = arith.mulf %add3A_1492, %add3A_1445 : vector<512x128xf32>
    %mul3A_1507 = arith.mulf %add3A_1481, %tanh3A_1494 : vector<512x128xf32>
    %add3A_1508 = arith.addf %mul3A_1506, %mul3A_1507 : vector<512x128xf32>
    %tanh3A_1509 = math.tanh %add3A_1508 : vector<512x128xf32>
    %mul3A_1510 = arith.mulf %add3A_1505, %tanh3A_1509 : vector<512x128xf32>
    %get3A_1511 = arith.constant 24 : index
    %get3A_1512 = arith.constant 0 : index
    %get3A_1513 = arith.constant 0 : index
    %get3A_1514 = vector.load %arg1[%get3A_1511, %get3A_1512, %get3A_1513] : memref<50x512x128xf32, #tpu.memory_space<vmem>>, vector<1x512x128xf32>
    %get3A_1515 = vector.shape_cast %get3A_1514 : vector<1x512x128xf32> to vector<512x128xf32>
    %get3A_1516 = arith.constant 0 : index
    %get3A_1517 = arith.constant 24 : index
    %get3A_1518 = vector.load %arg2[%get3A_1516, %get3A_1517] : memref<512x50xi32, #tpu.memory_space<vmem>>, vector<512x1xi32>
    %ne3A_1519 = arith.constant 0 : i32
    %ne3A_1520 = vector.broadcast %ne3A_1519 : i32 to vector<512x1xi32>
    %ne3A_1521 = arith.cmpi ne, %get3A_1518, %ne3A_1520 : vector<512x1xi32>
    %slice3A_1522 = vector.extract_strided_slice %get3A_1515 {offsets = [0, 64], sizes = [512, 64], strides = [1, 1]} : vector<512x128xf32> to vector<512x64xf32>
    %slice3A_1523 = vector.extract_strided_slice %get3A_1515 {offsets = [0, 0], sizes = [512, 64], strides = [1, 1]} : vector<512x128xf32> to vector<512x64xf32>
    %broadcast_in_dim3A_1524 = vector.shape_cast %ne3A_1521 : vector<512x1xi1> to vector<512x1xi1>
    %broadcast_in_dim3A_1525 = vector.broadcast %broadcast_in_dim3A_1524 : vector<512x1xi1> to vector<512x64xi1>
    %select_n3A_1526 = arith.select %broadcast_in_dim3A_1525, %slice3A_1522, %slice3A_1523 : vector<512x64xi1>, vector<512x64xf32>
    %convert_element_type3A_1527 = arith.truncf %select_n3A_1526 : vector<512x64xf32> to vector<512x64xbf16>
    %convert_element_type3A_1528 = arith.truncf %mul3A_1510 : vector<512x128xf32> to vector<512x128xbf16>
    %concatenate3A_1529 = tpu.concatenate %convert_element_type3A_1527, %convert_element_type3A_1528 in 1 : vector<512x64xbf16>, vector<512x128xbf16> -> vector<512x192xbf16>
    %dot_general3A_1530 = arith.constant dense<0.000000e+00> : vector<512x512xf32>
    %dot_general3A_1531 = tpu.matmul %concatenate3A_1529, %get3A_1, %dot_general3A_1530 {dimension_numbers = #tpu.dot_dimension_numbers<[1], [0], [0], [1], [0, 0, 1, 1], [], []>, transpose_lhs_hint = false} : vector<512x192xbf16>, vector<192x512xbf16>, vector<512x512xf32> -> vector<512x512xf32>
    %add3A_1532 = vector.broadcast %get3A_4 : vector<1x512xf32> to vector<512x512xf32>
    %add3A_1533 = arith.addf %dot_general3A_1531, %add3A_1532 : vector<512x512xf32>
    %slice3A_1534 = vector.extract_strided_slice %add3A_1533 {offsets = [0, 0], sizes = [512, 128], strides = [1, 1]} : vector<512x512xf32> to vector<512x128xf32>
    %mul3A_1535 = arith.constant 5.000000e-01 : f32
    %mul3A_1536 = vector.broadcast %mul3A_1535 : f32 to vector<512x128xf32>
    %mul3A_1537 = arith.mulf %mul3A_1536, %slice3A_1534 : vector<512x128xf32>
    %tanh3A_1538 = math.tanh %mul3A_1537 : vector<512x128xf32>
    %mul3A_1539 = arith.constant 5.000000e-01 : f32
    %mul3A_1540 = vector.broadcast %mul3A_1539 : f32 to vector<512x128xf32>
    %mul3A_1541 = arith.mulf %mul3A_1540, %tanh3A_1538 : vector<512x128xf32>
    %add3A_1542 = arith.constant 5.000000e-01 : f32
    %add3A_1543 = vector.broadcast %add3A_1542 : f32 to vector<512x128xf32>
    %add3A_1544 = arith.addf %mul3A_1541, %add3A_1543 : vector<512x128xf32>
    %slice3A_1545 = vector.extract_strided_slice %add3A_1533 {offsets = [0, 128], sizes = [512, 128], strides = [1, 1]} : vector<512x512xf32> to vector<512x128xf32>
    %mul3A_1546 = arith.constant 5.000000e-01 : f32
    %mul3A_1547 = vector.broadcast %mul3A_1546 : f32 to vector<512x128xf32>
    %mul3A_1548 = arith.mulf %mul3A_1547, %slice3A_1545 : vector<512x128xf32>
    %tanh3A_1549 = math.tanh %mul3A_1548 : vector<512x128xf32>
    %mul3A_1550 = arith.constant 5.000000e-01 : f32
    %mul3A_1551 = vector.broadcast %mul3A_1550 : f32 to vector<512x128xf32>
    %mul3A_1552 = arith.mulf %mul3A_1551, %tanh3A_1549 : vector<512x128xf32>
    %add3A_1553 = arith.constant 5.000000e-01 : f32
    %add3A_1554 = vector.broadcast %add3A_1553 : f32 to vector<512x128xf32>
    %add3A_1555 = arith.addf %mul3A_1552, %add3A_1554 : vector<512x128xf32>
    %slice3A_1556 = vector.extract_strided_slice %add3A_1533 {offsets = [0, 256], sizes = [512, 128], strides = [1, 1]} : vector<512x512xf32> to vector<512x128xf32>
    %tanh3A_1557 = math.tanh %slice3A_1556 : vector<512x128xf32>
    %slice3A_1558 = vector.extract_strided_slice %add3A_1533 {offsets = [0, 384], sizes = [512, 128], strides = [1, 1]} : vector<512x512xf32> to vector<512x128xf32>
    %mul3A_1559 = arith.constant 5.000000e-01 : f32
    %mul3A_1560 = vector.broadcast %mul3A_1559 : f32 to vector<512x128xf32>
    %mul3A_1561 = arith.mulf %mul3A_1560, %slice3A_1558 : vector<512x128xf32>
    %tanh3A_1562 = math.tanh %mul3A_1561 : vector<512x128xf32>
    %mul3A_1563 = arith.constant 5.000000e-01 : f32
    %mul3A_1564 = vector.broadcast %mul3A_1563 : f32 to vector<512x128xf32>
    %mul3A_1565 = arith.mulf %mul3A_1564, %tanh3A_1562 : vector<512x128xf32>
    %add3A_1566 = arith.constant 5.000000e-01 : f32
    %add3A_1567 = vector.broadcast %add3A_1566 : f32 to vector<512x128xf32>
    %add3A_1568 = arith.addf %mul3A_1565, %add3A_1567 : vector<512x128xf32>
    %mul3A_1569 = arith.mulf %add3A_1555, %add3A_1508 : vector<512x128xf32>
    %mul3A_1570 = arith.mulf %add3A_1544, %tanh3A_1557 : vector<512x128xf32>
    %add3A_1571 = arith.addf %mul3A_1569, %mul3A_1570 : vector<512x128xf32>
    %tanh3A_1572 = math.tanh %add3A_1571 : vector<512x128xf32>
    %mul3A_1573 = arith.mulf %add3A_1568, %tanh3A_1572 : vector<512x128xf32>
    %get3A_1574 = arith.constant 25 : index
    %get3A_1575 = arith.constant 0 : index
    %get3A_1576 = arith.constant 0 : index
    %get3A_1577 = vector.load %arg1[%get3A_1574, %get3A_1575, %get3A_1576] : memref<50x512x128xf32, #tpu.memory_space<vmem>>, vector<1x512x128xf32>
    %get3A_1578 = vector.shape_cast %get3A_1577 : vector<1x512x128xf32> to vector<512x128xf32>
    %get3A_1579 = arith.constant 0 : index
    %get3A_1580 = arith.constant 25 : index
    %get3A_1581 = vector.load %arg2[%get3A_1579, %get3A_1580] : memref<512x50xi32, #tpu.memory_space<vmem>>, vector<512x1xi32>
    %ne3A_1582 = arith.constant 0 : i32
    %ne3A_1583 = vector.broadcast %ne3A_1582 : i32 to vector<512x1xi32>
    %ne3A_1584 = arith.cmpi ne, %get3A_1581, %ne3A_1583 : vector<512x1xi32>
    %slice3A_1585 = vector.extract_strided_slice %get3A_1578 {offsets = [0, 64], sizes = [512, 64], strides = [1, 1]} : vector<512x128xf32> to vector<512x64xf32>
    %slice3A_1586 = vector.extract_strided_slice %get3A_1578 {offsets = [0, 0], sizes = [512, 64], strides = [1, 1]} : vector<512x128xf32> to vector<512x64xf32>
    %broadcast_in_dim3A_1587 = vector.shape_cast %ne3A_1584 : vector<512x1xi1> to vector<512x1xi1>
    %broadcast_in_dim3A_1588 = vector.broadcast %broadcast_in_dim3A_1587 : vector<512x1xi1> to vector<512x64xi1>
    %select_n3A_1589 = arith.select %broadcast_in_dim3A_1588, %slice3A_1585, %slice3A_1586 : vector<512x64xi1>, vector<512x64xf32>
    %convert_element_type3A_1590 = arith.truncf %select_n3A_1589 : vector<512x64xf32> to vector<512x64xbf16>
    %convert_element_type3A_1591 = arith.truncf %mul3A_1573 : vector<512x128xf32> to vector<512x128xbf16>
    %concatenate3A_1592 = tpu.concatenate %convert_element_type3A_1590, %convert_element_type3A_1591 in 1 : vector<512x64xbf16>, vector<512x128xbf16> -> vector<512x192xbf16>
    %dot_general3A_1593 = arith.constant dense<0.000000e+00> : vector<512x512xf32>
    %dot_general3A_1594 = tpu.matmul %concatenate3A_1592, %get3A_1, %dot_general3A_1593 {dimension_numbers = #tpu.dot_dimension_numbers<[1], [0], [0], [1], [0, 0, 1, 1], [], []>, transpose_lhs_hint = false} : vector<512x192xbf16>, vector<192x512xbf16>, vector<512x512xf32> -> vector<512x512xf32>
    %add3A_1595 = vector.broadcast %get3A_4 : vector<1x512xf32> to vector<512x512xf32>
    %add3A_1596 = arith.addf %dot_general3A_1594, %add3A_1595 : vector<512x512xf32>
    %slice3A_1597 = vector.extract_strided_slice %add3A_1596 {offsets = [0, 0], sizes = [512, 128], strides = [1, 1]} : vector<512x512xf32> to vector<512x128xf32>
    %mul3A_1598 = arith.constant 5.000000e-01 : f32
    %mul3A_1599 = vector.broadcast %mul3A_1598 : f32 to vector<512x128xf32>
    %mul3A_1600 = arith.mulf %mul3A_1599, %slice3A_1597 : vector<512x128xf32>
    %tanh3A_1601 = math.tanh %mul3A_1600 : vector<512x128xf32>
    %mul3A_1602 = arith.constant 5.000000e-01 : f32
    %mul3A_1603 = vector.broadcast %mul3A_1602 : f32 to vector<512x128xf32>
    %mul3A_1604 = arith.mulf %mul3A_1603, %tanh3A_1601 : vector<512x128xf32>
    %add3A_1605 = arith.constant 5.000000e-01 : f32
    %add3A_1606 = vector.broadcast %add3A_1605 : f32 to vector<512x128xf32>
    %add3A_1607 = arith.addf %mul3A_1604, %add3A_1606 : vector<512x128xf32>
    %slice3A_1608 = vector.extract_strided_slice %add3A_1596 {offsets = [0, 128], sizes = [512, 128], strides = [1, 1]} : vector<512x512xf32> to vector<512x128xf32>
    %mul3A_1609 = arith.constant 5.000000e-01 : f32
    %mul3A_1610 = vector.broadcast %mul3A_1609 : f32 to vector<512x128xf32>
    %mul3A_1611 = arith.mulf %mul3A_1610, %slice3A_1608 : vector<512x128xf32>
    %tanh3A_1612 = math.tanh %mul3A_1611 : vector<512x128xf32>
    %mul3A_1613 = arith.constant 5.000000e-01 : f32
    %mul3A_1614 = vector.broadcast %mul3A_1613 : f32 to vector<512x128xf32>
    %mul3A_1615 = arith.mulf %mul3A_1614, %tanh3A_1612 : vector<512x128xf32>
    %add3A_1616 = arith.constant 5.000000e-01 : f32
    %add3A_1617 = vector.broadcast %add3A_1616 : f32 to vector<512x128xf32>
    %add3A_1618 = arith.addf %mul3A_1615, %add3A_1617 : vector<512x128xf32>
    %slice3A_1619 = vector.extract_strided_slice %add3A_1596 {offsets = [0, 256], sizes = [512, 128], strides = [1, 1]} : vector<512x512xf32> to vector<512x128xf32>
    %tanh3A_1620 = math.tanh %slice3A_1619 : vector<512x128xf32>
    %slice3A_1621 = vector.extract_strided_slice %add3A_1596 {offsets = [0, 384], sizes = [512, 128], strides = [1, 1]} : vector<512x512xf32> to vector<512x128xf32>
    %mul3A_1622 = arith.constant 5.000000e-01 : f32
    %mul3A_1623 = vector.broadcast %mul3A_1622 : f32 to vector<512x128xf32>
    %mul3A_1624 = arith.mulf %mul3A_1623, %slice3A_1621 : vector<512x128xf32>
    %tanh3A_1625 = math.tanh %mul3A_1624 : vector<512x128xf32>
    %mul3A_1626 = arith.constant 5.000000e-01 : f32
    %mul3A_1627 = vector.broadcast %mul3A_1626 : f32 to vector<512x128xf32>
    %mul3A_1628 = arith.mulf %mul3A_1627, %tanh3A_1625 : vector<512x128xf32>
    %add3A_1629 = arith.constant 5.000000e-01 : f32
    %add3A_1630 = vector.broadcast %add3A_1629 : f32 to vector<512x128xf32>
    %add3A_1631 = arith.addf %mul3A_1628, %add3A_1630 : vector<512x128xf32>
    %mul3A_1632 = arith.mulf %add3A_1618, %add3A_1571 : vector<512x128xf32>
    %mul3A_1633 = arith.mulf %add3A_1607, %tanh3A_1620 : vector<512x128xf32>
    %add3A_1634 = arith.addf %mul3A_1632, %mul3A_1633 : vector<512x128xf32>
    %tanh3A_1635 = math.tanh %add3A_1634 : vector<512x128xf32>
    %mul3A_1636 = arith.mulf %add3A_1631, %tanh3A_1635 : vector<512x128xf32>
    %get3A_1637 = arith.constant 26 : index
    %get3A_1638 = arith.constant 0 : index
    %get3A_1639 = arith.constant 0 : index
    %get3A_1640 = vector.load %arg1[%get3A_1637, %get3A_1638, %get3A_1639] : memref<50x512x128xf32, #tpu.memory_space<vmem>>, vector<1x512x128xf32>
    %get3A_1641 = vector.shape_cast %get3A_1640 : vector<1x512x128xf32> to vector<512x128xf32>
    %get3A_1642 = arith.constant 0 : index
    %get3A_1643 = arith.constant 26 : index
    %get3A_1644 = vector.load %arg2[%get3A_1642, %get3A_1643] : memref<512x50xi32, #tpu.memory_space<vmem>>, vector<512x1xi32>
    %ne3A_1645 = arith.constant 0 : i32
    %ne3A_1646 = vector.broadcast %ne3A_1645 : i32 to vector<512x1xi32>
    %ne3A_1647 = arith.cmpi ne, %get3A_1644, %ne3A_1646 : vector<512x1xi32>
    %slice3A_1648 = vector.extract_strided_slice %get3A_1641 {offsets = [0, 64], sizes = [512, 64], strides = [1, 1]} : vector<512x128xf32> to vector<512x64xf32>
    %slice3A_1649 = vector.extract_strided_slice %get3A_1641 {offsets = [0, 0], sizes = [512, 64], strides = [1, 1]} : vector<512x128xf32> to vector<512x64xf32>
    %broadcast_in_dim3A_1650 = vector.shape_cast %ne3A_1647 : vector<512x1xi1> to vector<512x1xi1>
    %broadcast_in_dim3A_1651 = vector.broadcast %broadcast_in_dim3A_1650 : vector<512x1xi1> to vector<512x64xi1>
    %select_n3A_1652 = arith.select %broadcast_in_dim3A_1651, %slice3A_1648, %slice3A_1649 : vector<512x64xi1>, vector<512x64xf32>
    %convert_element_type3A_1653 = arith.truncf %select_n3A_1652 : vector<512x64xf32> to vector<512x64xbf16>
    %convert_element_type3A_1654 = arith.truncf %mul3A_1636 : vector<512x128xf32> to vector<512x128xbf16>
    %concatenate3A_1655 = tpu.concatenate %convert_element_type3A_1653, %convert_element_type3A_1654 in 1 : vector<512x64xbf16>, vector<512x128xbf16> -> vector<512x192xbf16>
    %dot_general3A_1656 = arith.constant dense<0.000000e+00> : vector<512x512xf32>
    %dot_general3A_1657 = tpu.matmul %concatenate3A_1655, %get3A_1, %dot_general3A_1656 {dimension_numbers = #tpu.dot_dimension_numbers<[1], [0], [0], [1], [0, 0, 1, 1], [], []>, transpose_lhs_hint = false} : vector<512x192xbf16>, vector<192x512xbf16>, vector<512x512xf32> -> vector<512x512xf32>
    %add3A_1658 = vector.broadcast %get3A_4 : vector<1x512xf32> to vector<512x512xf32>
    %add3A_1659 = arith.addf %dot_general3A_1657, %add3A_1658 : vector<512x512xf32>
    %slice3A_1660 = vector.extract_strided_slice %add3A_1659 {offsets = [0, 0], sizes = [512, 128], strides = [1, 1]} : vector<512x512xf32> to vector<512x128xf32>
    %mul3A_1661 = arith.constant 5.000000e-01 : f32
    %mul3A_1662 = vector.broadcast %mul3A_1661 : f32 to vector<512x128xf32>
    %mul3A_1663 = arith.mulf %mul3A_1662, %slice3A_1660 : vector<512x128xf32>
    %tanh3A_1664 = math.tanh %mul3A_1663 : vector<512x128xf32>
    %mul3A_1665 = arith.constant 5.000000e-01 : f32
    %mul3A_1666 = vector.broadcast %mul3A_1665 : f32 to vector<512x128xf32>
    %mul3A_1667 = arith.mulf %mul3A_1666, %tanh3A_1664 : vector<512x128xf32>
    %add3A_1668 = arith.constant 5.000000e-01 : f32
    %add3A_1669 = vector.broadcast %add3A_1668 : f32 to vector<512x128xf32>
    %add3A_1670 = arith.addf %mul3A_1667, %add3A_1669 : vector<512x128xf32>
    %slice3A_1671 = vector.extract_strided_slice %add3A_1659 {offsets = [0, 128], sizes = [512, 128], strides = [1, 1]} : vector<512x512xf32> to vector<512x128xf32>
    %mul3A_1672 = arith.constant 5.000000e-01 : f32
    %mul3A_1673 = vector.broadcast %mul3A_1672 : f32 to vector<512x128xf32>
    %mul3A_1674 = arith.mulf %mul3A_1673, %slice3A_1671 : vector<512x128xf32>
    %tanh3A_1675 = math.tanh %mul3A_1674 : vector<512x128xf32>
    %mul3A_1676 = arith.constant 5.000000e-01 : f32
    %mul3A_1677 = vector.broadcast %mul3A_1676 : f32 to vector<512x128xf32>
    %mul3A_1678 = arith.mulf %mul3A_1677, %tanh3A_1675 : vector<512x128xf32>
    %add3A_1679 = arith.constant 5.000000e-01 : f32
    %add3A_1680 = vector.broadcast %add3A_1679 : f32 to vector<512x128xf32>
    %add3A_1681 = arith.addf %mul3A_1678, %add3A_1680 : vector<512x128xf32>
    %slice3A_1682 = vector.extract_strided_slice %add3A_1659 {offsets = [0, 256], sizes = [512, 128], strides = [1, 1]} : vector<512x512xf32> to vector<512x128xf32>
    %tanh3A_1683 = math.tanh %slice3A_1682 : vector<512x128xf32>
    %slice3A_1684 = vector.extract_strided_slice %add3A_1659 {offsets = [0, 384], sizes = [512, 128], strides = [1, 1]} : vector<512x512xf32> to vector<512x128xf32>
    %mul3A_1685 = arith.constant 5.000000e-01 : f32
    %mul3A_1686 = vector.broadcast %mul3A_1685 : f32 to vector<512x128xf32>
    %mul3A_1687 = arith.mulf %mul3A_1686, %slice3A_1684 : vector<512x128xf32>
    %tanh3A_1688 = math.tanh %mul3A_1687 : vector<512x128xf32>
    %mul3A_1689 = arith.constant 5.000000e-01 : f32
    %mul3A_1690 = vector.broadcast %mul3A_1689 : f32 to vector<512x128xf32>
    %mul3A_1691 = arith.mulf %mul3A_1690, %tanh3A_1688 : vector<512x128xf32>
    %add3A_1692 = arith.constant 5.000000e-01 : f32
    %add3A_1693 = vector.broadcast %add3A_1692 : f32 to vector<512x128xf32>
    %add3A_1694 = arith.addf %mul3A_1691, %add3A_1693 : vector<512x128xf32>
    %mul3A_1695 = arith.mulf %add3A_1681, %add3A_1634 : vector<512x128xf32>
    %mul3A_1696 = arith.mulf %add3A_1670, %tanh3A_1683 : vector<512x128xf32>
    %add3A_1697 = arith.addf %mul3A_1695, %mul3A_1696 : vector<512x128xf32>
    %tanh3A_1698 = math.tanh %add3A_1697 : vector<512x128xf32>
    %mul3A_1699 = arith.mulf %add3A_1694, %tanh3A_1698 : vector<512x128xf32>
    %get3A_1700 = arith.constant 27 : index
    %get3A_1701 = arith.constant 0 : index
    %get3A_1702 = arith.constant 0 : index
    %get3A_1703 = vector.load %arg1[%get3A_1700, %get3A_1701, %get3A_1702] : memref<50x512x128xf32, #tpu.memory_space<vmem>>, vector<1x512x128xf32>
    %get3A_1704 = vector.shape_cast %get3A_1703 : vector<1x512x128xf32> to vector<512x128xf32>
    %get3A_1705 = arith.constant 0 : index
    %get3A_1706 = arith.constant 27 : index
    %get3A_1707 = vector.load %arg2[%get3A_1705, %get3A_1706] : memref<512x50xi32, #tpu.memory_space<vmem>>, vector<512x1xi32>
    %ne3A_1708 = arith.constant 0 : i32
    %ne3A_1709 = vector.broadcast %ne3A_1708 : i32 to vector<512x1xi32>
    %ne3A_1710 = arith.cmpi ne, %get3A_1707, %ne3A_1709 : vector<512x1xi32>
    %slice3A_1711 = vector.extract_strided_slice %get3A_1704 {offsets = [0, 64], sizes = [512, 64], strides = [1, 1]} : vector<512x128xf32> to vector<512x64xf32>
    %slice3A_1712 = vector.extract_strided_slice %get3A_1704 {offsets = [0, 0], sizes = [512, 64], strides = [1, 1]} : vector<512x128xf32> to vector<512x64xf32>
    %broadcast_in_dim3A_1713 = vector.shape_cast %ne3A_1710 : vector<512x1xi1> to vector<512x1xi1>
    %broadcast_in_dim3A_1714 = vector.broadcast %broadcast_in_dim3A_1713 : vector<512x1xi1> to vector<512x64xi1>
    %select_n3A_1715 = arith.select %broadcast_in_dim3A_1714, %slice3A_1711, %slice3A_1712 : vector<512x64xi1>, vector<512x64xf32>
    %convert_element_type3A_1716 = arith.truncf %select_n3A_1715 : vector<512x64xf32> to vector<512x64xbf16>
    %convert_element_type3A_1717 = arith.truncf %mul3A_1699 : vector<512x128xf32> to vector<512x128xbf16>
    %concatenate3A_1718 = tpu.concatenate %convert_element_type3A_1716, %convert_element_type3A_1717 in 1 : vector<512x64xbf16>, vector<512x128xbf16> -> vector<512x192xbf16>
    %dot_general3A_1719 = arith.constant dense<0.000000e+00> : vector<512x512xf32>
    %dot_general3A_1720 = tpu.matmul %concatenate3A_1718, %get3A_1, %dot_general3A_1719 {dimension_numbers = #tpu.dot_dimension_numbers<[1], [0], [0], [1], [0, 0, 1, 1], [], []>, transpose_lhs_hint = false} : vector<512x192xbf16>, vector<192x512xbf16>, vector<512x512xf32> -> vector<512x512xf32>
    %add3A_1721 = vector.broadcast %get3A_4 : vector<1x512xf32> to vector<512x512xf32>
    %add3A_1722 = arith.addf %dot_general3A_1720, %add3A_1721 : vector<512x512xf32>
    %slice3A_1723 = vector.extract_strided_slice %add3A_1722 {offsets = [0, 0], sizes = [512, 128], strides = [1, 1]} : vector<512x512xf32> to vector<512x128xf32>
    %mul3A_1724 = arith.constant 5.000000e-01 : f32
    %mul3A_1725 = vector.broadcast %mul3A_1724 : f32 to vector<512x128xf32>
    %mul3A_1726 = arith.mulf %mul3A_1725, %slice3A_1723 : vector<512x128xf32>
    %tanh3A_1727 = math.tanh %mul3A_1726 : vector<512x128xf32>
    %mul3A_1728 = arith.constant 5.000000e-01 : f32
    %mul3A_1729 = vector.broadcast %mul3A_1728 : f32 to vector<512x128xf32>
    %mul3A_1730 = arith.mulf %mul3A_1729, %tanh3A_1727 : vector<512x128xf32>
    %add3A_1731 = arith.constant 5.000000e-01 : f32
    %add3A_1732 = vector.broadcast %add3A_1731 : f32 to vector<512x128xf32>
    %add3A_1733 = arith.addf %mul3A_1730, %add3A_1732 : vector<512x128xf32>
    %slice3A_1734 = vector.extract_strided_slice %add3A_1722 {offsets = [0, 128], sizes = [512, 128], strides = [1, 1]} : vector<512x512xf32> to vector<512x128xf32>
    %mul3A_1735 = arith.constant 5.000000e-01 : f32
    %mul3A_1736 = vector.broadcast %mul3A_1735 : f32 to vector<512x128xf32>
    %mul3A_1737 = arith.mulf %mul3A_1736, %slice3A_1734 : vector<512x128xf32>
    %tanh3A_1738 = math.tanh %mul3A_1737 : vector<512x128xf32>
    %mul3A_1739 = arith.constant 5.000000e-01 : f32
    %mul3A_1740 = vector.broadcast %mul3A_1739 : f32 to vector<512x128xf32>
    %mul3A_1741 = arith.mulf %mul3A_1740, %tanh3A_1738 : vector<512x128xf32>
    %add3A_1742 = arith.constant 5.000000e-01 : f32
    %add3A_1743 = vector.broadcast %add3A_1742 : f32 to vector<512x128xf32>
    %add3A_1744 = arith.addf %mul3A_1741, %add3A_1743 : vector<512x128xf32>
    %slice3A_1745 = vector.extract_strided_slice %add3A_1722 {offsets = [0, 256], sizes = [512, 128], strides = [1, 1]} : vector<512x512xf32> to vector<512x128xf32>
    %tanh3A_1746 = math.tanh %slice3A_1745 : vector<512x128xf32>
    %slice3A_1747 = vector.extract_strided_slice %add3A_1722 {offsets = [0, 384], sizes = [512, 128], strides = [1, 1]} : vector<512x512xf32> to vector<512x128xf32>
    %mul3A_1748 = arith.constant 5.000000e-01 : f32
    %mul3A_1749 = vector.broadcast %mul3A_1748 : f32 to vector<512x128xf32>
    %mul3A_1750 = arith.mulf %mul3A_1749, %slice3A_1747 : vector<512x128xf32>
    %tanh3A_1751 = math.tanh %mul3A_1750 : vector<512x128xf32>
    %mul3A_1752 = arith.constant 5.000000e-01 : f32
    %mul3A_1753 = vector.broadcast %mul3A_1752 : f32 to vector<512x128xf32>
    %mul3A_1754 = arith.mulf %mul3A_1753, %tanh3A_1751 : vector<512x128xf32>
    %add3A_1755 = arith.constant 5.000000e-01 : f32
    %add3A_1756 = vector.broadcast %add3A_1755 : f32 to vector<512x128xf32>
    %add3A_1757 = arith.addf %mul3A_1754, %add3A_1756 : vector<512x128xf32>
    %mul3A_1758 = arith.mulf %add3A_1744, %add3A_1697 : vector<512x128xf32>
    %mul3A_1759 = arith.mulf %add3A_1733, %tanh3A_1746 : vector<512x128xf32>
    %add3A_1760 = arith.addf %mul3A_1758, %mul3A_1759 : vector<512x128xf32>
    %tanh3A_1761 = math.tanh %add3A_1760 : vector<512x128xf32>
    %mul3A_1762 = arith.mulf %add3A_1757, %tanh3A_1761 : vector<512x128xf32>
    %get3A_1763 = arith.constant 28 : index
    %get3A_1764 = arith.constant 0 : index
    %get3A_1765 = arith.constant 0 : index
    %get3A_1766 = vector.load %arg1[%get3A_1763, %get3A_1764, %get3A_1765] : memref<50x512x128xf32, #tpu.memory_space<vmem>>, vector<1x512x128xf32>
    %get3A_1767 = vector.shape_cast %get3A_1766 : vector<1x512x128xf32> to vector<512x128xf32>
    %get3A_1768 = arith.constant 0 : index
    %get3A_1769 = arith.constant 28 : index
    %get3A_1770 = vector.load %arg2[%get3A_1768, %get3A_1769] : memref<512x50xi32, #tpu.memory_space<vmem>>, vector<512x1xi32>
    %ne3A_1771 = arith.constant 0 : i32
    %ne3A_1772 = vector.broadcast %ne3A_1771 : i32 to vector<512x1xi32>
    %ne3A_1773 = arith.cmpi ne, %get3A_1770, %ne3A_1772 : vector<512x1xi32>
    %slice3A_1774 = vector.extract_strided_slice %get3A_1767 {offsets = [0, 64], sizes = [512, 64], strides = [1, 1]} : vector<512x128xf32> to vector<512x64xf32>
    %slice3A_1775 = vector.extract_strided_slice %get3A_1767 {offsets = [0, 0], sizes = [512, 64], strides = [1, 1]} : vector<512x128xf32> to vector<512x64xf32>
    %broadcast_in_dim3A_1776 = vector.shape_cast %ne3A_1773 : vector<512x1xi1> to vector<512x1xi1>
    %broadcast_in_dim3A_1777 = vector.broadcast %broadcast_in_dim3A_1776 : vector<512x1xi1> to vector<512x64xi1>
    %select_n3A_1778 = arith.select %broadcast_in_dim3A_1777, %slice3A_1774, %slice3A_1775 : vector<512x64xi1>, vector<512x64xf32>
    %convert_element_type3A_1779 = arith.truncf %select_n3A_1778 : vector<512x64xf32> to vector<512x64xbf16>
    %convert_element_type3A_1780 = arith.truncf %mul3A_1762 : vector<512x128xf32> to vector<512x128xbf16>
    %concatenate3A_1781 = tpu.concatenate %convert_element_type3A_1779, %convert_element_type3A_1780 in 1 : vector<512x64xbf16>, vector<512x128xbf16> -> vector<512x192xbf16>
    %dot_general3A_1782 = arith.constant dense<0.000000e+00> : vector<512x512xf32>
    %dot_general3A_1783 = tpu.matmul %concatenate3A_1781, %get3A_1, %dot_general3A_1782 {dimension_numbers = #tpu.dot_dimension_numbers<[1], [0], [0], [1], [0, 0, 1, 1], [], []>, transpose_lhs_hint = false} : vector<512x192xbf16>, vector<192x512xbf16>, vector<512x512xf32> -> vector<512x512xf32>
    %add3A_1784 = vector.broadcast %get3A_4 : vector<1x512xf32> to vector<512x512xf32>
    %add3A_1785 = arith.addf %dot_general3A_1783, %add3A_1784 : vector<512x512xf32>
    %slice3A_1786 = vector.extract_strided_slice %add3A_1785 {offsets = [0, 0], sizes = [512, 128], strides = [1, 1]} : vector<512x512xf32> to vector<512x128xf32>
    %mul3A_1787 = arith.constant 5.000000e-01 : f32
    %mul3A_1788 = vector.broadcast %mul3A_1787 : f32 to vector<512x128xf32>
    %mul3A_1789 = arith.mulf %mul3A_1788, %slice3A_1786 : vector<512x128xf32>
    %tanh3A_1790 = math.tanh %mul3A_1789 : vector<512x128xf32>
    %mul3A_1791 = arith.constant 5.000000e-01 : f32
    %mul3A_1792 = vector.broadcast %mul3A_1791 : f32 to vector<512x128xf32>
    %mul3A_1793 = arith.mulf %mul3A_1792, %tanh3A_1790 : vector<512x128xf32>
    %add3A_1794 = arith.constant 5.000000e-01 : f32
    %add3A_1795 = vector.broadcast %add3A_1794 : f32 to vector<512x128xf32>
    %add3A_1796 = arith.addf %mul3A_1793, %add3A_1795 : vector<512x128xf32>
    %slice3A_1797 = vector.extract_strided_slice %add3A_1785 {offsets = [0, 128], sizes = [512, 128], strides = [1, 1]} : vector<512x512xf32> to vector<512x128xf32>
    %mul3A_1798 = arith.constant 5.000000e-01 : f32
    %mul3A_1799 = vector.broadcast %mul3A_1798 : f32 to vector<512x128xf32>
    %mul3A_1800 = arith.mulf %mul3A_1799, %slice3A_1797 : vector<512x128xf32>
    %tanh3A_1801 = math.tanh %mul3A_1800 : vector<512x128xf32>
    %mul3A_1802 = arith.constant 5.000000e-01 : f32
    %mul3A_1803 = vector.broadcast %mul3A_1802 : f32 to vector<512x128xf32>
    %mul3A_1804 = arith.mulf %mul3A_1803, %tanh3A_1801 : vector<512x128xf32>
    %add3A_1805 = arith.constant 5.000000e-01 : f32
    %add3A_1806 = vector.broadcast %add3A_1805 : f32 to vector<512x128xf32>
    %add3A_1807 = arith.addf %mul3A_1804, %add3A_1806 : vector<512x128xf32>
    %slice3A_1808 = vector.extract_strided_slice %add3A_1785 {offsets = [0, 256], sizes = [512, 128], strides = [1, 1]} : vector<512x512xf32> to vector<512x128xf32>
    %tanh3A_1809 = math.tanh %slice3A_1808 : vector<512x128xf32>
    %slice3A_1810 = vector.extract_strided_slice %add3A_1785 {offsets = [0, 384], sizes = [512, 128], strides = [1, 1]} : vector<512x512xf32> to vector<512x128xf32>
    %mul3A_1811 = arith.constant 5.000000e-01 : f32
    %mul3A_1812 = vector.broadcast %mul3A_1811 : f32 to vector<512x128xf32>
    %mul3A_1813 = arith.mulf %mul3A_1812, %slice3A_1810 : vector<512x128xf32>
    %tanh3A_1814 = math.tanh %mul3A_1813 : vector<512x128xf32>
    %mul3A_1815 = arith.constant 5.000000e-01 : f32
    %mul3A_1816 = vector.broadcast %mul3A_1815 : f32 to vector<512x128xf32>
    %mul3A_1817 = arith.mulf %mul3A_1816, %tanh3A_1814 : vector<512x128xf32>
    %add3A_1818 = arith.constant 5.000000e-01 : f32
    %add3A_1819 = vector.broadcast %add3A_1818 : f32 to vector<512x128xf32>
    %add3A_1820 = arith.addf %mul3A_1817, %add3A_1819 : vector<512x128xf32>
    %mul3A_1821 = arith.mulf %add3A_1807, %add3A_1760 : vector<512x128xf32>
    %mul3A_1822 = arith.mulf %add3A_1796, %tanh3A_1809 : vector<512x128xf32>
    %add3A_1823 = arith.addf %mul3A_1821, %mul3A_1822 : vector<512x128xf32>
    %tanh3A_1824 = math.tanh %add3A_1823 : vector<512x128xf32>
    %mul3A_1825 = arith.mulf %add3A_1820, %tanh3A_1824 : vector<512x128xf32>
    %get3A_1826 = arith.constant 29 : index
    %get3A_1827 = arith.constant 0 : index
    %get3A_1828 = arith.constant 0 : index
    %get3A_1829 = vector.load %arg1[%get3A_1826, %get3A_1827, %get3A_1828] : memref<50x512x128xf32, #tpu.memory_space<vmem>>, vector<1x512x128xf32>
    %get3A_1830 = vector.shape_cast %get3A_1829 : vector<1x512x128xf32> to vector<512x128xf32>
    %get3A_1831 = arith.constant 0 : index
    %get3A_1832 = arith.constant 29 : index
    %get3A_1833 = vector.load %arg2[%get3A_1831, %get3A_1832] : memref<512x50xi32, #tpu.memory_space<vmem>>, vector<512x1xi32>
    %ne3A_1834 = arith.constant 0 : i32
    %ne3A_1835 = vector.broadcast %ne3A_1834 : i32 to vector<512x1xi32>
    %ne3A_1836 = arith.cmpi ne, %get3A_1833, %ne3A_1835 : vector<512x1xi32>
    %slice3A_1837 = vector.extract_strided_slice %get3A_1830 {offsets = [0, 64], sizes = [512, 64], strides = [1, 1]} : vector<512x128xf32> to vector<512x64xf32>
    %slice3A_1838 = vector.extract_strided_slice %get3A_1830 {offsets = [0, 0], sizes = [512, 64], strides = [1, 1]} : vector<512x128xf32> to vector<512x64xf32>
    %broadcast_in_dim3A_1839 = vector.shape_cast %ne3A_1836 : vector<512x1xi1> to vector<512x1xi1>
    %broadcast_in_dim3A_1840 = vector.broadcast %broadcast_in_dim3A_1839 : vector<512x1xi1> to vector<512x64xi1>
    %select_n3A_1841 = arith.select %broadcast_in_dim3A_1840, %slice3A_1837, %slice3A_1838 : vector<512x64xi1>, vector<512x64xf32>
    %convert_element_type3A_1842 = arith.truncf %select_n3A_1841 : vector<512x64xf32> to vector<512x64xbf16>
    %convert_element_type3A_1843 = arith.truncf %mul3A_1825 : vector<512x128xf32> to vector<512x128xbf16>
    %concatenate3A_1844 = tpu.concatenate %convert_element_type3A_1842, %convert_element_type3A_1843 in 1 : vector<512x64xbf16>, vector<512x128xbf16> -> vector<512x192xbf16>
    %dot_general3A_1845 = arith.constant dense<0.000000e+00> : vector<512x512xf32>
    %dot_general3A_1846 = tpu.matmul %concatenate3A_1844, %get3A_1, %dot_general3A_1845 {dimension_numbers = #tpu.dot_dimension_numbers<[1], [0], [0], [1], [0, 0, 1, 1], [], []>, transpose_lhs_hint = false} : vector<512x192xbf16>, vector<192x512xbf16>, vector<512x512xf32> -> vector<512x512xf32>
    %add3A_1847 = vector.broadcast %get3A_4 : vector<1x512xf32> to vector<512x512xf32>
    %add3A_1848 = arith.addf %dot_general3A_1846, %add3A_1847 : vector<512x512xf32>
    %slice3A_1849 = vector.extract_strided_slice %add3A_1848 {offsets = [0, 0], sizes = [512, 128], strides = [1, 1]} : vector<512x512xf32> to vector<512x128xf32>
    %mul3A_1850 = arith.constant 5.000000e-01 : f32
    %mul3A_1851 = vector.broadcast %mul3A_1850 : f32 to vector<512x128xf32>
    %mul3A_1852 = arith.mulf %mul3A_1851, %slice3A_1849 : vector<512x128xf32>
    %tanh3A_1853 = math.tanh %mul3A_1852 : vector<512x128xf32>
    %mul3A_1854 = arith.constant 5.000000e-01 : f32
    %mul3A_1855 = vector.broadcast %mul3A_1854 : f32 to vector<512x128xf32>
    %mul3A_1856 = arith.mulf %mul3A_1855, %tanh3A_1853 : vector<512x128xf32>
    %add3A_1857 = arith.constant 5.000000e-01 : f32
    %add3A_1858 = vector.broadcast %add3A_1857 : f32 to vector<512x128xf32>
    %add3A_1859 = arith.addf %mul3A_1856, %add3A_1858 : vector<512x128xf32>
    %slice3A_1860 = vector.extract_strided_slice %add3A_1848 {offsets = [0, 128], sizes = [512, 128], strides = [1, 1]} : vector<512x512xf32> to vector<512x128xf32>
    %mul3A_1861 = arith.constant 5.000000e-01 : f32
    %mul3A_1862 = vector.broadcast %mul3A_1861 : f32 to vector<512x128xf32>
    %mul3A_1863 = arith.mulf %mul3A_1862, %slice3A_1860 : vector<512x128xf32>
    %tanh3A_1864 = math.tanh %mul3A_1863 : vector<512x128xf32>
    %mul3A_1865 = arith.constant 5.000000e-01 : f32
    %mul3A_1866 = vector.broadcast %mul3A_1865 : f32 to vector<512x128xf32>
    %mul3A_1867 = arith.mulf %mul3A_1866, %tanh3A_1864 : vector<512x128xf32>
    %add3A_1868 = arith.constant 5.000000e-01 : f32
    %add3A_1869 = vector.broadcast %add3A_1868 : f32 to vector<512x128xf32>
    %add3A_1870 = arith.addf %mul3A_1867, %add3A_1869 : vector<512x128xf32>
    %slice3A_1871 = vector.extract_strided_slice %add3A_1848 {offsets = [0, 256], sizes = [512, 128], strides = [1, 1]} : vector<512x512xf32> to vector<512x128xf32>
    %tanh3A_1872 = math.tanh %slice3A_1871 : vector<512x128xf32>
    %slice3A_1873 = vector.extract_strided_slice %add3A_1848 {offsets = [0, 384], sizes = [512, 128], strides = [1, 1]} : vector<512x512xf32> to vector<512x128xf32>
    %mul3A_1874 = arith.constant 5.000000e-01 : f32
    %mul3A_1875 = vector.broadcast %mul3A_1874 : f32 to vector<512x128xf32>
    %mul3A_1876 = arith.mulf %mul3A_1875, %slice3A_1873 : vector<512x128xf32>
    %tanh3A_1877 = math.tanh %mul3A_1876 : vector<512x128xf32>
    %mul3A_1878 = arith.constant 5.000000e-01 : f32
    %mul3A_1879 = vector.broadcast %mul3A_1878 : f32 to vector<512x128xf32>
    %mul3A_1880 = arith.mulf %mul3A_1879, %tanh3A_1877 : vector<512x128xf32>
    %add3A_1881 = arith.constant 5.000000e-01 : f32
    %add3A_1882 = vector.broadcast %add3A_1881 : f32 to vector<512x128xf32>
    %add3A_1883 = arith.addf %mul3A_1880, %add3A_1882 : vector<512x128xf32>
    %mul3A_1884 = arith.mulf %add3A_1870, %add3A_1823 : vector<512x128xf32>
    %mul3A_1885 = arith.mulf %add3A_1859, %tanh3A_1872 : vector<512x128xf32>
    %add3A_1886 = arith.addf %mul3A_1884, %mul3A_1885 : vector<512x128xf32>
    %tanh3A_1887 = math.tanh %add3A_1886 : vector<512x128xf32>
    %mul3A_1888 = arith.mulf %add3A_1883, %tanh3A_1887 : vector<512x128xf32>
    %get3A_1889 = arith.constant 30 : index
    %get3A_1890 = arith.constant 0 : index
    %get3A_1891 = arith.constant 0 : index
    %get3A_1892 = vector.load %arg1[%get3A_1889, %get3A_1890, %get3A_1891] : memref<50x512x128xf32, #tpu.memory_space<vmem>>, vector<1x512x128xf32>
    %get3A_1893 = vector.shape_cast %get3A_1892 : vector<1x512x128xf32> to vector<512x128xf32>
    %get3A_1894 = arith.constant 0 : index
    %get3A_1895 = arith.constant 30 : index
    %get3A_1896 = vector.load %arg2[%get3A_1894, %get3A_1895] : memref<512x50xi32, #tpu.memory_space<vmem>>, vector<512x1xi32>
    %ne3A_1897 = arith.constant 0 : i32
    %ne3A_1898 = vector.broadcast %ne3A_1897 : i32 to vector<512x1xi32>
    %ne3A_1899 = arith.cmpi ne, %get3A_1896, %ne3A_1898 : vector<512x1xi32>
    %slice3A_1900 = vector.extract_strided_slice %get3A_1893 {offsets = [0, 64], sizes = [512, 64], strides = [1, 1]} : vector<512x128xf32> to vector<512x64xf32>
    %slice3A_1901 = vector.extract_strided_slice %get3A_1893 {offsets = [0, 0], sizes = [512, 64], strides = [1, 1]} : vector<512x128xf32> to vector<512x64xf32>
    %broadcast_in_dim3A_1902 = vector.shape_cast %ne3A_1899 : vector<512x1xi1> to vector<512x1xi1>
    %broadcast_in_dim3A_1903 = vector.broadcast %broadcast_in_dim3A_1902 : vector<512x1xi1> to vector<512x64xi1>
    %select_n3A_1904 = arith.select %broadcast_in_dim3A_1903, %slice3A_1900, %slice3A_1901 : vector<512x64xi1>, vector<512x64xf32>
    %convert_element_type3A_1905 = arith.truncf %select_n3A_1904 : vector<512x64xf32> to vector<512x64xbf16>
    %convert_element_type3A_1906 = arith.truncf %mul3A_1888 : vector<512x128xf32> to vector<512x128xbf16>
    %concatenate3A_1907 = tpu.concatenate %convert_element_type3A_1905, %convert_element_type3A_1906 in 1 : vector<512x64xbf16>, vector<512x128xbf16> -> vector<512x192xbf16>
    %dot_general3A_1908 = arith.constant dense<0.000000e+00> : vector<512x512xf32>
    %dot_general3A_1909 = tpu.matmul %concatenate3A_1907, %get3A_1, %dot_general3A_1908 {dimension_numbers = #tpu.dot_dimension_numbers<[1], [0], [0], [1], [0, 0, 1, 1], [], []>, transpose_lhs_hint = false} : vector<512x192xbf16>, vector<192x512xbf16>, vector<512x512xf32> -> vector<512x512xf32>
    %add3A_1910 = vector.broadcast %get3A_4 : vector<1x512xf32> to vector<512x512xf32>
    %add3A_1911 = arith.addf %dot_general3A_1909, %add3A_1910 : vector<512x512xf32>
    %slice3A_1912 = vector.extract_strided_slice %add3A_1911 {offsets = [0, 0], sizes = [512, 128], strides = [1, 1]} : vector<512x512xf32> to vector<512x128xf32>
    %mul3A_1913 = arith.constant 5.000000e-01 : f32
    %mul3A_1914 = vector.broadcast %mul3A_1913 : f32 to vector<512x128xf32>
    %mul3A_1915 = arith.mulf %mul3A_1914, %slice3A_1912 : vector<512x128xf32>
    %tanh3A_1916 = math.tanh %mul3A_1915 : vector<512x128xf32>
    %mul3A_1917 = arith.constant 5.000000e-01 : f32
    %mul3A_1918 = vector.broadcast %mul3A_1917 : f32 to vector<512x128xf32>
    %mul3A_1919 = arith.mulf %mul3A_1918, %tanh3A_1916 : vector<512x128xf32>
    %add3A_1920 = arith.constant 5.000000e-01 : f32
    %add3A_1921 = vector.broadcast %add3A_1920 : f32 to vector<512x128xf32>
    %add3A_1922 = arith.addf %mul3A_1919, %add3A_1921 : vector<512x128xf32>
    %slice3A_1923 = vector.extract_strided_slice %add3A_1911 {offsets = [0, 128], sizes = [512, 128], strides = [1, 1]} : vector<512x512xf32> to vector<512x128xf32>
    %mul3A_1924 = arith.constant 5.000000e-01 : f32
    %mul3A_1925 = vector.broadcast %mul3A_1924 : f32 to vector<512x128xf32>
    %mul3A_1926 = arith.mulf %mul3A_1925, %slice3A_1923 : vector<512x128xf32>
    %tanh3A_1927 = math.tanh %mul3A_1926 : vector<512x128xf32>
    %mul3A_1928 = arith.constant 5.000000e-01 : f32
    %mul3A_1929 = vector.broadcast %mul3A_1928 : f32 to vector<512x128xf32>
    %mul3A_1930 = arith.mulf %mul3A_1929, %tanh3A_1927 : vector<512x128xf32>
    %add3A_1931 = arith.constant 5.000000e-01 : f32
    %add3A_1932 = vector.broadcast %add3A_1931 : f32 to vector<512x128xf32>
    %add3A_1933 = arith.addf %mul3A_1930, %add3A_1932 : vector<512x128xf32>
    %slice3A_1934 = vector.extract_strided_slice %add3A_1911 {offsets = [0, 256], sizes = [512, 128], strides = [1, 1]} : vector<512x512xf32> to vector<512x128xf32>
    %tanh3A_1935 = math.tanh %slice3A_1934 : vector<512x128xf32>
    %slice3A_1936 = vector.extract_strided_slice %add3A_1911 {offsets = [0, 384], sizes = [512, 128], strides = [1, 1]} : vector<512x512xf32> to vector<512x128xf32>
    %mul3A_1937 = arith.constant 5.000000e-01 : f32
    %mul3A_1938 = vector.broadcast %mul3A_1937 : f32 to vector<512x128xf32>
    %mul3A_1939 = arith.mulf %mul3A_1938, %slice3A_1936 : vector<512x128xf32>
    %tanh3A_1940 = math.tanh %mul3A_1939 : vector<512x128xf32>
    %mul3A_1941 = arith.constant 5.000000e-01 : f32
    %mul3A_1942 = vector.broadcast %mul3A_1941 : f32 to vector<512x128xf32>
    %mul3A_1943 = arith.mulf %mul3A_1942, %tanh3A_1940 : vector<512x128xf32>
    %add3A_1944 = arith.constant 5.000000e-01 : f32
    %add3A_1945 = vector.broadcast %add3A_1944 : f32 to vector<512x128xf32>
    %add3A_1946 = arith.addf %mul3A_1943, %add3A_1945 : vector<512x128xf32>
    %mul3A_1947 = arith.mulf %add3A_1933, %add3A_1886 : vector<512x128xf32>
    %mul3A_1948 = arith.mulf %add3A_1922, %tanh3A_1935 : vector<512x128xf32>
    %add3A_1949 = arith.addf %mul3A_1947, %mul3A_1948 : vector<512x128xf32>
    %tanh3A_1950 = math.tanh %add3A_1949 : vector<512x128xf32>
    %mul3A_1951 = arith.mulf %add3A_1946, %tanh3A_1950 : vector<512x128xf32>
    %get3A_1952 = arith.constant 31 : index
    %get3A_1953 = arith.constant 0 : index
    %get3A_1954 = arith.constant 0 : index
    %get3A_1955 = vector.load %arg1[%get3A_1952, %get3A_1953, %get3A_1954] : memref<50x512x128xf32, #tpu.memory_space<vmem>>, vector<1x512x128xf32>
    %get3A_1956 = vector.shape_cast %get3A_1955 : vector<1x512x128xf32> to vector<512x128xf32>
    %get3A_1957 = arith.constant 0 : index
    %get3A_1958 = arith.constant 31 : index
    %get3A_1959 = vector.load %arg2[%get3A_1957, %get3A_1958] : memref<512x50xi32, #tpu.memory_space<vmem>>, vector<512x1xi32>
    %ne3A_1960 = arith.constant 0 : i32
    %ne3A_1961 = vector.broadcast %ne3A_1960 : i32 to vector<512x1xi32>
    %ne3A_1962 = arith.cmpi ne, %get3A_1959, %ne3A_1961 : vector<512x1xi32>
    %slice3A_1963 = vector.extract_strided_slice %get3A_1956 {offsets = [0, 64], sizes = [512, 64], strides = [1, 1]} : vector<512x128xf32> to vector<512x64xf32>
    %slice3A_1964 = vector.extract_strided_slice %get3A_1956 {offsets = [0, 0], sizes = [512, 64], strides = [1, 1]} : vector<512x128xf32> to vector<512x64xf32>
    %broadcast_in_dim3A_1965 = vector.shape_cast %ne3A_1962 : vector<512x1xi1> to vector<512x1xi1>
    %broadcast_in_dim3A_1966 = vector.broadcast %broadcast_in_dim3A_1965 : vector<512x1xi1> to vector<512x64xi1>
    %select_n3A_1967 = arith.select %broadcast_in_dim3A_1966, %slice3A_1963, %slice3A_1964 : vector<512x64xi1>, vector<512x64xf32>
    %convert_element_type3A_1968 = arith.truncf %select_n3A_1967 : vector<512x64xf32> to vector<512x64xbf16>
    %convert_element_type3A_1969 = arith.truncf %mul3A_1951 : vector<512x128xf32> to vector<512x128xbf16>
    %concatenate3A_1970 = tpu.concatenate %convert_element_type3A_1968, %convert_element_type3A_1969 in 1 : vector<512x64xbf16>, vector<512x128xbf16> -> vector<512x192xbf16>
    %dot_general3A_1971 = arith.constant dense<0.000000e+00> : vector<512x512xf32>
    %dot_general3A_1972 = tpu.matmul %concatenate3A_1970, %get3A_1, %dot_general3A_1971 {dimension_numbers = #tpu.dot_dimension_numbers<[1], [0], [0], [1], [0, 0, 1, 1], [], []>, transpose_lhs_hint = false} : vector<512x192xbf16>, vector<192x512xbf16>, vector<512x512xf32> -> vector<512x512xf32>
    %add3A_1973 = vector.broadcast %get3A_4 : vector<1x512xf32> to vector<512x512xf32>
    %add3A_1974 = arith.addf %dot_general3A_1972, %add3A_1973 : vector<512x512xf32>
    %slice3A_1975 = vector.extract_strided_slice %add3A_1974 {offsets = [0, 0], sizes = [512, 128], strides = [1, 1]} : vector<512x512xf32> to vector<512x128xf32>
    %mul3A_1976 = arith.constant 5.000000e-01 : f32
    %mul3A_1977 = vector.broadcast %mul3A_1976 : f32 to vector<512x128xf32>
    %mul3A_1978 = arith.mulf %mul3A_1977, %slice3A_1975 : vector<512x128xf32>
    %tanh3A_1979 = math.tanh %mul3A_1978 : vector<512x128xf32>
    %mul3A_1980 = arith.constant 5.000000e-01 : f32
    %mul3A_1981 = vector.broadcast %mul3A_1980 : f32 to vector<512x128xf32>
    %mul3A_1982 = arith.mulf %mul3A_1981, %tanh3A_1979 : vector<512x128xf32>
    %add3A_1983 = arith.constant 5.000000e-01 : f32
    %add3A_1984 = vector.broadcast %add3A_1983 : f32 to vector<512x128xf32>
    %add3A_1985 = arith.addf %mul3A_1982, %add3A_1984 : vector<512x128xf32>
    %slice3A_1986 = vector.extract_strided_slice %add3A_1974 {offsets = [0, 128], sizes = [512, 128], strides = [1, 1]} : vector<512x512xf32> to vector<512x128xf32>
    %mul3A_1987 = arith.constant 5.000000e-01 : f32
    %mul3A_1988 = vector.broadcast %mul3A_1987 : f32 to vector<512x128xf32>
    %mul3A_1989 = arith.mulf %mul3A_1988, %slice3A_1986 : vector<512x128xf32>
    %tanh3A_1990 = math.tanh %mul3A_1989 : vector<512x128xf32>
    %mul3A_1991 = arith.constant 5.000000e-01 : f32
    %mul3A_1992 = vector.broadcast %mul3A_1991 : f32 to vector<512x128xf32>
    %mul3A_1993 = arith.mulf %mul3A_1992, %tanh3A_1990 : vector<512x128xf32>
    %add3A_1994 = arith.constant 5.000000e-01 : f32
    %add3A_1995 = vector.broadcast %add3A_1994 : f32 to vector<512x128xf32>
    %add3A_1996 = arith.addf %mul3A_1993, %add3A_1995 : vector<512x128xf32>
    %slice3A_1997 = vector.extract_strided_slice %add3A_1974 {offsets = [0, 256], sizes = [512, 128], strides = [1, 1]} : vector<512x512xf32> to vector<512x128xf32>
    %tanh3A_1998 = math.tanh %slice3A_1997 : vector<512x128xf32>
    %slice3A_1999 = vector.extract_strided_slice %add3A_1974 {offsets = [0, 384], sizes = [512, 128], strides = [1, 1]} : vector<512x512xf32> to vector<512x128xf32>
    %mul3A_2000 = arith.constant 5.000000e-01 : f32
    %mul3A_2001 = vector.broadcast %mul3A_2000 : f32 to vector<512x128xf32>
    %mul3A_2002 = arith.mulf %mul3A_2001, %slice3A_1999 : vector<512x128xf32>
    %tanh3A_2003 = math.tanh %mul3A_2002 : vector<512x128xf32>
    %mul3A_2004 = arith.constant 5.000000e-01 : f32
    %mul3A_2005 = vector.broadcast %mul3A_2004 : f32 to vector<512x128xf32>
    %mul3A_2006 = arith.mulf %mul3A_2005, %tanh3A_2003 : vector<512x128xf32>
    %add3A_2007 = arith.constant 5.000000e-01 : f32
    %add3A_2008 = vector.broadcast %add3A_2007 : f32 to vector<512x128xf32>
    %add3A_2009 = arith.addf %mul3A_2006, %add3A_2008 : vector<512x128xf32>
    %mul3A_2010 = arith.mulf %add3A_1996, %add3A_1949 : vector<512x128xf32>
    %mul3A_2011 = arith.mulf %add3A_1985, %tanh3A_1998 : vector<512x128xf32>
    %add3A_2012 = arith.addf %mul3A_2010, %mul3A_2011 : vector<512x128xf32>
    %tanh3A_2013 = math.tanh %add3A_2012 : vector<512x128xf32>
    %mul3A_2014 = arith.mulf %add3A_2009, %tanh3A_2013 : vector<512x128xf32>
    %get3A_2015 = arith.constant 32 : index
    %get3A_2016 = arith.constant 0 : index
    %get3A_2017 = arith.constant 0 : index
    %get3A_2018 = vector.load %arg1[%get3A_2015, %get3A_2016, %get3A_2017] : memref<50x512x128xf32, #tpu.memory_space<vmem>>, vector<1x512x128xf32>
    %get3A_2019 = vector.shape_cast %get3A_2018 : vector<1x512x128xf32> to vector<512x128xf32>
    %get3A_2020 = arith.constant 0 : index
    %get3A_2021 = arith.constant 32 : index
    %get3A_2022 = vector.load %arg2[%get3A_2020, %get3A_2021] : memref<512x50xi32, #tpu.memory_space<vmem>>, vector<512x1xi32>
    %ne3A_2023 = arith.constant 0 : i32
    %ne3A_2024 = vector.broadcast %ne3A_2023 : i32 to vector<512x1xi32>
    %ne3A_2025 = arith.cmpi ne, %get3A_2022, %ne3A_2024 : vector<512x1xi32>
    %slice3A_2026 = vector.extract_strided_slice %get3A_2019 {offsets = [0, 64], sizes = [512, 64], strides = [1, 1]} : vector<512x128xf32> to vector<512x64xf32>
    %slice3A_2027 = vector.extract_strided_slice %get3A_2019 {offsets = [0, 0], sizes = [512, 64], strides = [1, 1]} : vector<512x128xf32> to vector<512x64xf32>
    %broadcast_in_dim3A_2028 = vector.shape_cast %ne3A_2025 : vector<512x1xi1> to vector<512x1xi1>
    %broadcast_in_dim3A_2029 = vector.broadcast %broadcast_in_dim3A_2028 : vector<512x1xi1> to vector<512x64xi1>
    %select_n3A_2030 = arith.select %broadcast_in_dim3A_2029, %slice3A_2026, %slice3A_2027 : vector<512x64xi1>, vector<512x64xf32>
    %convert_element_type3A_2031 = arith.truncf %select_n3A_2030 : vector<512x64xf32> to vector<512x64xbf16>
    %convert_element_type3A_2032 = arith.truncf %mul3A_2014 : vector<512x128xf32> to vector<512x128xbf16>
    %concatenate3A_2033 = tpu.concatenate %convert_element_type3A_2031, %convert_element_type3A_2032 in 1 : vector<512x64xbf16>, vector<512x128xbf16> -> vector<512x192xbf16>
    %dot_general3A_2034 = arith.constant dense<0.000000e+00> : vector<512x512xf32>
    %dot_general3A_2035 = tpu.matmul %concatenate3A_2033, %get3A_1, %dot_general3A_2034 {dimension_numbers = #tpu.dot_dimension_numbers<[1], [0], [0], [1], [0, 0, 1, 1], [], []>, transpose_lhs_hint = false} : vector<512x192xbf16>, vector<192x512xbf16>, vector<512x512xf32> -> vector<512x512xf32>
    %add3A_2036 = vector.broadcast %get3A_4 : vector<1x512xf32> to vector<512x512xf32>
    %add3A_2037 = arith.addf %dot_general3A_2035, %add3A_2036 : vector<512x512xf32>
    %slice3A_2038 = vector.extract_strided_slice %add3A_2037 {offsets = [0, 0], sizes = [512, 128], strides = [1, 1]} : vector<512x512xf32> to vector<512x128xf32>
    %mul3A_2039 = arith.constant 5.000000e-01 : f32
    %mul3A_2040 = vector.broadcast %mul3A_2039 : f32 to vector<512x128xf32>
    %mul3A_2041 = arith.mulf %mul3A_2040, %slice3A_2038 : vector<512x128xf32>
    %tanh3A_2042 = math.tanh %mul3A_2041 : vector<512x128xf32>
    %mul3A_2043 = arith.constant 5.000000e-01 : f32
    %mul3A_2044 = vector.broadcast %mul3A_2043 : f32 to vector<512x128xf32>
    %mul3A_2045 = arith.mulf %mul3A_2044, %tanh3A_2042 : vector<512x128xf32>
    %add3A_2046 = arith.constant 5.000000e-01 : f32
    %add3A_2047 = vector.broadcast %add3A_2046 : f32 to vector<512x128xf32>
    %add3A_2048 = arith.addf %mul3A_2045, %add3A_2047 : vector<512x128xf32>
    %slice3A_2049 = vector.extract_strided_slice %add3A_2037 {offsets = [0, 128], sizes = [512, 128], strides = [1, 1]} : vector<512x512xf32> to vector<512x128xf32>
    %mul3A_2050 = arith.constant 5.000000e-01 : f32
    %mul3A_2051 = vector.broadcast %mul3A_2050 : f32 to vector<512x128xf32>
    %mul3A_2052 = arith.mulf %mul3A_2051, %slice3A_2049 : vector<512x128xf32>
    %tanh3A_2053 = math.tanh %mul3A_2052 : vector<512x128xf32>
    %mul3A_2054 = arith.constant 5.000000e-01 : f32
    %mul3A_2055 = vector.broadcast %mul3A_2054 : f32 to vector<512x128xf32>
    %mul3A_2056 = arith.mulf %mul3A_2055, %tanh3A_2053 : vector<512x128xf32>
    %add3A_2057 = arith.constant 5.000000e-01 : f32
    %add3A_2058 = vector.broadcast %add3A_2057 : f32 to vector<512x128xf32>
    %add3A_2059 = arith.addf %mul3A_2056, %add3A_2058 : vector<512x128xf32>
    %slice3A_2060 = vector.extract_strided_slice %add3A_2037 {offsets = [0, 256], sizes = [512, 128], strides = [1, 1]} : vector<512x512xf32> to vector<512x128xf32>
    %tanh3A_2061 = math.tanh %slice3A_2060 : vector<512x128xf32>
    %slice3A_2062 = vector.extract_strided_slice %add3A_2037 {offsets = [0, 384], sizes = [512, 128], strides = [1, 1]} : vector<512x512xf32> to vector<512x128xf32>
    %mul3A_2063 = arith.constant 5.000000e-01 : f32
    %mul3A_2064 = vector.broadcast %mul3A_2063 : f32 to vector<512x128xf32>
    %mul3A_2065 = arith.mulf %mul3A_2064, %slice3A_2062 : vector<512x128xf32>
    %tanh3A_2066 = math.tanh %mul3A_2065 : vector<512x128xf32>
    %mul3A_2067 = arith.constant 5.000000e-01 : f32
    %mul3A_2068 = vector.broadcast %mul3A_2067 : f32 to vector<512x128xf32>
    %mul3A_2069 = arith.mulf %mul3A_2068, %tanh3A_2066 : vector<512x128xf32>
    %add3A_2070 = arith.constant 5.000000e-01 : f32
    %add3A_2071 = vector.broadcast %add3A_2070 : f32 to vector<512x128xf32>
    %add3A_2072 = arith.addf %mul3A_2069, %add3A_2071 : vector<512x128xf32>
    %mul3A_2073 = arith.mulf %add3A_2059, %add3A_2012 : vector<512x128xf32>
    %mul3A_2074 = arith.mulf %add3A_2048, %tanh3A_2061 : vector<512x128xf32>
    %add3A_2075 = arith.addf %mul3A_2073, %mul3A_2074 : vector<512x128xf32>
    %tanh3A_2076 = math.tanh %add3A_2075 : vector<512x128xf32>
    %mul3A_2077 = arith.mulf %add3A_2072, %tanh3A_2076 : vector<512x128xf32>
    %get3A_2078 = arith.constant 33 : index
    %get3A_2079 = arith.constant 0 : index
    %get3A_2080 = arith.constant 0 : index
    %get3A_2081 = vector.load %arg1[%get3A_2078, %get3A_2079, %get3A_2080] : memref<50x512x128xf32, #tpu.memory_space<vmem>>, vector<1x512x128xf32>
    %get3A_2082 = vector.shape_cast %get3A_2081 : vector<1x512x128xf32> to vector<512x128xf32>
    %get3A_2083 = arith.constant 0 : index
    %get3A_2084 = arith.constant 33 : index
    %get3A_2085 = vector.load %arg2[%get3A_2083, %get3A_2084] : memref<512x50xi32, #tpu.memory_space<vmem>>, vector<512x1xi32>
    %ne3A_2086 = arith.constant 0 : i32
    %ne3A_2087 = vector.broadcast %ne3A_2086 : i32 to vector<512x1xi32>
    %ne3A_2088 = arith.cmpi ne, %get3A_2085, %ne3A_2087 : vector<512x1xi32>
    %slice3A_2089 = vector.extract_strided_slice %get3A_2082 {offsets = [0, 64], sizes = [512, 64], strides = [1, 1]} : vector<512x128xf32> to vector<512x64xf32>
    %slice3A_2090 = vector.extract_strided_slice %get3A_2082 {offsets = [0, 0], sizes = [512, 64], strides = [1, 1]} : vector<512x128xf32> to vector<512x64xf32>
    %broadcast_in_dim3A_2091 = vector.shape_cast %ne3A_2088 : vector<512x1xi1> to vector<512x1xi1>
    %broadcast_in_dim3A_2092 = vector.broadcast %broadcast_in_dim3A_2091 : vector<512x1xi1> to vector<512x64xi1>
    %select_n3A_2093 = arith.select %broadcast_in_dim3A_2092, %slice3A_2089, %slice3A_2090 : vector<512x64xi1>, vector<512x64xf32>
    %convert_element_type3A_2094 = arith.truncf %select_n3A_2093 : vector<512x64xf32> to vector<512x64xbf16>
    %convert_element_type3A_2095 = arith.truncf %mul3A_2077 : vector<512x128xf32> to vector<512x128xbf16>
    %concatenate3A_2096 = tpu.concatenate %convert_element_type3A_2094, %convert_element_type3A_2095 in 1 : vector<512x64xbf16>, vector<512x128xbf16> -> vector<512x192xbf16>
    %dot_general3A_2097 = arith.constant dense<0.000000e+00> : vector<512x512xf32>
    %dot_general3A_2098 = tpu.matmul %concatenate3A_2096, %get3A_1, %dot_general3A_2097 {dimension_numbers = #tpu.dot_dimension_numbers<[1], [0], [0], [1], [0, 0, 1, 1], [], []>, transpose_lhs_hint = false} : vector<512x192xbf16>, vector<192x512xbf16>, vector<512x512xf32> -> vector<512x512xf32>
    %add3A_2099 = vector.broadcast %get3A_4 : vector<1x512xf32> to vector<512x512xf32>
    %add3A_2100 = arith.addf %dot_general3A_2098, %add3A_2099 : vector<512x512xf32>
    %slice3A_2101 = vector.extract_strided_slice %add3A_2100 {offsets = [0, 0], sizes = [512, 128], strides = [1, 1]} : vector<512x512xf32> to vector<512x128xf32>
    %mul3A_2102 = arith.constant 5.000000e-01 : f32
    %mul3A_2103 = vector.broadcast %mul3A_2102 : f32 to vector<512x128xf32>
    %mul3A_2104 = arith.mulf %mul3A_2103, %slice3A_2101 : vector<512x128xf32>
    %tanh3A_2105 = math.tanh %mul3A_2104 : vector<512x128xf32>
    %mul3A_2106 = arith.constant 5.000000e-01 : f32
    %mul3A_2107 = vector.broadcast %mul3A_2106 : f32 to vector<512x128xf32>
    %mul3A_2108 = arith.mulf %mul3A_2107, %tanh3A_2105 : vector<512x128xf32>
    %add3A_2109 = arith.constant 5.000000e-01 : f32
    %add3A_2110 = vector.broadcast %add3A_2109 : f32 to vector<512x128xf32>
    %add3A_2111 = arith.addf %mul3A_2108, %add3A_2110 : vector<512x128xf32>
    %slice3A_2112 = vector.extract_strided_slice %add3A_2100 {offsets = [0, 128], sizes = [512, 128], strides = [1, 1]} : vector<512x512xf32> to vector<512x128xf32>
    %mul3A_2113 = arith.constant 5.000000e-01 : f32
    %mul3A_2114 = vector.broadcast %mul3A_2113 : f32 to vector<512x128xf32>
    %mul3A_2115 = arith.mulf %mul3A_2114, %slice3A_2112 : vector<512x128xf32>
    %tanh3A_2116 = math.tanh %mul3A_2115 : vector<512x128xf32>
    %mul3A_2117 = arith.constant 5.000000e-01 : f32
    %mul3A_2118 = vector.broadcast %mul3A_2117 : f32 to vector<512x128xf32>
    %mul3A_2119 = arith.mulf %mul3A_2118, %tanh3A_2116 : vector<512x128xf32>
    %add3A_2120 = arith.constant 5.000000e-01 : f32
    %add3A_2121 = vector.broadcast %add3A_2120 : f32 to vector<512x128xf32>
    %add3A_2122 = arith.addf %mul3A_2119, %add3A_2121 : vector<512x128xf32>
    %slice3A_2123 = vector.extract_strided_slice %add3A_2100 {offsets = [0, 256], sizes = [512, 128], strides = [1, 1]} : vector<512x512xf32> to vector<512x128xf32>
    %tanh3A_2124 = math.tanh %slice3A_2123 : vector<512x128xf32>
    %slice3A_2125 = vector.extract_strided_slice %add3A_2100 {offsets = [0, 384], sizes = [512, 128], strides = [1, 1]} : vector<512x512xf32> to vector<512x128xf32>
    %mul3A_2126 = arith.constant 5.000000e-01 : f32
    %mul3A_2127 = vector.broadcast %mul3A_2126 : f32 to vector<512x128xf32>
    %mul3A_2128 = arith.mulf %mul3A_2127, %slice3A_2125 : vector<512x128xf32>
    %tanh3A_2129 = math.tanh %mul3A_2128 : vector<512x128xf32>
    %mul3A_2130 = arith.constant 5.000000e-01 : f32
    %mul3A_2131 = vector.broadcast %mul3A_2130 : f32 to vector<512x128xf32>
    %mul3A_2132 = arith.mulf %mul3A_2131, %tanh3A_2129 : vector<512x128xf32>
    %add3A_2133 = arith.constant 5.000000e-01 : f32
    %add3A_2134 = vector.broadcast %add3A_2133 : f32 to vector<512x128xf32>
    %add3A_2135 = arith.addf %mul3A_2132, %add3A_2134 : vector<512x128xf32>
    %mul3A_2136 = arith.mulf %add3A_2122, %add3A_2075 : vector<512x128xf32>
    %mul3A_2137 = arith.mulf %add3A_2111, %tanh3A_2124 : vector<512x128xf32>
    %add3A_2138 = arith.addf %mul3A_2136, %mul3A_2137 : vector<512x128xf32>
    %tanh3A_2139 = math.tanh %add3A_2138 : vector<512x128xf32>
    %mul3A_2140 = arith.mulf %add3A_2135, %tanh3A_2139 : vector<512x128xf32>
    %get3A_2141 = arith.constant 34 : index
    %get3A_2142 = arith.constant 0 : index
    %get3A_2143 = arith.constant 0 : index
    %get3A_2144 = vector.load %arg1[%get3A_2141, %get3A_2142, %get3A_2143] : memref<50x512x128xf32, #tpu.memory_space<vmem>>, vector<1x512x128xf32>
    %get3A_2145 = vector.shape_cast %get3A_2144 : vector<1x512x128xf32> to vector<512x128xf32>
    %get3A_2146 = arith.constant 0 : index
    %get3A_2147 = arith.constant 34 : index
    %get3A_2148 = vector.load %arg2[%get3A_2146, %get3A_2147] : memref<512x50xi32, #tpu.memory_space<vmem>>, vector<512x1xi32>
    %ne3A_2149 = arith.constant 0 : i32
    %ne3A_2150 = vector.broadcast %ne3A_2149 : i32 to vector<512x1xi32>
    %ne3A_2151 = arith.cmpi ne, %get3A_2148, %ne3A_2150 : vector<512x1xi32>
    %slice3A_2152 = vector.extract_strided_slice %get3A_2145 {offsets = [0, 64], sizes = [512, 64], strides = [1, 1]} : vector<512x128xf32> to vector<512x64xf32>
    %slice3A_2153 = vector.extract_strided_slice %get3A_2145 {offsets = [0, 0], sizes = [512, 64], strides = [1, 1]} : vector<512x128xf32> to vector<512x64xf32>
    %broadcast_in_dim3A_2154 = vector.shape_cast %ne3A_2151 : vector<512x1xi1> to vector<512x1xi1>
    %broadcast_in_dim3A_2155 = vector.broadcast %broadcast_in_dim3A_2154 : vector<512x1xi1> to vector<512x64xi1>
    %select_n3A_2156 = arith.select %broadcast_in_dim3A_2155, %slice3A_2152, %slice3A_2153 : vector<512x64xi1>, vector<512x64xf32>
    %convert_element_type3A_2157 = arith.truncf %select_n3A_2156 : vector<512x64xf32> to vector<512x64xbf16>
    %convert_element_type3A_2158 = arith.truncf %mul3A_2140 : vector<512x128xf32> to vector<512x128xbf16>
    %concatenate3A_2159 = tpu.concatenate %convert_element_type3A_2157, %convert_element_type3A_2158 in 1 : vector<512x64xbf16>, vector<512x128xbf16> -> vector<512x192xbf16>
    %dot_general3A_2160 = arith.constant dense<0.000000e+00> : vector<512x512xf32>
    %dot_general3A_2161 = tpu.matmul %concatenate3A_2159, %get3A_1, %dot_general3A_2160 {dimension_numbers = #tpu.dot_dimension_numbers<[1], [0], [0], [1], [0, 0, 1, 1], [], []>, transpose_lhs_hint = false} : vector<512x192xbf16>, vector<192x512xbf16>, vector<512x512xf32> -> vector<512x512xf32>
    %add3A_2162 = vector.broadcast %get3A_4 : vector<1x512xf32> to vector<512x512xf32>
    %add3A_2163 = arith.addf %dot_general3A_2161, %add3A_2162 : vector<512x512xf32>
    %slice3A_2164 = vector.extract_strided_slice %add3A_2163 {offsets = [0, 0], sizes = [512, 128], strides = [1, 1]} : vector<512x512xf32> to vector<512x128xf32>
    %mul3A_2165 = arith.constant 5.000000e-01 : f32
    %mul3A_2166 = vector.broadcast %mul3A_2165 : f32 to vector<512x128xf32>
    %mul3A_2167 = arith.mulf %mul3A_2166, %slice3A_2164 : vector<512x128xf32>
    %tanh3A_2168 = math.tanh %mul3A_2167 : vector<512x128xf32>
    %mul3A_2169 = arith.constant 5.000000e-01 : f32
    %mul3A_2170 = vector.broadcast %mul3A_2169 : f32 to vector<512x128xf32>
    %mul3A_2171 = arith.mulf %mul3A_2170, %tanh3A_2168 : vector<512x128xf32>
    %add3A_2172 = arith.constant 5.000000e-01 : f32
    %add3A_2173 = vector.broadcast %add3A_2172 : f32 to vector<512x128xf32>
    %add3A_2174 = arith.addf %mul3A_2171, %add3A_2173 : vector<512x128xf32>
    %slice3A_2175 = vector.extract_strided_slice %add3A_2163 {offsets = [0, 128], sizes = [512, 128], strides = [1, 1]} : vector<512x512xf32> to vector<512x128xf32>
    %mul3A_2176 = arith.constant 5.000000e-01 : f32
    %mul3A_2177 = vector.broadcast %mul3A_2176 : f32 to vector<512x128xf32>
    %mul3A_2178 = arith.mulf %mul3A_2177, %slice3A_2175 : vector<512x128xf32>
    %tanh3A_2179 = math.tanh %mul3A_2178 : vector<512x128xf32>
    %mul3A_2180 = arith.constant 5.000000e-01 : f32
    %mul3A_2181 = vector.broadcast %mul3A_2180 : f32 to vector<512x128xf32>
    %mul3A_2182 = arith.mulf %mul3A_2181, %tanh3A_2179 : vector<512x128xf32>
    %add3A_2183 = arith.constant 5.000000e-01 : f32
    %add3A_2184 = vector.broadcast %add3A_2183 : f32 to vector<512x128xf32>
    %add3A_2185 = arith.addf %mul3A_2182, %add3A_2184 : vector<512x128xf32>
    %slice3A_2186 = vector.extract_strided_slice %add3A_2163 {offsets = [0, 256], sizes = [512, 128], strides = [1, 1]} : vector<512x512xf32> to vector<512x128xf32>
    %tanh3A_2187 = math.tanh %slice3A_2186 : vector<512x128xf32>
    %slice3A_2188 = vector.extract_strided_slice %add3A_2163 {offsets = [0, 384], sizes = [512, 128], strides = [1, 1]} : vector<512x512xf32> to vector<512x128xf32>
    %mul3A_2189 = arith.constant 5.000000e-01 : f32
    %mul3A_2190 = vector.broadcast %mul3A_2189 : f32 to vector<512x128xf32>
    %mul3A_2191 = arith.mulf %mul3A_2190, %slice3A_2188 : vector<512x128xf32>
    %tanh3A_2192 = math.tanh %mul3A_2191 : vector<512x128xf32>
    %mul3A_2193 = arith.constant 5.000000e-01 : f32
    %mul3A_2194 = vector.broadcast %mul3A_2193 : f32 to vector<512x128xf32>
    %mul3A_2195 = arith.mulf %mul3A_2194, %tanh3A_2192 : vector<512x128xf32>
    %add3A_2196 = arith.constant 5.000000e-01 : f32
    %add3A_2197 = vector.broadcast %add3A_2196 : f32 to vector<512x128xf32>
    %add3A_2198 = arith.addf %mul3A_2195, %add3A_2197 : vector<512x128xf32>
    %mul3A_2199 = arith.mulf %add3A_2185, %add3A_2138 : vector<512x128xf32>
    %mul3A_2200 = arith.mulf %add3A_2174, %tanh3A_2187 : vector<512x128xf32>
    %add3A_2201 = arith.addf %mul3A_2199, %mul3A_2200 : vector<512x128xf32>
    %tanh3A_2202 = math.tanh %add3A_2201 : vector<512x128xf32>
    %mul3A_2203 = arith.mulf %add3A_2198, %tanh3A_2202 : vector<512x128xf32>
    %get3A_2204 = arith.constant 35 : index
    %get3A_2205 = arith.constant 0 : index
    %get3A_2206 = arith.constant 0 : index
    %get3A_2207 = vector.load %arg1[%get3A_2204, %get3A_2205, %get3A_2206] : memref<50x512x128xf32, #tpu.memory_space<vmem>>, vector<1x512x128xf32>
    %get3A_2208 = vector.shape_cast %get3A_2207 : vector<1x512x128xf32> to vector<512x128xf32>
    %get3A_2209 = arith.constant 0 : index
    %get3A_2210 = arith.constant 35 : index
    %get3A_2211 = vector.load %arg2[%get3A_2209, %get3A_2210] : memref<512x50xi32, #tpu.memory_space<vmem>>, vector<512x1xi32>
    %ne3A_2212 = arith.constant 0 : i32
    %ne3A_2213 = vector.broadcast %ne3A_2212 : i32 to vector<512x1xi32>
    %ne3A_2214 = arith.cmpi ne, %get3A_2211, %ne3A_2213 : vector<512x1xi32>
    %slice3A_2215 = vector.extract_strided_slice %get3A_2208 {offsets = [0, 64], sizes = [512, 64], strides = [1, 1]} : vector<512x128xf32> to vector<512x64xf32>
    %slice3A_2216 = vector.extract_strided_slice %get3A_2208 {offsets = [0, 0], sizes = [512, 64], strides = [1, 1]} : vector<512x128xf32> to vector<512x64xf32>
    %broadcast_in_dim3A_2217 = vector.shape_cast %ne3A_2214 : vector<512x1xi1> to vector<512x1xi1>
    %broadcast_in_dim3A_2218 = vector.broadcast %broadcast_in_dim3A_2217 : vector<512x1xi1> to vector<512x64xi1>
    %select_n3A_2219 = arith.select %broadcast_in_dim3A_2218, %slice3A_2215, %slice3A_2216 : vector<512x64xi1>, vector<512x64xf32>
    %convert_element_type3A_2220 = arith.truncf %select_n3A_2219 : vector<512x64xf32> to vector<512x64xbf16>
    %convert_element_type3A_2221 = arith.truncf %mul3A_2203 : vector<512x128xf32> to vector<512x128xbf16>
    %concatenate3A_2222 = tpu.concatenate %convert_element_type3A_2220, %convert_element_type3A_2221 in 1 : vector<512x64xbf16>, vector<512x128xbf16> -> vector<512x192xbf16>
    %dot_general3A_2223 = arith.constant dense<0.000000e+00> : vector<512x512xf32>
    %dot_general3A_2224 = tpu.matmul %concatenate3A_2222, %get3A_1, %dot_general3A_2223 {dimension_numbers = #tpu.dot_dimension_numbers<[1], [0], [0], [1], [0, 0, 1, 1], [], []>, transpose_lhs_hint = false} : vector<512x192xbf16>, vector<192x512xbf16>, vector<512x512xf32> -> vector<512x512xf32>
    %add3A_2225 = vector.broadcast %get3A_4 : vector<1x512xf32> to vector<512x512xf32>
    %add3A_2226 = arith.addf %dot_general3A_2224, %add3A_2225 : vector<512x512xf32>
    %slice3A_2227 = vector.extract_strided_slice %add3A_2226 {offsets = [0, 0], sizes = [512, 128], strides = [1, 1]} : vector<512x512xf32> to vector<512x128xf32>
    %mul3A_2228 = arith.constant 5.000000e-01 : f32
    %mul3A_2229 = vector.broadcast %mul3A_2228 : f32 to vector<512x128xf32>
    %mul3A_2230 = arith.mulf %mul3A_2229, %slice3A_2227 : vector<512x128xf32>
    %tanh3A_2231 = math.tanh %mul3A_2230 : vector<512x128xf32>
    %mul3A_2232 = arith.constant 5.000000e-01 : f32
    %mul3A_2233 = vector.broadcast %mul3A_2232 : f32 to vector<512x128xf32>
    %mul3A_2234 = arith.mulf %mul3A_2233, %tanh3A_2231 : vector<512x128xf32>
    %add3A_2235 = arith.constant 5.000000e-01 : f32
    %add3A_2236 = vector.broadcast %add3A_2235 : f32 to vector<512x128xf32>
    %add3A_2237 = arith.addf %mul3A_2234, %add3A_2236 : vector<512x128xf32>
    %slice3A_2238 = vector.extract_strided_slice %add3A_2226 {offsets = [0, 128], sizes = [512, 128], strides = [1, 1]} : vector<512x512xf32> to vector<512x128xf32>
    %mul3A_2239 = arith.constant 5.000000e-01 : f32
    %mul3A_2240 = vector.broadcast %mul3A_2239 : f32 to vector<512x128xf32>
    %mul3A_2241 = arith.mulf %mul3A_2240, %slice3A_2238 : vector<512x128xf32>
    %tanh3A_2242 = math.tanh %mul3A_2241 : vector<512x128xf32>
    %mul3A_2243 = arith.constant 5.000000e-01 : f32
    %mul3A_2244 = vector.broadcast %mul3A_2243 : f32 to vector<512x128xf32>
    %mul3A_2245 = arith.mulf %mul3A_2244, %tanh3A_2242 : vector<512x128xf32>
    %add3A_2246 = arith.constant 5.000000e-01 : f32
    %add3A_2247 = vector.broadcast %add3A_2246 : f32 to vector<512x128xf32>
    %add3A_2248 = arith.addf %mul3A_2245, %add3A_2247 : vector<512x128xf32>
    %slice3A_2249 = vector.extract_strided_slice %add3A_2226 {offsets = [0, 256], sizes = [512, 128], strides = [1, 1]} : vector<512x512xf32> to vector<512x128xf32>
    %tanh3A_2250 = math.tanh %slice3A_2249 : vector<512x128xf32>
    %slice3A_2251 = vector.extract_strided_slice %add3A_2226 {offsets = [0, 384], sizes = [512, 128], strides = [1, 1]} : vector<512x512xf32> to vector<512x128xf32>
    %mul3A_2252 = arith.constant 5.000000e-01 : f32
    %mul3A_2253 = vector.broadcast %mul3A_2252 : f32 to vector<512x128xf32>
    %mul3A_2254 = arith.mulf %mul3A_2253, %slice3A_2251 : vector<512x128xf32>
    %tanh3A_2255 = math.tanh %mul3A_2254 : vector<512x128xf32>
    %mul3A_2256 = arith.constant 5.000000e-01 : f32
    %mul3A_2257 = vector.broadcast %mul3A_2256 : f32 to vector<512x128xf32>
    %mul3A_2258 = arith.mulf %mul3A_2257, %tanh3A_2255 : vector<512x128xf32>
    %add3A_2259 = arith.constant 5.000000e-01 : f32
    %add3A_2260 = vector.broadcast %add3A_2259 : f32 to vector<512x128xf32>
    %add3A_2261 = arith.addf %mul3A_2258, %add3A_2260 : vector<512x128xf32>
    %mul3A_2262 = arith.mulf %add3A_2248, %add3A_2201 : vector<512x128xf32>
    %mul3A_2263 = arith.mulf %add3A_2237, %tanh3A_2250 : vector<512x128xf32>
    %add3A_2264 = arith.addf %mul3A_2262, %mul3A_2263 : vector<512x128xf32>
    %tanh3A_2265 = math.tanh %add3A_2264 : vector<512x128xf32>
    %mul3A_2266 = arith.mulf %add3A_2261, %tanh3A_2265 : vector<512x128xf32>
    %get3A_2267 = arith.constant 36 : index
    %get3A_2268 = arith.constant 0 : index
    %get3A_2269 = arith.constant 0 : index
    %get3A_2270 = vector.load %arg1[%get3A_2267, %get3A_2268, %get3A_2269] : memref<50x512x128xf32, #tpu.memory_space<vmem>>, vector<1x512x128xf32>
    %get3A_2271 = vector.shape_cast %get3A_2270 : vector<1x512x128xf32> to vector<512x128xf32>
    %get3A_2272 = arith.constant 0 : index
    %get3A_2273 = arith.constant 36 : index
    %get3A_2274 = vector.load %arg2[%get3A_2272, %get3A_2273] : memref<512x50xi32, #tpu.memory_space<vmem>>, vector<512x1xi32>
    %ne3A_2275 = arith.constant 0 : i32
    %ne3A_2276 = vector.broadcast %ne3A_2275 : i32 to vector<512x1xi32>
    %ne3A_2277 = arith.cmpi ne, %get3A_2274, %ne3A_2276 : vector<512x1xi32>
    %slice3A_2278 = vector.extract_strided_slice %get3A_2271 {offsets = [0, 64], sizes = [512, 64], strides = [1, 1]} : vector<512x128xf32> to vector<512x64xf32>
    %slice3A_2279 = vector.extract_strided_slice %get3A_2271 {offsets = [0, 0], sizes = [512, 64], strides = [1, 1]} : vector<512x128xf32> to vector<512x64xf32>
    %broadcast_in_dim3A_2280 = vector.shape_cast %ne3A_2277 : vector<512x1xi1> to vector<512x1xi1>
    %broadcast_in_dim3A_2281 = vector.broadcast %broadcast_in_dim3A_2280 : vector<512x1xi1> to vector<512x64xi1>
    %select_n3A_2282 = arith.select %broadcast_in_dim3A_2281, %slice3A_2278, %slice3A_2279 : vector<512x64xi1>, vector<512x64xf32>
    %convert_element_type3A_2283 = arith.truncf %select_n3A_2282 : vector<512x64xf32> to vector<512x64xbf16>
    %convert_element_type3A_2284 = arith.truncf %mul3A_2266 : vector<512x128xf32> to vector<512x128xbf16>
    %concatenate3A_2285 = tpu.concatenate %convert_element_type3A_2283, %convert_element_type3A_2284 in 1 : vector<512x64xbf16>, vector<512x128xbf16> -> vector<512x192xbf16>
    %dot_general3A_2286 = arith.constant dense<0.000000e+00> : vector<512x512xf32>
    %dot_general3A_2287 = tpu.matmul %concatenate3A_2285, %get3A_1, %dot_general3A_2286 {dimension_numbers = #tpu.dot_dimension_numbers<[1], [0], [0], [1], [0, 0, 1, 1], [], []>, transpose_lhs_hint = false} : vector<512x192xbf16>, vector<192x512xbf16>, vector<512x512xf32> -> vector<512x512xf32>
    %add3A_2288 = vector.broadcast %get3A_4 : vector<1x512xf32> to vector<512x512xf32>
    %add3A_2289 = arith.addf %dot_general3A_2287, %add3A_2288 : vector<512x512xf32>
    %slice3A_2290 = vector.extract_strided_slice %add3A_2289 {offsets = [0, 0], sizes = [512, 128], strides = [1, 1]} : vector<512x512xf32> to vector<512x128xf32>
    %mul3A_2291 = arith.constant 5.000000e-01 : f32
    %mul3A_2292 = vector.broadcast %mul3A_2291 : f32 to vector<512x128xf32>
    %mul3A_2293 = arith.mulf %mul3A_2292, %slice3A_2290 : vector<512x128xf32>
    %tanh3A_2294 = math.tanh %mul3A_2293 : vector<512x128xf32>
    %mul3A_2295 = arith.constant 5.000000e-01 : f32
    %mul3A_2296 = vector.broadcast %mul3A_2295 : f32 to vector<512x128xf32>
    %mul3A_2297 = arith.mulf %mul3A_2296, %tanh3A_2294 : vector<512x128xf32>
    %add3A_2298 = arith.constant 5.000000e-01 : f32
    %add3A_2299 = vector.broadcast %add3A_2298 : f32 to vector<512x128xf32>
    %add3A_2300 = arith.addf %mul3A_2297, %add3A_2299 : vector<512x128xf32>
    %slice3A_2301 = vector.extract_strided_slice %add3A_2289 {offsets = [0, 128], sizes = [512, 128], strides = [1, 1]} : vector<512x512xf32> to vector<512x128xf32>
    %mul3A_2302 = arith.constant 5.000000e-01 : f32
    %mul3A_2303 = vector.broadcast %mul3A_2302 : f32 to vector<512x128xf32>
    %mul3A_2304 = arith.mulf %mul3A_2303, %slice3A_2301 : vector<512x128xf32>
    %tanh3A_2305 = math.tanh %mul3A_2304 : vector<512x128xf32>
    %mul3A_2306 = arith.constant 5.000000e-01 : f32
    %mul3A_2307 = vector.broadcast %mul3A_2306 : f32 to vector<512x128xf32>
    %mul3A_2308 = arith.mulf %mul3A_2307, %tanh3A_2305 : vector<512x128xf32>
    %add3A_2309 = arith.constant 5.000000e-01 : f32
    %add3A_2310 = vector.broadcast %add3A_2309 : f32 to vector<512x128xf32>
    %add3A_2311 = arith.addf %mul3A_2308, %add3A_2310 : vector<512x128xf32>
    %slice3A_2312 = vector.extract_strided_slice %add3A_2289 {offsets = [0, 256], sizes = [512, 128], strides = [1, 1]} : vector<512x512xf32> to vector<512x128xf32>
    %tanh3A_2313 = math.tanh %slice3A_2312 : vector<512x128xf32>
    %slice3A_2314 = vector.extract_strided_slice %add3A_2289 {offsets = [0, 384], sizes = [512, 128], strides = [1, 1]} : vector<512x512xf32> to vector<512x128xf32>
    %mul3A_2315 = arith.constant 5.000000e-01 : f32
    %mul3A_2316 = vector.broadcast %mul3A_2315 : f32 to vector<512x128xf32>
    %mul3A_2317 = arith.mulf %mul3A_2316, %slice3A_2314 : vector<512x128xf32>
    %tanh3A_2318 = math.tanh %mul3A_2317 : vector<512x128xf32>
    %mul3A_2319 = arith.constant 5.000000e-01 : f32
    %mul3A_2320 = vector.broadcast %mul3A_2319 : f32 to vector<512x128xf32>
    %mul3A_2321 = arith.mulf %mul3A_2320, %tanh3A_2318 : vector<512x128xf32>
    %add3A_2322 = arith.constant 5.000000e-01 : f32
    %add3A_2323 = vector.broadcast %add3A_2322 : f32 to vector<512x128xf32>
    %add3A_2324 = arith.addf %mul3A_2321, %add3A_2323 : vector<512x128xf32>
    %mul3A_2325 = arith.mulf %add3A_2311, %add3A_2264 : vector<512x128xf32>
    %mul3A_2326 = arith.mulf %add3A_2300, %tanh3A_2313 : vector<512x128xf32>
    %add3A_2327 = arith.addf %mul3A_2325, %mul3A_2326 : vector<512x128xf32>
    %tanh3A_2328 = math.tanh %add3A_2327 : vector<512x128xf32>
    %mul3A_2329 = arith.mulf %add3A_2324, %tanh3A_2328 : vector<512x128xf32>
    %get3A_2330 = arith.constant 37 : index
    %get3A_2331 = arith.constant 0 : index
    %get3A_2332 = arith.constant 0 : index
    %get3A_2333 = vector.load %arg1[%get3A_2330, %get3A_2331, %get3A_2332] : memref<50x512x128xf32, #tpu.memory_space<vmem>>, vector<1x512x128xf32>
    %get3A_2334 = vector.shape_cast %get3A_2333 : vector<1x512x128xf32> to vector<512x128xf32>
    %get3A_2335 = arith.constant 0 : index
    %get3A_2336 = arith.constant 37 : index
    %get3A_2337 = vector.load %arg2[%get3A_2335, %get3A_2336] : memref<512x50xi32, #tpu.memory_space<vmem>>, vector<512x1xi32>
    %ne3A_2338 = arith.constant 0 : i32
    %ne3A_2339 = vector.broadcast %ne3A_2338 : i32 to vector<512x1xi32>
    %ne3A_2340 = arith.cmpi ne, %get3A_2337, %ne3A_2339 : vector<512x1xi32>
    %slice3A_2341 = vector.extract_strided_slice %get3A_2334 {offsets = [0, 64], sizes = [512, 64], strides = [1, 1]} : vector<512x128xf32> to vector<512x64xf32>
    %slice3A_2342 = vector.extract_strided_slice %get3A_2334 {offsets = [0, 0], sizes = [512, 64], strides = [1, 1]} : vector<512x128xf32> to vector<512x64xf32>
    %broadcast_in_dim3A_2343 = vector.shape_cast %ne3A_2340 : vector<512x1xi1> to vector<512x1xi1>
    %broadcast_in_dim3A_2344 = vector.broadcast %broadcast_in_dim3A_2343 : vector<512x1xi1> to vector<512x64xi1>
    %select_n3A_2345 = arith.select %broadcast_in_dim3A_2344, %slice3A_2341, %slice3A_2342 : vector<512x64xi1>, vector<512x64xf32>
    %convert_element_type3A_2346 = arith.truncf %select_n3A_2345 : vector<512x64xf32> to vector<512x64xbf16>
    %convert_element_type3A_2347 = arith.truncf %mul3A_2329 : vector<512x128xf32> to vector<512x128xbf16>
    %concatenate3A_2348 = tpu.concatenate %convert_element_type3A_2346, %convert_element_type3A_2347 in 1 : vector<512x64xbf16>, vector<512x128xbf16> -> vector<512x192xbf16>
    %dot_general3A_2349 = arith.constant dense<0.000000e+00> : vector<512x512xf32>
    %dot_general3A_2350 = tpu.matmul %concatenate3A_2348, %get3A_1, %dot_general3A_2349 {dimension_numbers = #tpu.dot_dimension_numbers<[1], [0], [0], [1], [0, 0, 1, 1], [], []>, transpose_lhs_hint = false} : vector<512x192xbf16>, vector<192x512xbf16>, vector<512x512xf32> -> vector<512x512xf32>
    %add3A_2351 = vector.broadcast %get3A_4 : vector<1x512xf32> to vector<512x512xf32>
    %add3A_2352 = arith.addf %dot_general3A_2350, %add3A_2351 : vector<512x512xf32>
    %slice3A_2353 = vector.extract_strided_slice %add3A_2352 {offsets = [0, 0], sizes = [512, 128], strides = [1, 1]} : vector<512x512xf32> to vector<512x128xf32>
    %mul3A_2354 = arith.constant 5.000000e-01 : f32
    %mul3A_2355 = vector.broadcast %mul3A_2354 : f32 to vector<512x128xf32>
    %mul3A_2356 = arith.mulf %mul3A_2355, %slice3A_2353 : vector<512x128xf32>
    %tanh3A_2357 = math.tanh %mul3A_2356 : vector<512x128xf32>
    %mul3A_2358 = arith.constant 5.000000e-01 : f32
    %mul3A_2359 = vector.broadcast %mul3A_2358 : f32 to vector<512x128xf32>
    %mul3A_2360 = arith.mulf %mul3A_2359, %tanh3A_2357 : vector<512x128xf32>
    %add3A_2361 = arith.constant 5.000000e-01 : f32
    %add3A_2362 = vector.broadcast %add3A_2361 : f32 to vector<512x128xf32>
    %add3A_2363 = arith.addf %mul3A_2360, %add3A_2362 : vector<512x128xf32>
    %slice3A_2364 = vector.extract_strided_slice %add3A_2352 {offsets = [0, 128], sizes = [512, 128], strides = [1, 1]} : vector<512x512xf32> to vector<512x128xf32>
    %mul3A_2365 = arith.constant 5.000000e-01 : f32
    %mul3A_2366 = vector.broadcast %mul3A_2365 : f32 to vector<512x128xf32>
    %mul3A_2367 = arith.mulf %mul3A_2366, %slice3A_2364 : vector<512x128xf32>
    %tanh3A_2368 = math.tanh %mul3A_2367 : vector<512x128xf32>
    %mul3A_2369 = arith.constant 5.000000e-01 : f32
    %mul3A_2370 = vector.broadcast %mul3A_2369 : f32 to vector<512x128xf32>
    %mul3A_2371 = arith.mulf %mul3A_2370, %tanh3A_2368 : vector<512x128xf32>
    %add3A_2372 = arith.constant 5.000000e-01 : f32
    %add3A_2373 = vector.broadcast %add3A_2372 : f32 to vector<512x128xf32>
    %add3A_2374 = arith.addf %mul3A_2371, %add3A_2373 : vector<512x128xf32>
    %slice3A_2375 = vector.extract_strided_slice %add3A_2352 {offsets = [0, 256], sizes = [512, 128], strides = [1, 1]} : vector<512x512xf32> to vector<512x128xf32>
    %tanh3A_2376 = math.tanh %slice3A_2375 : vector<512x128xf32>
    %slice3A_2377 = vector.extract_strided_slice %add3A_2352 {offsets = [0, 384], sizes = [512, 128], strides = [1, 1]} : vector<512x512xf32> to vector<512x128xf32>
    %mul3A_2378 = arith.constant 5.000000e-01 : f32
    %mul3A_2379 = vector.broadcast %mul3A_2378 : f32 to vector<512x128xf32>
    %mul3A_2380 = arith.mulf %mul3A_2379, %slice3A_2377 : vector<512x128xf32>
    %tanh3A_2381 = math.tanh %mul3A_2380 : vector<512x128xf32>
    %mul3A_2382 = arith.constant 5.000000e-01 : f32
    %mul3A_2383 = vector.broadcast %mul3A_2382 : f32 to vector<512x128xf32>
    %mul3A_2384 = arith.mulf %mul3A_2383, %tanh3A_2381 : vector<512x128xf32>
    %add3A_2385 = arith.constant 5.000000e-01 : f32
    %add3A_2386 = vector.broadcast %add3A_2385 : f32 to vector<512x128xf32>
    %add3A_2387 = arith.addf %mul3A_2384, %add3A_2386 : vector<512x128xf32>
    %mul3A_2388 = arith.mulf %add3A_2374, %add3A_2327 : vector<512x128xf32>
    %mul3A_2389 = arith.mulf %add3A_2363, %tanh3A_2376 : vector<512x128xf32>
    %add3A_2390 = arith.addf %mul3A_2388, %mul3A_2389 : vector<512x128xf32>
    %tanh3A_2391 = math.tanh %add3A_2390 : vector<512x128xf32>
    %mul3A_2392 = arith.mulf %add3A_2387, %tanh3A_2391 : vector<512x128xf32>
    %get3A_2393 = arith.constant 38 : index
    %get3A_2394 = arith.constant 0 : index
    %get3A_2395 = arith.constant 0 : index
    %get3A_2396 = vector.load %arg1[%get3A_2393, %get3A_2394, %get3A_2395] : memref<50x512x128xf32, #tpu.memory_space<vmem>>, vector<1x512x128xf32>
    %get3A_2397 = vector.shape_cast %get3A_2396 : vector<1x512x128xf32> to vector<512x128xf32>
    %get3A_2398 = arith.constant 0 : index
    %get3A_2399 = arith.constant 38 : index
    %get3A_2400 = vector.load %arg2[%get3A_2398, %get3A_2399] : memref<512x50xi32, #tpu.memory_space<vmem>>, vector<512x1xi32>
    %ne3A_2401 = arith.constant 0 : i32
    %ne3A_2402 = vector.broadcast %ne3A_2401 : i32 to vector<512x1xi32>
    %ne3A_2403 = arith.cmpi ne, %get3A_2400, %ne3A_2402 : vector<512x1xi32>
    %slice3A_2404 = vector.extract_strided_slice %get3A_2397 {offsets = [0, 64], sizes = [512, 64], strides = [1, 1]} : vector<512x128xf32> to vector<512x64xf32>
    %slice3A_2405 = vector.extract_strided_slice %get3A_2397 {offsets = [0, 0], sizes = [512, 64], strides = [1, 1]} : vector<512x128xf32> to vector<512x64xf32>
    %broadcast_in_dim3A_2406 = vector.shape_cast %ne3A_2403 : vector<512x1xi1> to vector<512x1xi1>
    %broadcast_in_dim3A_2407 = vector.broadcast %broadcast_in_dim3A_2406 : vector<512x1xi1> to vector<512x64xi1>
    %select_n3A_2408 = arith.select %broadcast_in_dim3A_2407, %slice3A_2404, %slice3A_2405 : vector<512x64xi1>, vector<512x64xf32>
    %convert_element_type3A_2409 = arith.truncf %select_n3A_2408 : vector<512x64xf32> to vector<512x64xbf16>
    %convert_element_type3A_2410 = arith.truncf %mul3A_2392 : vector<512x128xf32> to vector<512x128xbf16>
    %concatenate3A_2411 = tpu.concatenate %convert_element_type3A_2409, %convert_element_type3A_2410 in 1 : vector<512x64xbf16>, vector<512x128xbf16> -> vector<512x192xbf16>
    %dot_general3A_2412 = arith.constant dense<0.000000e+00> : vector<512x512xf32>
    %dot_general3A_2413 = tpu.matmul %concatenate3A_2411, %get3A_1, %dot_general3A_2412 {dimension_numbers = #tpu.dot_dimension_numbers<[1], [0], [0], [1], [0, 0, 1, 1], [], []>, transpose_lhs_hint = false} : vector<512x192xbf16>, vector<192x512xbf16>, vector<512x512xf32> -> vector<512x512xf32>
    %add3A_2414 = vector.broadcast %get3A_4 : vector<1x512xf32> to vector<512x512xf32>
    %add3A_2415 = arith.addf %dot_general3A_2413, %add3A_2414 : vector<512x512xf32>
    %slice3A_2416 = vector.extract_strided_slice %add3A_2415 {offsets = [0, 0], sizes = [512, 128], strides = [1, 1]} : vector<512x512xf32> to vector<512x128xf32>
    %mul3A_2417 = arith.constant 5.000000e-01 : f32
    %mul3A_2418 = vector.broadcast %mul3A_2417 : f32 to vector<512x128xf32>
    %mul3A_2419 = arith.mulf %mul3A_2418, %slice3A_2416 : vector<512x128xf32>
    %tanh3A_2420 = math.tanh %mul3A_2419 : vector<512x128xf32>
    %mul3A_2421 = arith.constant 5.000000e-01 : f32
    %mul3A_2422 = vector.broadcast %mul3A_2421 : f32 to vector<512x128xf32>
    %mul3A_2423 = arith.mulf %mul3A_2422, %tanh3A_2420 : vector<512x128xf32>
    %add3A_2424 = arith.constant 5.000000e-01 : f32
    %add3A_2425 = vector.broadcast %add3A_2424 : f32 to vector<512x128xf32>
    %add3A_2426 = arith.addf %mul3A_2423, %add3A_2425 : vector<512x128xf32>
    %slice3A_2427 = vector.extract_strided_slice %add3A_2415 {offsets = [0, 128], sizes = [512, 128], strides = [1, 1]} : vector<512x512xf32> to vector<512x128xf32>
    %mul3A_2428 = arith.constant 5.000000e-01 : f32
    %mul3A_2429 = vector.broadcast %mul3A_2428 : f32 to vector<512x128xf32>
    %mul3A_2430 = arith.mulf %mul3A_2429, %slice3A_2427 : vector<512x128xf32>
    %tanh3A_2431 = math.tanh %mul3A_2430 : vector<512x128xf32>
    %mul3A_2432 = arith.constant 5.000000e-01 : f32
    %mul3A_2433 = vector.broadcast %mul3A_2432 : f32 to vector<512x128xf32>
    %mul3A_2434 = arith.mulf %mul3A_2433, %tanh3A_2431 : vector<512x128xf32>
    %add3A_2435 = arith.constant 5.000000e-01 : f32
    %add3A_2436 = vector.broadcast %add3A_2435 : f32 to vector<512x128xf32>
    %add3A_2437 = arith.addf %mul3A_2434, %add3A_2436 : vector<512x128xf32>
    %slice3A_2438 = vector.extract_strided_slice %add3A_2415 {offsets = [0, 256], sizes = [512, 128], strides = [1, 1]} : vector<512x512xf32> to vector<512x128xf32>
    %tanh3A_2439 = math.tanh %slice3A_2438 : vector<512x128xf32>
    %slice3A_2440 = vector.extract_strided_slice %add3A_2415 {offsets = [0, 384], sizes = [512, 128], strides = [1, 1]} : vector<512x512xf32> to vector<512x128xf32>
    %mul3A_2441 = arith.constant 5.000000e-01 : f32
    %mul3A_2442 = vector.broadcast %mul3A_2441 : f32 to vector<512x128xf32>
    %mul3A_2443 = arith.mulf %mul3A_2442, %slice3A_2440 : vector<512x128xf32>
    %tanh3A_2444 = math.tanh %mul3A_2443 : vector<512x128xf32>
    %mul3A_2445 = arith.constant 5.000000e-01 : f32
    %mul3A_2446 = vector.broadcast %mul3A_2445 : f32 to vector<512x128xf32>
    %mul3A_2447 = arith.mulf %mul3A_2446, %tanh3A_2444 : vector<512x128xf32>
    %add3A_2448 = arith.constant 5.000000e-01 : f32
    %add3A_2449 = vector.broadcast %add3A_2448 : f32 to vector<512x128xf32>
    %add3A_2450 = arith.addf %mul3A_2447, %add3A_2449 : vector<512x128xf32>
    %mul3A_2451 = arith.mulf %add3A_2437, %add3A_2390 : vector<512x128xf32>
    %mul3A_2452 = arith.mulf %add3A_2426, %tanh3A_2439 : vector<512x128xf32>
    %add3A_2453 = arith.addf %mul3A_2451, %mul3A_2452 : vector<512x128xf32>
    %tanh3A_2454 = math.tanh %add3A_2453 : vector<512x128xf32>
    %mul3A_2455 = arith.mulf %add3A_2450, %tanh3A_2454 : vector<512x128xf32>
    %get3A_2456 = arith.constant 39 : index
    %get3A_2457 = arith.constant 0 : index
    %get3A_2458 = arith.constant 0 : index
    %get3A_2459 = vector.load %arg1[%get3A_2456, %get3A_2457, %get3A_2458] : memref<50x512x128xf32, #tpu.memory_space<vmem>>, vector<1x512x128xf32>
    %get3A_2460 = vector.shape_cast %get3A_2459 : vector<1x512x128xf32> to vector<512x128xf32>
    %get3A_2461 = arith.constant 0 : index
    %get3A_2462 = arith.constant 39 : index
    %get3A_2463 = vector.load %arg2[%get3A_2461, %get3A_2462] : memref<512x50xi32, #tpu.memory_space<vmem>>, vector<512x1xi32>
    %ne3A_2464 = arith.constant 0 : i32
    %ne3A_2465 = vector.broadcast %ne3A_2464 : i32 to vector<512x1xi32>
    %ne3A_2466 = arith.cmpi ne, %get3A_2463, %ne3A_2465 : vector<512x1xi32>
    %slice3A_2467 = vector.extract_strided_slice %get3A_2460 {offsets = [0, 64], sizes = [512, 64], strides = [1, 1]} : vector<512x128xf32> to vector<512x64xf32>
    %slice3A_2468 = vector.extract_strided_slice %get3A_2460 {offsets = [0, 0], sizes = [512, 64], strides = [1, 1]} : vector<512x128xf32> to vector<512x64xf32>
    %broadcast_in_dim3A_2469 = vector.shape_cast %ne3A_2466 : vector<512x1xi1> to vector<512x1xi1>
    %broadcast_in_dim3A_2470 = vector.broadcast %broadcast_in_dim3A_2469 : vector<512x1xi1> to vector<512x64xi1>
    %select_n3A_2471 = arith.select %broadcast_in_dim3A_2470, %slice3A_2467, %slice3A_2468 : vector<512x64xi1>, vector<512x64xf32>
    %convert_element_type3A_2472 = arith.truncf %select_n3A_2471 : vector<512x64xf32> to vector<512x64xbf16>
    %convert_element_type3A_2473 = arith.truncf %mul3A_2455 : vector<512x128xf32> to vector<512x128xbf16>
    %concatenate3A_2474 = tpu.concatenate %convert_element_type3A_2472, %convert_element_type3A_2473 in 1 : vector<512x64xbf16>, vector<512x128xbf16> -> vector<512x192xbf16>
    %dot_general3A_2475 = arith.constant dense<0.000000e+00> : vector<512x512xf32>
    %dot_general3A_2476 = tpu.matmul %concatenate3A_2474, %get3A_1, %dot_general3A_2475 {dimension_numbers = #tpu.dot_dimension_numbers<[1], [0], [0], [1], [0, 0, 1, 1], [], []>, transpose_lhs_hint = false} : vector<512x192xbf16>, vector<192x512xbf16>, vector<512x512xf32> -> vector<512x512xf32>
    %add3A_2477 = vector.broadcast %get3A_4 : vector<1x512xf32> to vector<512x512xf32>
    %add3A_2478 = arith.addf %dot_general3A_2476, %add3A_2477 : vector<512x512xf32>
    %slice3A_2479 = vector.extract_strided_slice %add3A_2478 {offsets = [0, 0], sizes = [512, 128], strides = [1, 1]} : vector<512x512xf32> to vector<512x128xf32>
    %mul3A_2480 = arith.constant 5.000000e-01 : f32
    %mul3A_2481 = vector.broadcast %mul3A_2480 : f32 to vector<512x128xf32>
    %mul3A_2482 = arith.mulf %mul3A_2481, %slice3A_2479 : vector<512x128xf32>
    %tanh3A_2483 = math.tanh %mul3A_2482 : vector<512x128xf32>
    %mul3A_2484 = arith.constant 5.000000e-01 : f32
    %mul3A_2485 = vector.broadcast %mul3A_2484 : f32 to vector<512x128xf32>
    %mul3A_2486 = arith.mulf %mul3A_2485, %tanh3A_2483 : vector<512x128xf32>
    %add3A_2487 = arith.constant 5.000000e-01 : f32
    %add3A_2488 = vector.broadcast %add3A_2487 : f32 to vector<512x128xf32>
    %add3A_2489 = arith.addf %mul3A_2486, %add3A_2488 : vector<512x128xf32>
    %slice3A_2490 = vector.extract_strided_slice %add3A_2478 {offsets = [0, 128], sizes = [512, 128], strides = [1, 1]} : vector<512x512xf32> to vector<512x128xf32>
    %mul3A_2491 = arith.constant 5.000000e-01 : f32
    %mul3A_2492 = vector.broadcast %mul3A_2491 : f32 to vector<512x128xf32>
    %mul3A_2493 = arith.mulf %mul3A_2492, %slice3A_2490 : vector<512x128xf32>
    %tanh3A_2494 = math.tanh %mul3A_2493 : vector<512x128xf32>
    %mul3A_2495 = arith.constant 5.000000e-01 : f32
    %mul3A_2496 = vector.broadcast %mul3A_2495 : f32 to vector<512x128xf32>
    %mul3A_2497 = arith.mulf %mul3A_2496, %tanh3A_2494 : vector<512x128xf32>
    %add3A_2498 = arith.constant 5.000000e-01 : f32
    %add3A_2499 = vector.broadcast %add3A_2498 : f32 to vector<512x128xf32>
    %add3A_2500 = arith.addf %mul3A_2497, %add3A_2499 : vector<512x128xf32>
    %slice3A_2501 = vector.extract_strided_slice %add3A_2478 {offsets = [0, 256], sizes = [512, 128], strides = [1, 1]} : vector<512x512xf32> to vector<512x128xf32>
    %tanh3A_2502 = math.tanh %slice3A_2501 : vector<512x128xf32>
    %slice3A_2503 = vector.extract_strided_slice %add3A_2478 {offsets = [0, 384], sizes = [512, 128], strides = [1, 1]} : vector<512x512xf32> to vector<512x128xf32>
    %mul3A_2504 = arith.constant 5.000000e-01 : f32
    %mul3A_2505 = vector.broadcast %mul3A_2504 : f32 to vector<512x128xf32>
    %mul3A_2506 = arith.mulf %mul3A_2505, %slice3A_2503 : vector<512x128xf32>
    %tanh3A_2507 = math.tanh %mul3A_2506 : vector<512x128xf32>
    %mul3A_2508 = arith.constant 5.000000e-01 : f32
    %mul3A_2509 = vector.broadcast %mul3A_2508 : f32 to vector<512x128xf32>
    %mul3A_2510 = arith.mulf %mul3A_2509, %tanh3A_2507 : vector<512x128xf32>
    %add3A_2511 = arith.constant 5.000000e-01 : f32
    %add3A_2512 = vector.broadcast %add3A_2511 : f32 to vector<512x128xf32>
    %add3A_2513 = arith.addf %mul3A_2510, %add3A_2512 : vector<512x128xf32>
    %mul3A_2514 = arith.mulf %add3A_2500, %add3A_2453 : vector<512x128xf32>
    %mul3A_2515 = arith.mulf %add3A_2489, %tanh3A_2502 : vector<512x128xf32>
    %add3A_2516 = arith.addf %mul3A_2514, %mul3A_2515 : vector<512x128xf32>
    %tanh3A_2517 = math.tanh %add3A_2516 : vector<512x128xf32>
    %mul3A_2518 = arith.mulf %add3A_2513, %tanh3A_2517 : vector<512x128xf32>
    %get3A_2519 = arith.constant 40 : index
    %get3A_2520 = arith.constant 0 : index
    %get3A_2521 = arith.constant 0 : index
    %get3A_2522 = vector.load %arg1[%get3A_2519, %get3A_2520, %get3A_2521] : memref<50x512x128xf32, #tpu.memory_space<vmem>>, vector<1x512x128xf32>
    %get3A_2523 = vector.shape_cast %get3A_2522 : vector<1x512x128xf32> to vector<512x128xf32>
    %get3A_2524 = arith.constant 0 : index
    %get3A_2525 = arith.constant 40 : index
    %get3A_2526 = vector.load %arg2[%get3A_2524, %get3A_2525] : memref<512x50xi32, #tpu.memory_space<vmem>>, vector<512x1xi32>
    %ne3A_2527 = arith.constant 0 : i32
    %ne3A_2528 = vector.broadcast %ne3A_2527 : i32 to vector<512x1xi32>
    %ne3A_2529 = arith.cmpi ne, %get3A_2526, %ne3A_2528 : vector<512x1xi32>
    %slice3A_2530 = vector.extract_strided_slice %get3A_2523 {offsets = [0, 64], sizes = [512, 64], strides = [1, 1]} : vector<512x128xf32> to vector<512x64xf32>
    %slice3A_2531 = vector.extract_strided_slice %get3A_2523 {offsets = [0, 0], sizes = [512, 64], strides = [1, 1]} : vector<512x128xf32> to vector<512x64xf32>
    %broadcast_in_dim3A_2532 = vector.shape_cast %ne3A_2529 : vector<512x1xi1> to vector<512x1xi1>
    %broadcast_in_dim3A_2533 = vector.broadcast %broadcast_in_dim3A_2532 : vector<512x1xi1> to vector<512x64xi1>
    %select_n3A_2534 = arith.select %broadcast_in_dim3A_2533, %slice3A_2530, %slice3A_2531 : vector<512x64xi1>, vector<512x64xf32>
    %convert_element_type3A_2535 = arith.truncf %select_n3A_2534 : vector<512x64xf32> to vector<512x64xbf16>
    %convert_element_type3A_2536 = arith.truncf %mul3A_2518 : vector<512x128xf32> to vector<512x128xbf16>
    %concatenate3A_2537 = tpu.concatenate %convert_element_type3A_2535, %convert_element_type3A_2536 in 1 : vector<512x64xbf16>, vector<512x128xbf16> -> vector<512x192xbf16>
    %dot_general3A_2538 = arith.constant dense<0.000000e+00> : vector<512x512xf32>
    %dot_general3A_2539 = tpu.matmul %concatenate3A_2537, %get3A_1, %dot_general3A_2538 {dimension_numbers = #tpu.dot_dimension_numbers<[1], [0], [0], [1], [0, 0, 1, 1], [], []>, transpose_lhs_hint = false} : vector<512x192xbf16>, vector<192x512xbf16>, vector<512x512xf32> -> vector<512x512xf32>
    %add3A_2540 = vector.broadcast %get3A_4 : vector<1x512xf32> to vector<512x512xf32>
    %add3A_2541 = arith.addf %dot_general3A_2539, %add3A_2540 : vector<512x512xf32>
    %slice3A_2542 = vector.extract_strided_slice %add3A_2541 {offsets = [0, 0], sizes = [512, 128], strides = [1, 1]} : vector<512x512xf32> to vector<512x128xf32>
    %mul3A_2543 = arith.constant 5.000000e-01 : f32
    %mul3A_2544 = vector.broadcast %mul3A_2543 : f32 to vector<512x128xf32>
    %mul3A_2545 = arith.mulf %mul3A_2544, %slice3A_2542 : vector<512x128xf32>
    %tanh3A_2546 = math.tanh %mul3A_2545 : vector<512x128xf32>
    %mul3A_2547 = arith.constant 5.000000e-01 : f32
    %mul3A_2548 = vector.broadcast %mul3A_2547 : f32 to vector<512x128xf32>
    %mul3A_2549 = arith.mulf %mul3A_2548, %tanh3A_2546 : vector<512x128xf32>
    %add3A_2550 = arith.constant 5.000000e-01 : f32
    %add3A_2551 = vector.broadcast %add3A_2550 : f32 to vector<512x128xf32>
    %add3A_2552 = arith.addf %mul3A_2549, %add3A_2551 : vector<512x128xf32>
    %slice3A_2553 = vector.extract_strided_slice %add3A_2541 {offsets = [0, 128], sizes = [512, 128], strides = [1, 1]} : vector<512x512xf32> to vector<512x128xf32>
    %mul3A_2554 = arith.constant 5.000000e-01 : f32
    %mul3A_2555 = vector.broadcast %mul3A_2554 : f32 to vector<512x128xf32>
    %mul3A_2556 = arith.mulf %mul3A_2555, %slice3A_2553 : vector<512x128xf32>
    %tanh3A_2557 = math.tanh %mul3A_2556 : vector<512x128xf32>
    %mul3A_2558 = arith.constant 5.000000e-01 : f32
    %mul3A_2559 = vector.broadcast %mul3A_2558 : f32 to vector<512x128xf32>
    %mul3A_2560 = arith.mulf %mul3A_2559, %tanh3A_2557 : vector<512x128xf32>
    %add3A_2561 = arith.constant 5.000000e-01 : f32
    %add3A_2562 = vector.broadcast %add3A_2561 : f32 to vector<512x128xf32>
    %add3A_2563 = arith.addf %mul3A_2560, %add3A_2562 : vector<512x128xf32>
    %slice3A_2564 = vector.extract_strided_slice %add3A_2541 {offsets = [0, 256], sizes = [512, 128], strides = [1, 1]} : vector<512x512xf32> to vector<512x128xf32>
    %tanh3A_2565 = math.tanh %slice3A_2564 : vector<512x128xf32>
    %slice3A_2566 = vector.extract_strided_slice %add3A_2541 {offsets = [0, 384], sizes = [512, 128], strides = [1, 1]} : vector<512x512xf32> to vector<512x128xf32>
    %mul3A_2567 = arith.constant 5.000000e-01 : f32
    %mul3A_2568 = vector.broadcast %mul3A_2567 : f32 to vector<512x128xf32>
    %mul3A_2569 = arith.mulf %mul3A_2568, %slice3A_2566 : vector<512x128xf32>
    %tanh3A_2570 = math.tanh %mul3A_2569 : vector<512x128xf32>
    %mul3A_2571 = arith.constant 5.000000e-01 : f32
    %mul3A_2572 = vector.broadcast %mul3A_2571 : f32 to vector<512x128xf32>
    %mul3A_2573 = arith.mulf %mul3A_2572, %tanh3A_2570 : vector<512x128xf32>
    %add3A_2574 = arith.constant 5.000000e-01 : f32
    %add3A_2575 = vector.broadcast %add3A_2574 : f32 to vector<512x128xf32>
    %add3A_2576 = arith.addf %mul3A_2573, %add3A_2575 : vector<512x128xf32>
    %mul3A_2577 = arith.mulf %add3A_2563, %add3A_2516 : vector<512x128xf32>
    %mul3A_2578 = arith.mulf %add3A_2552, %tanh3A_2565 : vector<512x128xf32>
    %add3A_2579 = arith.addf %mul3A_2577, %mul3A_2578 : vector<512x128xf32>
    %tanh3A_2580 = math.tanh %add3A_2579 : vector<512x128xf32>
    %mul3A_2581 = arith.mulf %add3A_2576, %tanh3A_2580 : vector<512x128xf32>
    %get3A_2582 = arith.constant 41 : index
    %get3A_2583 = arith.constant 0 : index
    %get3A_2584 = arith.constant 0 : index
    %get3A_2585 = vector.load %arg1[%get3A_2582, %get3A_2583, %get3A_2584] : memref<50x512x128xf32, #tpu.memory_space<vmem>>, vector<1x512x128xf32>
    %get3A_2586 = vector.shape_cast %get3A_2585 : vector<1x512x128xf32> to vector<512x128xf32>
    %get3A_2587 = arith.constant 0 : index
    %get3A_2588 = arith.constant 41 : index
    %get3A_2589 = vector.load %arg2[%get3A_2587, %get3A_2588] : memref<512x50xi32, #tpu.memory_space<vmem>>, vector<512x1xi32>
    %ne3A_2590 = arith.constant 0 : i32
    %ne3A_2591 = vector.broadcast %ne3A_2590 : i32 to vector<512x1xi32>
    %ne3A_2592 = arith.cmpi ne, %get3A_2589, %ne3A_2591 : vector<512x1xi32>
    %slice3A_2593 = vector.extract_strided_slice %get3A_2586 {offsets = [0, 64], sizes = [512, 64], strides = [1, 1]} : vector<512x128xf32> to vector<512x64xf32>
    %slice3A_2594 = vector.extract_strided_slice %get3A_2586 {offsets = [0, 0], sizes = [512, 64], strides = [1, 1]} : vector<512x128xf32> to vector<512x64xf32>
    %broadcast_in_dim3A_2595 = vector.shape_cast %ne3A_2592 : vector<512x1xi1> to vector<512x1xi1>
    %broadcast_in_dim3A_2596 = vector.broadcast %broadcast_in_dim3A_2595 : vector<512x1xi1> to vector<512x64xi1>
    %select_n3A_2597 = arith.select %broadcast_in_dim3A_2596, %slice3A_2593, %slice3A_2594 : vector<512x64xi1>, vector<512x64xf32>
    %convert_element_type3A_2598 = arith.truncf %select_n3A_2597 : vector<512x64xf32> to vector<512x64xbf16>
    %convert_element_type3A_2599 = arith.truncf %mul3A_2581 : vector<512x128xf32> to vector<512x128xbf16>
    %concatenate3A_2600 = tpu.concatenate %convert_element_type3A_2598, %convert_element_type3A_2599 in 1 : vector<512x64xbf16>, vector<512x128xbf16> -> vector<512x192xbf16>
    %dot_general3A_2601 = arith.constant dense<0.000000e+00> : vector<512x512xf32>
    %dot_general3A_2602 = tpu.matmul %concatenate3A_2600, %get3A_1, %dot_general3A_2601 {dimension_numbers = #tpu.dot_dimension_numbers<[1], [0], [0], [1], [0, 0, 1, 1], [], []>, transpose_lhs_hint = false} : vector<512x192xbf16>, vector<192x512xbf16>, vector<512x512xf32> -> vector<512x512xf32>
    %add3A_2603 = vector.broadcast %get3A_4 : vector<1x512xf32> to vector<512x512xf32>
    %add3A_2604 = arith.addf %dot_general3A_2602, %add3A_2603 : vector<512x512xf32>
    %slice3A_2605 = vector.extract_strided_slice %add3A_2604 {offsets = [0, 0], sizes = [512, 128], strides = [1, 1]} : vector<512x512xf32> to vector<512x128xf32>
    %mul3A_2606 = arith.constant 5.000000e-01 : f32
    %mul3A_2607 = vector.broadcast %mul3A_2606 : f32 to vector<512x128xf32>
    %mul3A_2608 = arith.mulf %mul3A_2607, %slice3A_2605 : vector<512x128xf32>
    %tanh3A_2609 = math.tanh %mul3A_2608 : vector<512x128xf32>
    %mul3A_2610 = arith.constant 5.000000e-01 : f32
    %mul3A_2611 = vector.broadcast %mul3A_2610 : f32 to vector<512x128xf32>
    %mul3A_2612 = arith.mulf %mul3A_2611, %tanh3A_2609 : vector<512x128xf32>
    %add3A_2613 = arith.constant 5.000000e-01 : f32
    %add3A_2614 = vector.broadcast %add3A_2613 : f32 to vector<512x128xf32>
    %add3A_2615 = arith.addf %mul3A_2612, %add3A_2614 : vector<512x128xf32>
    %slice3A_2616 = vector.extract_strided_slice %add3A_2604 {offsets = [0, 128], sizes = [512, 128], strides = [1, 1]} : vector<512x512xf32> to vector<512x128xf32>
    %mul3A_2617 = arith.constant 5.000000e-01 : f32
    %mul3A_2618 = vector.broadcast %mul3A_2617 : f32 to vector<512x128xf32>
    %mul3A_2619 = arith.mulf %mul3A_2618, %slice3A_2616 : vector<512x128xf32>
    %tanh3A_2620 = math.tanh %mul3A_2619 : vector<512x128xf32>
    %mul3A_2621 = arith.constant 5.000000e-01 : f32
    %mul3A_2622 = vector.broadcast %mul3A_2621 : f32 to vector<512x128xf32>
    %mul3A_2623 = arith.mulf %mul3A_2622, %tanh3A_2620 : vector<512x128xf32>
    %add3A_2624 = arith.constant 5.000000e-01 : f32
    %add3A_2625 = vector.broadcast %add3A_2624 : f32 to vector<512x128xf32>
    %add3A_2626 = arith.addf %mul3A_2623, %add3A_2625 : vector<512x128xf32>
    %slice3A_2627 = vector.extract_strided_slice %add3A_2604 {offsets = [0, 256], sizes = [512, 128], strides = [1, 1]} : vector<512x512xf32> to vector<512x128xf32>
    %tanh3A_2628 = math.tanh %slice3A_2627 : vector<512x128xf32>
    %slice3A_2629 = vector.extract_strided_slice %add3A_2604 {offsets = [0, 384], sizes = [512, 128], strides = [1, 1]} : vector<512x512xf32> to vector<512x128xf32>
    %mul3A_2630 = arith.constant 5.000000e-01 : f32
    %mul3A_2631 = vector.broadcast %mul3A_2630 : f32 to vector<512x128xf32>
    %mul3A_2632 = arith.mulf %mul3A_2631, %slice3A_2629 : vector<512x128xf32>
    %tanh3A_2633 = math.tanh %mul3A_2632 : vector<512x128xf32>
    %mul3A_2634 = arith.constant 5.000000e-01 : f32
    %mul3A_2635 = vector.broadcast %mul3A_2634 : f32 to vector<512x128xf32>
    %mul3A_2636 = arith.mulf %mul3A_2635, %tanh3A_2633 : vector<512x128xf32>
    %add3A_2637 = arith.constant 5.000000e-01 : f32
    %add3A_2638 = vector.broadcast %add3A_2637 : f32 to vector<512x128xf32>
    %add3A_2639 = arith.addf %mul3A_2636, %add3A_2638 : vector<512x128xf32>
    %mul3A_2640 = arith.mulf %add3A_2626, %add3A_2579 : vector<512x128xf32>
    %mul3A_2641 = arith.mulf %add3A_2615, %tanh3A_2628 : vector<512x128xf32>
    %add3A_2642 = arith.addf %mul3A_2640, %mul3A_2641 : vector<512x128xf32>
    %tanh3A_2643 = math.tanh %add3A_2642 : vector<512x128xf32>
    %mul3A_2644 = arith.mulf %add3A_2639, %tanh3A_2643 : vector<512x128xf32>
    %get3A_2645 = arith.constant 42 : index
    %get3A_2646 = arith.constant 0 : index
    %get3A_2647 = arith.constant 0 : index
    %get3A_2648 = vector.load %arg1[%get3A_2645, %get3A_2646, %get3A_2647] : memref<50x512x128xf32, #tpu.memory_space<vmem>>, vector<1x512x128xf32>
    %get3A_2649 = vector.shape_cast %get3A_2648 : vector<1x512x128xf32> to vector<512x128xf32>
    %get3A_2650 = arith.constant 0 : index
    %get3A_2651 = arith.constant 42 : index
    %get3A_2652 = vector.load %arg2[%get3A_2650, %get3A_2651] : memref<512x50xi32, #tpu.memory_space<vmem>>, vector<512x1xi32>
    %ne3A_2653 = arith.constant 0 : i32
    %ne3A_2654 = vector.broadcast %ne3A_2653 : i32 to vector<512x1xi32>
    %ne3A_2655 = arith.cmpi ne, %get3A_2652, %ne3A_2654 : vector<512x1xi32>
    %slice3A_2656 = vector.extract_strided_slice %get3A_2649 {offsets = [0, 64], sizes = [512, 64], strides = [1, 1]} : vector<512x128xf32> to vector<512x64xf32>
    %slice3A_2657 = vector.extract_strided_slice %get3A_2649 {offsets = [0, 0], sizes = [512, 64], strides = [1, 1]} : vector<512x128xf32> to vector<512x64xf32>
    %broadcast_in_dim3A_2658 = vector.shape_cast %ne3A_2655 : vector<512x1xi1> to vector<512x1xi1>
    %broadcast_in_dim3A_2659 = vector.broadcast %broadcast_in_dim3A_2658 : vector<512x1xi1> to vector<512x64xi1>
    %select_n3A_2660 = arith.select %broadcast_in_dim3A_2659, %slice3A_2656, %slice3A_2657 : vector<512x64xi1>, vector<512x64xf32>
    %convert_element_type3A_2661 = arith.truncf %select_n3A_2660 : vector<512x64xf32> to vector<512x64xbf16>
    %convert_element_type3A_2662 = arith.truncf %mul3A_2644 : vector<512x128xf32> to vector<512x128xbf16>
    %concatenate3A_2663 = tpu.concatenate %convert_element_type3A_2661, %convert_element_type3A_2662 in 1 : vector<512x64xbf16>, vector<512x128xbf16> -> vector<512x192xbf16>
    %dot_general3A_2664 = arith.constant dense<0.000000e+00> : vector<512x512xf32>
    %dot_general3A_2665 = tpu.matmul %concatenate3A_2663, %get3A_1, %dot_general3A_2664 {dimension_numbers = #tpu.dot_dimension_numbers<[1], [0], [0], [1], [0, 0, 1, 1], [], []>, transpose_lhs_hint = false} : vector<512x192xbf16>, vector<192x512xbf16>, vector<512x512xf32> -> vector<512x512xf32>
    %add3A_2666 = vector.broadcast %get3A_4 : vector<1x512xf32> to vector<512x512xf32>
    %add3A_2667 = arith.addf %dot_general3A_2665, %add3A_2666 : vector<512x512xf32>
    %slice3A_2668 = vector.extract_strided_slice %add3A_2667 {offsets = [0, 0], sizes = [512, 128], strides = [1, 1]} : vector<512x512xf32> to vector<512x128xf32>
    %mul3A_2669 = arith.constant 5.000000e-01 : f32
    %mul3A_2670 = vector.broadcast %mul3A_2669 : f32 to vector<512x128xf32>
    %mul3A_2671 = arith.mulf %mul3A_2670, %slice3A_2668 : vector<512x128xf32>
    %tanh3A_2672 = math.tanh %mul3A_2671 : vector<512x128xf32>
    %mul3A_2673 = arith.constant 5.000000e-01 : f32
    %mul3A_2674 = vector.broadcast %mul3A_2673 : f32 to vector<512x128xf32>
    %mul3A_2675 = arith.mulf %mul3A_2674, %tanh3A_2672 : vector<512x128xf32>
    %add3A_2676 = arith.constant 5.000000e-01 : f32
    %add3A_2677 = vector.broadcast %add3A_2676 : f32 to vector<512x128xf32>
    %add3A_2678 = arith.addf %mul3A_2675, %add3A_2677 : vector<512x128xf32>
    %slice3A_2679 = vector.extract_strided_slice %add3A_2667 {offsets = [0, 128], sizes = [512, 128], strides = [1, 1]} : vector<512x512xf32> to vector<512x128xf32>
    %mul3A_2680 = arith.constant 5.000000e-01 : f32
    %mul3A_2681 = vector.broadcast %mul3A_2680 : f32 to vector<512x128xf32>
    %mul3A_2682 = arith.mulf %mul3A_2681, %slice3A_2679 : vector<512x128xf32>
    %tanh3A_2683 = math.tanh %mul3A_2682 : vector<512x128xf32>
    %mul3A_2684 = arith.constant 5.000000e-01 : f32
    %mul3A_2685 = vector.broadcast %mul3A_2684 : f32 to vector<512x128xf32>
    %mul3A_2686 = arith.mulf %mul3A_2685, %tanh3A_2683 : vector<512x128xf32>
    %add3A_2687 = arith.constant 5.000000e-01 : f32
    %add3A_2688 = vector.broadcast %add3A_2687 : f32 to vector<512x128xf32>
    %add3A_2689 = arith.addf %mul3A_2686, %add3A_2688 : vector<512x128xf32>
    %slice3A_2690 = vector.extract_strided_slice %add3A_2667 {offsets = [0, 256], sizes = [512, 128], strides = [1, 1]} : vector<512x512xf32> to vector<512x128xf32>
    %tanh3A_2691 = math.tanh %slice3A_2690 : vector<512x128xf32>
    %slice3A_2692 = vector.extract_strided_slice %add3A_2667 {offsets = [0, 384], sizes = [512, 128], strides = [1, 1]} : vector<512x512xf32> to vector<512x128xf32>
    %mul3A_2693 = arith.constant 5.000000e-01 : f32
    %mul3A_2694 = vector.broadcast %mul3A_2693 : f32 to vector<512x128xf32>
    %mul3A_2695 = arith.mulf %mul3A_2694, %slice3A_2692 : vector<512x128xf32>
    %tanh3A_2696 = math.tanh %mul3A_2695 : vector<512x128xf32>
    %mul3A_2697 = arith.constant 5.000000e-01 : f32
    %mul3A_2698 = vector.broadcast %mul3A_2697 : f32 to vector<512x128xf32>
    %mul3A_2699 = arith.mulf %mul3A_2698, %tanh3A_2696 : vector<512x128xf32>
    %add3A_2700 = arith.constant 5.000000e-01 : f32
    %add3A_2701 = vector.broadcast %add3A_2700 : f32 to vector<512x128xf32>
    %add3A_2702 = arith.addf %mul3A_2699, %add3A_2701 : vector<512x128xf32>
    %mul3A_2703 = arith.mulf %add3A_2689, %add3A_2642 : vector<512x128xf32>
    %mul3A_2704 = arith.mulf %add3A_2678, %tanh3A_2691 : vector<512x128xf32>
    %add3A_2705 = arith.addf %mul3A_2703, %mul3A_2704 : vector<512x128xf32>
    %tanh3A_2706 = math.tanh %add3A_2705 : vector<512x128xf32>
    %mul3A_2707 = arith.mulf %add3A_2702, %tanh3A_2706 : vector<512x128xf32>
    %get3A_2708 = arith.constant 43 : index
    %get3A_2709 = arith.constant 0 : index
    %get3A_2710 = arith.constant 0 : index
    %get3A_2711 = vector.load %arg1[%get3A_2708, %get3A_2709, %get3A_2710] : memref<50x512x128xf32, #tpu.memory_space<vmem>>, vector<1x512x128xf32>
    %get3A_2712 = vector.shape_cast %get3A_2711 : vector<1x512x128xf32> to vector<512x128xf32>
    %get3A_2713 = arith.constant 0 : index
    %get3A_2714 = arith.constant 43 : index
    %get3A_2715 = vector.load %arg2[%get3A_2713, %get3A_2714] : memref<512x50xi32, #tpu.memory_space<vmem>>, vector<512x1xi32>
    %ne3A_2716 = arith.constant 0 : i32
    %ne3A_2717 = vector.broadcast %ne3A_2716 : i32 to vector<512x1xi32>
    %ne3A_2718 = arith.cmpi ne, %get3A_2715, %ne3A_2717 : vector<512x1xi32>
    %slice3A_2719 = vector.extract_strided_slice %get3A_2712 {offsets = [0, 64], sizes = [512, 64], strides = [1, 1]} : vector<512x128xf32> to vector<512x64xf32>
    %slice3A_2720 = vector.extract_strided_slice %get3A_2712 {offsets = [0, 0], sizes = [512, 64], strides = [1, 1]} : vector<512x128xf32> to vector<512x64xf32>
    %broadcast_in_dim3A_2721 = vector.shape_cast %ne3A_2718 : vector<512x1xi1> to vector<512x1xi1>
    %broadcast_in_dim3A_2722 = vector.broadcast %broadcast_in_dim3A_2721 : vector<512x1xi1> to vector<512x64xi1>
    %select_n3A_2723 = arith.select %broadcast_in_dim3A_2722, %slice3A_2719, %slice3A_2720 : vector<512x64xi1>, vector<512x64xf32>
    %convert_element_type3A_2724 = arith.truncf %select_n3A_2723 : vector<512x64xf32> to vector<512x64xbf16>
    %convert_element_type3A_2725 = arith.truncf %mul3A_2707 : vector<512x128xf32> to vector<512x128xbf16>
    %concatenate3A_2726 = tpu.concatenate %convert_element_type3A_2724, %convert_element_type3A_2725 in 1 : vector<512x64xbf16>, vector<512x128xbf16> -> vector<512x192xbf16>
    %dot_general3A_2727 = arith.constant dense<0.000000e+00> : vector<512x512xf32>
    %dot_general3A_2728 = tpu.matmul %concatenate3A_2726, %get3A_1, %dot_general3A_2727 {dimension_numbers = #tpu.dot_dimension_numbers<[1], [0], [0], [1], [0, 0, 1, 1], [], []>, transpose_lhs_hint = false} : vector<512x192xbf16>, vector<192x512xbf16>, vector<512x512xf32> -> vector<512x512xf32>
    %add3A_2729 = vector.broadcast %get3A_4 : vector<1x512xf32> to vector<512x512xf32>
    %add3A_2730 = arith.addf %dot_general3A_2728, %add3A_2729 : vector<512x512xf32>
    %slice3A_2731 = vector.extract_strided_slice %add3A_2730 {offsets = [0, 0], sizes = [512, 128], strides = [1, 1]} : vector<512x512xf32> to vector<512x128xf32>
    %mul3A_2732 = arith.constant 5.000000e-01 : f32
    %mul3A_2733 = vector.broadcast %mul3A_2732 : f32 to vector<512x128xf32>
    %mul3A_2734 = arith.mulf %mul3A_2733, %slice3A_2731 : vector<512x128xf32>
    %tanh3A_2735 = math.tanh %mul3A_2734 : vector<512x128xf32>
    %mul3A_2736 = arith.constant 5.000000e-01 : f32
    %mul3A_2737 = vector.broadcast %mul3A_2736 : f32 to vector<512x128xf32>
    %mul3A_2738 = arith.mulf %mul3A_2737, %tanh3A_2735 : vector<512x128xf32>
    %add3A_2739 = arith.constant 5.000000e-01 : f32
    %add3A_2740 = vector.broadcast %add3A_2739 : f32 to vector<512x128xf32>
    %add3A_2741 = arith.addf %mul3A_2738, %add3A_2740 : vector<512x128xf32>
    %slice3A_2742 = vector.extract_strided_slice %add3A_2730 {offsets = [0, 128], sizes = [512, 128], strides = [1, 1]} : vector<512x512xf32> to vector<512x128xf32>
    %mul3A_2743 = arith.constant 5.000000e-01 : f32
    %mul3A_2744 = vector.broadcast %mul3A_2743 : f32 to vector<512x128xf32>
    %mul3A_2745 = arith.mulf %mul3A_2744, %slice3A_2742 : vector<512x128xf32>
    %tanh3A_2746 = math.tanh %mul3A_2745 : vector<512x128xf32>
    %mul3A_2747 = arith.constant 5.000000e-01 : f32
    %mul3A_2748 = vector.broadcast %mul3A_2747 : f32 to vector<512x128xf32>
    %mul3A_2749 = arith.mulf %mul3A_2748, %tanh3A_2746 : vector<512x128xf32>
    %add3A_2750 = arith.constant 5.000000e-01 : f32
    %add3A_2751 = vector.broadcast %add3A_2750 : f32 to vector<512x128xf32>
    %add3A_2752 = arith.addf %mul3A_2749, %add3A_2751 : vector<512x128xf32>
    %slice3A_2753 = vector.extract_strided_slice %add3A_2730 {offsets = [0, 256], sizes = [512, 128], strides = [1, 1]} : vector<512x512xf32> to vector<512x128xf32>
    %tanh3A_2754 = math.tanh %slice3A_2753 : vector<512x128xf32>
    %slice3A_2755 = vector.extract_strided_slice %add3A_2730 {offsets = [0, 384], sizes = [512, 128], strides = [1, 1]} : vector<512x512xf32> to vector<512x128xf32>
    %mul3A_2756 = arith.constant 5.000000e-01 : f32
    %mul3A_2757 = vector.broadcast %mul3A_2756 : f32 to vector<512x128xf32>
    %mul3A_2758 = arith.mulf %mul3A_2757, %slice3A_2755 : vector<512x128xf32>
    %tanh3A_2759 = math.tanh %mul3A_2758 : vector<512x128xf32>
    %mul3A_2760 = arith.constant 5.000000e-01 : f32
    %mul3A_2761 = vector.broadcast %mul3A_2760 : f32 to vector<512x128xf32>
    %mul3A_2762 = arith.mulf %mul3A_2761, %tanh3A_2759 : vector<512x128xf32>
    %add3A_2763 = arith.constant 5.000000e-01 : f32
    %add3A_2764 = vector.broadcast %add3A_2763 : f32 to vector<512x128xf32>
    %add3A_2765 = arith.addf %mul3A_2762, %add3A_2764 : vector<512x128xf32>
    %mul3A_2766 = arith.mulf %add3A_2752, %add3A_2705 : vector<512x128xf32>
    %mul3A_2767 = arith.mulf %add3A_2741, %tanh3A_2754 : vector<512x128xf32>
    %add3A_2768 = arith.addf %mul3A_2766, %mul3A_2767 : vector<512x128xf32>
    %tanh3A_2769 = math.tanh %add3A_2768 : vector<512x128xf32>
    %mul3A_2770 = arith.mulf %add3A_2765, %tanh3A_2769 : vector<512x128xf32>
    %get3A_2771 = arith.constant 44 : index
    %get3A_2772 = arith.constant 0 : index
    %get3A_2773 = arith.constant 0 : index
    %get3A_2774 = vector.load %arg1[%get3A_2771, %get3A_2772, %get3A_2773] : memref<50x512x128xf32, #tpu.memory_space<vmem>>, vector<1x512x128xf32>
    %get3A_2775 = vector.shape_cast %get3A_2774 : vector<1x512x128xf32> to vector<512x128xf32>
    %get3A_2776 = arith.constant 0 : index
    %get3A_2777 = arith.constant 44 : index
    %get3A_2778 = vector.load %arg2[%get3A_2776, %get3A_2777] : memref<512x50xi32, #tpu.memory_space<vmem>>, vector<512x1xi32>
    %ne3A_2779 = arith.constant 0 : i32
    %ne3A_2780 = vector.broadcast %ne3A_2779 : i32 to vector<512x1xi32>
    %ne3A_2781 = arith.cmpi ne, %get3A_2778, %ne3A_2780 : vector<512x1xi32>
    %slice3A_2782 = vector.extract_strided_slice %get3A_2775 {offsets = [0, 64], sizes = [512, 64], strides = [1, 1]} : vector<512x128xf32> to vector<512x64xf32>
    %slice3A_2783 = vector.extract_strided_slice %get3A_2775 {offsets = [0, 0], sizes = [512, 64], strides = [1, 1]} : vector<512x128xf32> to vector<512x64xf32>
    %broadcast_in_dim3A_2784 = vector.shape_cast %ne3A_2781 : vector<512x1xi1> to vector<512x1xi1>
    %broadcast_in_dim3A_2785 = vector.broadcast %broadcast_in_dim3A_2784 : vector<512x1xi1> to vector<512x64xi1>
    %select_n3A_2786 = arith.select %broadcast_in_dim3A_2785, %slice3A_2782, %slice3A_2783 : vector<512x64xi1>, vector<512x64xf32>
    %convert_element_type3A_2787 = arith.truncf %select_n3A_2786 : vector<512x64xf32> to vector<512x64xbf16>
    %convert_element_type3A_2788 = arith.truncf %mul3A_2770 : vector<512x128xf32> to vector<512x128xbf16>
    %concatenate3A_2789 = tpu.concatenate %convert_element_type3A_2787, %convert_element_type3A_2788 in 1 : vector<512x64xbf16>, vector<512x128xbf16> -> vector<512x192xbf16>
    %dot_general3A_2790 = arith.constant dense<0.000000e+00> : vector<512x512xf32>
    %dot_general3A_2791 = tpu.matmul %concatenate3A_2789, %get3A_1, %dot_general3A_2790 {dimension_numbers = #tpu.dot_dimension_numbers<[1], [0], [0], [1], [0, 0, 1, 1], [], []>, transpose_lhs_hint = false} : vector<512x192xbf16>, vector<192x512xbf16>, vector<512x512xf32> -> vector<512x512xf32>
    %add3A_2792 = vector.broadcast %get3A_4 : vector<1x512xf32> to vector<512x512xf32>
    %add3A_2793 = arith.addf %dot_general3A_2791, %add3A_2792 : vector<512x512xf32>
    %slice3A_2794 = vector.extract_strided_slice %add3A_2793 {offsets = [0, 0], sizes = [512, 128], strides = [1, 1]} : vector<512x512xf32> to vector<512x128xf32>
    %mul3A_2795 = arith.constant 5.000000e-01 : f32
    %mul3A_2796 = vector.broadcast %mul3A_2795 : f32 to vector<512x128xf32>
    %mul3A_2797 = arith.mulf %mul3A_2796, %slice3A_2794 : vector<512x128xf32>
    %tanh3A_2798 = math.tanh %mul3A_2797 : vector<512x128xf32>
    %mul3A_2799 = arith.constant 5.000000e-01 : f32
    %mul3A_2800 = vector.broadcast %mul3A_2799 : f32 to vector<512x128xf32>
    %mul3A_2801 = arith.mulf %mul3A_2800, %tanh3A_2798 : vector<512x128xf32>
    %add3A_2802 = arith.constant 5.000000e-01 : f32
    %add3A_2803 = vector.broadcast %add3A_2802 : f32 to vector<512x128xf32>
    %add3A_2804 = arith.addf %mul3A_2801, %add3A_2803 : vector<512x128xf32>
    %slice3A_2805 = vector.extract_strided_slice %add3A_2793 {offsets = [0, 128], sizes = [512, 128], strides = [1, 1]} : vector<512x512xf32> to vector<512x128xf32>
    %mul3A_2806 = arith.constant 5.000000e-01 : f32
    %mul3A_2807 = vector.broadcast %mul3A_2806 : f32 to vector<512x128xf32>
    %mul3A_2808 = arith.mulf %mul3A_2807, %slice3A_2805 : vector<512x128xf32>
    %tanh3A_2809 = math.tanh %mul3A_2808 : vector<512x128xf32>
    %mul3A_2810 = arith.constant 5.000000e-01 : f32
    %mul3A_2811 = vector.broadcast %mul3A_2810 : f32 to vector<512x128xf32>
    %mul3A_2812 = arith.mulf %mul3A_2811, %tanh3A_2809 : vector<512x128xf32>
    %add3A_2813 = arith.constant 5.000000e-01 : f32
    %add3A_2814 = vector.broadcast %add3A_2813 : f32 to vector<512x128xf32>
    %add3A_2815 = arith.addf %mul3A_2812, %add3A_2814 : vector<512x128xf32>
    %slice3A_2816 = vector.extract_strided_slice %add3A_2793 {offsets = [0, 256], sizes = [512, 128], strides = [1, 1]} : vector<512x512xf32> to vector<512x128xf32>
    %tanh3A_2817 = math.tanh %slice3A_2816 : vector<512x128xf32>
    %slice3A_2818 = vector.extract_strided_slice %add3A_2793 {offsets = [0, 384], sizes = [512, 128], strides = [1, 1]} : vector<512x512xf32> to vector<512x128xf32>
    %mul3A_2819 = arith.constant 5.000000e-01 : f32
    %mul3A_2820 = vector.broadcast %mul3A_2819 : f32 to vector<512x128xf32>
    %mul3A_2821 = arith.mulf %mul3A_2820, %slice3A_2818 : vector<512x128xf32>
    %tanh3A_2822 = math.tanh %mul3A_2821 : vector<512x128xf32>
    %mul3A_2823 = arith.constant 5.000000e-01 : f32
    %mul3A_2824 = vector.broadcast %mul3A_2823 : f32 to vector<512x128xf32>
    %mul3A_2825 = arith.mulf %mul3A_2824, %tanh3A_2822 : vector<512x128xf32>
    %add3A_2826 = arith.constant 5.000000e-01 : f32
    %add3A_2827 = vector.broadcast %add3A_2826 : f32 to vector<512x128xf32>
    %add3A_2828 = arith.addf %mul3A_2825, %add3A_2827 : vector<512x128xf32>
    %mul3A_2829 = arith.mulf %add3A_2815, %add3A_2768 : vector<512x128xf32>
    %mul3A_2830 = arith.mulf %add3A_2804, %tanh3A_2817 : vector<512x128xf32>
    %add3A_2831 = arith.addf %mul3A_2829, %mul3A_2830 : vector<512x128xf32>
    %tanh3A_2832 = math.tanh %add3A_2831 : vector<512x128xf32>
    %mul3A_2833 = arith.mulf %add3A_2828, %tanh3A_2832 : vector<512x128xf32>
    %get3A_2834 = arith.constant 45 : index
    %get3A_2835 = arith.constant 0 : index
    %get3A_2836 = arith.constant 0 : index
    %get3A_2837 = vector.load %arg1[%get3A_2834, %get3A_2835, %get3A_2836] : memref<50x512x128xf32, #tpu.memory_space<vmem>>, vector<1x512x128xf32>
    %get3A_2838 = vector.shape_cast %get3A_2837 : vector<1x512x128xf32> to vector<512x128xf32>
    %get3A_2839 = arith.constant 0 : index
    %get3A_2840 = arith.constant 45 : index
    %get3A_2841 = vector.load %arg2[%get3A_2839, %get3A_2840] : memref<512x50xi32, #tpu.memory_space<vmem>>, vector<512x1xi32>
    %ne3A_2842 = arith.constant 0 : i32
    %ne3A_2843 = vector.broadcast %ne3A_2842 : i32 to vector<512x1xi32>
    %ne3A_2844 = arith.cmpi ne, %get3A_2841, %ne3A_2843 : vector<512x1xi32>
    %slice3A_2845 = vector.extract_strided_slice %get3A_2838 {offsets = [0, 64], sizes = [512, 64], strides = [1, 1]} : vector<512x128xf32> to vector<512x64xf32>
    %slice3A_2846 = vector.extract_strided_slice %get3A_2838 {offsets = [0, 0], sizes = [512, 64], strides = [1, 1]} : vector<512x128xf32> to vector<512x64xf32>
    %broadcast_in_dim3A_2847 = vector.shape_cast %ne3A_2844 : vector<512x1xi1> to vector<512x1xi1>
    %broadcast_in_dim3A_2848 = vector.broadcast %broadcast_in_dim3A_2847 : vector<512x1xi1> to vector<512x64xi1>
    %select_n3A_2849 = arith.select %broadcast_in_dim3A_2848, %slice3A_2845, %slice3A_2846 : vector<512x64xi1>, vector<512x64xf32>
    %convert_element_type3A_2850 = arith.truncf %select_n3A_2849 : vector<512x64xf32> to vector<512x64xbf16>
    %convert_element_type3A_2851 = arith.truncf %mul3A_2833 : vector<512x128xf32> to vector<512x128xbf16>
    %concatenate3A_2852 = tpu.concatenate %convert_element_type3A_2850, %convert_element_type3A_2851 in 1 : vector<512x64xbf16>, vector<512x128xbf16> -> vector<512x192xbf16>
    %dot_general3A_2853 = arith.constant dense<0.000000e+00> : vector<512x512xf32>
    %dot_general3A_2854 = tpu.matmul %concatenate3A_2852, %get3A_1, %dot_general3A_2853 {dimension_numbers = #tpu.dot_dimension_numbers<[1], [0], [0], [1], [0, 0, 1, 1], [], []>, transpose_lhs_hint = false} : vector<512x192xbf16>, vector<192x512xbf16>, vector<512x512xf32> -> vector<512x512xf32>
    %add3A_2855 = vector.broadcast %get3A_4 : vector<1x512xf32> to vector<512x512xf32>
    %add3A_2856 = arith.addf %dot_general3A_2854, %add3A_2855 : vector<512x512xf32>
    %slice3A_2857 = vector.extract_strided_slice %add3A_2856 {offsets = [0, 0], sizes = [512, 128], strides = [1, 1]} : vector<512x512xf32> to vector<512x128xf32>
    %mul3A_2858 = arith.constant 5.000000e-01 : f32
    %mul3A_2859 = vector.broadcast %mul3A_2858 : f32 to vector<512x128xf32>
    %mul3A_2860 = arith.mulf %mul3A_2859, %slice3A_2857 : vector<512x128xf32>
    %tanh3A_2861 = math.tanh %mul3A_2860 : vector<512x128xf32>
    %mul3A_2862 = arith.constant 5.000000e-01 : f32
    %mul3A_2863 = vector.broadcast %mul3A_2862 : f32 to vector<512x128xf32>
    %mul3A_2864 = arith.mulf %mul3A_2863, %tanh3A_2861 : vector<512x128xf32>
    %add3A_2865 = arith.constant 5.000000e-01 : f32
    %add3A_2866 = vector.broadcast %add3A_2865 : f32 to vector<512x128xf32>
    %add3A_2867 = arith.addf %mul3A_2864, %add3A_2866 : vector<512x128xf32>
    %slice3A_2868 = vector.extract_strided_slice %add3A_2856 {offsets = [0, 128], sizes = [512, 128], strides = [1, 1]} : vector<512x512xf32> to vector<512x128xf32>
    %mul3A_2869 = arith.constant 5.000000e-01 : f32
    %mul3A_2870 = vector.broadcast %mul3A_2869 : f32 to vector<512x128xf32>
    %mul3A_2871 = arith.mulf %mul3A_2870, %slice3A_2868 : vector<512x128xf32>
    %tanh3A_2872 = math.tanh %mul3A_2871 : vector<512x128xf32>
    %mul3A_2873 = arith.constant 5.000000e-01 : f32
    %mul3A_2874 = vector.broadcast %mul3A_2873 : f32 to vector<512x128xf32>
    %mul3A_2875 = arith.mulf %mul3A_2874, %tanh3A_2872 : vector<512x128xf32>
    %add3A_2876 = arith.constant 5.000000e-01 : f32
    %add3A_2877 = vector.broadcast %add3A_2876 : f32 to vector<512x128xf32>
    %add3A_2878 = arith.addf %mul3A_2875, %add3A_2877 : vector<512x128xf32>
    %slice3A_2879 = vector.extract_strided_slice %add3A_2856 {offsets = [0, 256], sizes = [512, 128], strides = [1, 1]} : vector<512x512xf32> to vector<512x128xf32>
    %tanh3A_2880 = math.tanh %slice3A_2879 : vector<512x128xf32>
    %slice3A_2881 = vector.extract_strided_slice %add3A_2856 {offsets = [0, 384], sizes = [512, 128], strides = [1, 1]} : vector<512x512xf32> to vector<512x128xf32>
    %mul3A_2882 = arith.constant 5.000000e-01 : f32
    %mul3A_2883 = vector.broadcast %mul3A_2882 : f32 to vector<512x128xf32>
    %mul3A_2884 = arith.mulf %mul3A_2883, %slice3A_2881 : vector<512x128xf32>
    %tanh3A_2885 = math.tanh %mul3A_2884 : vector<512x128xf32>
    %mul3A_2886 = arith.constant 5.000000e-01 : f32
    %mul3A_2887 = vector.broadcast %mul3A_2886 : f32 to vector<512x128xf32>
    %mul3A_2888 = arith.mulf %mul3A_2887, %tanh3A_2885 : vector<512x128xf32>
    %add3A_2889 = arith.constant 5.000000e-01 : f32
    %add3A_2890 = vector.broadcast %add3A_2889 : f32 to vector<512x128xf32>
    %add3A_2891 = arith.addf %mul3A_2888, %add3A_2890 : vector<512x128xf32>
    %mul3A_2892 = arith.mulf %add3A_2878, %add3A_2831 : vector<512x128xf32>
    %mul3A_2893 = arith.mulf %add3A_2867, %tanh3A_2880 : vector<512x128xf32>
    %add3A_2894 = arith.addf %mul3A_2892, %mul3A_2893 : vector<512x128xf32>
    %tanh3A_2895 = math.tanh %add3A_2894 : vector<512x128xf32>
    %mul3A_2896 = arith.mulf %add3A_2891, %tanh3A_2895 : vector<512x128xf32>
    %get3A_2897 = arith.constant 46 : index
    %get3A_2898 = arith.constant 0 : index
    %get3A_2899 = arith.constant 0 : index
    %get3A_2900 = vector.load %arg1[%get3A_2897, %get3A_2898, %get3A_2899] : memref<50x512x128xf32, #tpu.memory_space<vmem>>, vector<1x512x128xf32>
    %get3A_2901 = vector.shape_cast %get3A_2900 : vector<1x512x128xf32> to vector<512x128xf32>
    %get3A_2902 = arith.constant 0 : index
    %get3A_2903 = arith.constant 46 : index
    %get3A_2904 = vector.load %arg2[%get3A_2902, %get3A_2903] : memref<512x50xi32, #tpu.memory_space<vmem>>, vector<512x1xi32>
    %ne3A_2905 = arith.constant 0 : i32
    %ne3A_2906 = vector.broadcast %ne3A_2905 : i32 to vector<512x1xi32>
    %ne3A_2907 = arith.cmpi ne, %get3A_2904, %ne3A_2906 : vector<512x1xi32>
    %slice3A_2908 = vector.extract_strided_slice %get3A_2901 {offsets = [0, 64], sizes = [512, 64], strides = [1, 1]} : vector<512x128xf32> to vector<512x64xf32>
    %slice3A_2909 = vector.extract_strided_slice %get3A_2901 {offsets = [0, 0], sizes = [512, 64], strides = [1, 1]} : vector<512x128xf32> to vector<512x64xf32>
    %broadcast_in_dim3A_2910 = vector.shape_cast %ne3A_2907 : vector<512x1xi1> to vector<512x1xi1>
    %broadcast_in_dim3A_2911 = vector.broadcast %broadcast_in_dim3A_2910 : vector<512x1xi1> to vector<512x64xi1>
    %select_n3A_2912 = arith.select %broadcast_in_dim3A_2911, %slice3A_2908, %slice3A_2909 : vector<512x64xi1>, vector<512x64xf32>
    %convert_element_type3A_2913 = arith.truncf %select_n3A_2912 : vector<512x64xf32> to vector<512x64xbf16>
    %convert_element_type3A_2914 = arith.truncf %mul3A_2896 : vector<512x128xf32> to vector<512x128xbf16>
    %concatenate3A_2915 = tpu.concatenate %convert_element_type3A_2913, %convert_element_type3A_2914 in 1 : vector<512x64xbf16>, vector<512x128xbf16> -> vector<512x192xbf16>
    %dot_general3A_2916 = arith.constant dense<0.000000e+00> : vector<512x512xf32>
    %dot_general3A_2917 = tpu.matmul %concatenate3A_2915, %get3A_1, %dot_general3A_2916 {dimension_numbers = #tpu.dot_dimension_numbers<[1], [0], [0], [1], [0, 0, 1, 1], [], []>, transpose_lhs_hint = false} : vector<512x192xbf16>, vector<192x512xbf16>, vector<512x512xf32> -> vector<512x512xf32>
    %add3A_2918 = vector.broadcast %get3A_4 : vector<1x512xf32> to vector<512x512xf32>
    %add3A_2919 = arith.addf %dot_general3A_2917, %add3A_2918 : vector<512x512xf32>
    %slice3A_2920 = vector.extract_strided_slice %add3A_2919 {offsets = [0, 0], sizes = [512, 128], strides = [1, 1]} : vector<512x512xf32> to vector<512x128xf32>
    %mul3A_2921 = arith.constant 5.000000e-01 : f32
    %mul3A_2922 = vector.broadcast %mul3A_2921 : f32 to vector<512x128xf32>
    %mul3A_2923 = arith.mulf %mul3A_2922, %slice3A_2920 : vector<512x128xf32>
    %tanh3A_2924 = math.tanh %mul3A_2923 : vector<512x128xf32>
    %mul3A_2925 = arith.constant 5.000000e-01 : f32
    %mul3A_2926 = vector.broadcast %mul3A_2925 : f32 to vector<512x128xf32>
    %mul3A_2927 = arith.mulf %mul3A_2926, %tanh3A_2924 : vector<512x128xf32>
    %add3A_2928 = arith.constant 5.000000e-01 : f32
    %add3A_2929 = vector.broadcast %add3A_2928 : f32 to vector<512x128xf32>
    %add3A_2930 = arith.addf %mul3A_2927, %add3A_2929 : vector<512x128xf32>
    %slice3A_2931 = vector.extract_strided_slice %add3A_2919 {offsets = [0, 128], sizes = [512, 128], strides = [1, 1]} : vector<512x512xf32> to vector<512x128xf32>
    %mul3A_2932 = arith.constant 5.000000e-01 : f32
    %mul3A_2933 = vector.broadcast %mul3A_2932 : f32 to vector<512x128xf32>
    %mul3A_2934 = arith.mulf %mul3A_2933, %slice3A_2931 : vector<512x128xf32>
    %tanh3A_2935 = math.tanh %mul3A_2934 : vector<512x128xf32>
    %mul3A_2936 = arith.constant 5.000000e-01 : f32
    %mul3A_2937 = vector.broadcast %mul3A_2936 : f32 to vector<512x128xf32>
    %mul3A_2938 = arith.mulf %mul3A_2937, %tanh3A_2935 : vector<512x128xf32>
    %add3A_2939 = arith.constant 5.000000e-01 : f32
    %add3A_2940 = vector.broadcast %add3A_2939 : f32 to vector<512x128xf32>
    %add3A_2941 = arith.addf %mul3A_2938, %add3A_2940 : vector<512x128xf32>
    %slice3A_2942 = vector.extract_strided_slice %add3A_2919 {offsets = [0, 256], sizes = [512, 128], strides = [1, 1]} : vector<512x512xf32> to vector<512x128xf32>
    %tanh3A_2943 = math.tanh %slice3A_2942 : vector<512x128xf32>
    %slice3A_2944 = vector.extract_strided_slice %add3A_2919 {offsets = [0, 384], sizes = [512, 128], strides = [1, 1]} : vector<512x512xf32> to vector<512x128xf32>
    %mul3A_2945 = arith.constant 5.000000e-01 : f32
    %mul3A_2946 = vector.broadcast %mul3A_2945 : f32 to vector<512x128xf32>
    %mul3A_2947 = arith.mulf %mul3A_2946, %slice3A_2944 : vector<512x128xf32>
    %tanh3A_2948 = math.tanh %mul3A_2947 : vector<512x128xf32>
    %mul3A_2949 = arith.constant 5.000000e-01 : f32
    %mul3A_2950 = vector.broadcast %mul3A_2949 : f32 to vector<512x128xf32>
    %mul3A_2951 = arith.mulf %mul3A_2950, %tanh3A_2948 : vector<512x128xf32>
    %add3A_2952 = arith.constant 5.000000e-01 : f32
    %add3A_2953 = vector.broadcast %add3A_2952 : f32 to vector<512x128xf32>
    %add3A_2954 = arith.addf %mul3A_2951, %add3A_2953 : vector<512x128xf32>
    %mul3A_2955 = arith.mulf %add3A_2941, %add3A_2894 : vector<512x128xf32>
    %mul3A_2956 = arith.mulf %add3A_2930, %tanh3A_2943 : vector<512x128xf32>
    %add3A_2957 = arith.addf %mul3A_2955, %mul3A_2956 : vector<512x128xf32>
    %tanh3A_2958 = math.tanh %add3A_2957 : vector<512x128xf32>
    %mul3A_2959 = arith.mulf %add3A_2954, %tanh3A_2958 : vector<512x128xf32>
    %get3A_2960 = arith.constant 47 : index
    %get3A_2961 = arith.constant 0 : index
    %get3A_2962 = arith.constant 0 : index
    %get3A_2963 = vector.load %arg1[%get3A_2960, %get3A_2961, %get3A_2962] : memref<50x512x128xf32, #tpu.memory_space<vmem>>, vector<1x512x128xf32>
    %get3A_2964 = vector.shape_cast %get3A_2963 : vector<1x512x128xf32> to vector<512x128xf32>
    %get3A_2965 = arith.constant 0 : index
    %get3A_2966 = arith.constant 47 : index
    %get3A_2967 = vector.load %arg2[%get3A_2965, %get3A_2966] : memref<512x50xi32, #tpu.memory_space<vmem>>, vector<512x1xi32>
    %ne3A_2968 = arith.constant 0 : i32
    %ne3A_2969 = vector.broadcast %ne3A_2968 : i32 to vector<512x1xi32>
    %ne3A_2970 = arith.cmpi ne, %get3A_2967, %ne3A_2969 : vector<512x1xi32>
    %slice3A_2971 = vector.extract_strided_slice %get3A_2964 {offsets = [0, 64], sizes = [512, 64], strides = [1, 1]} : vector<512x128xf32> to vector<512x64xf32>
    %slice3A_2972 = vector.extract_strided_slice %get3A_2964 {offsets = [0, 0], sizes = [512, 64], strides = [1, 1]} : vector<512x128xf32> to vector<512x64xf32>
    %broadcast_in_dim3A_2973 = vector.shape_cast %ne3A_2970 : vector<512x1xi1> to vector<512x1xi1>
    %broadcast_in_dim3A_2974 = vector.broadcast %broadcast_in_dim3A_2973 : vector<512x1xi1> to vector<512x64xi1>
    %select_n3A_2975 = arith.select %broadcast_in_dim3A_2974, %slice3A_2971, %slice3A_2972 : vector<512x64xi1>, vector<512x64xf32>
    %convert_element_type3A_2976 = arith.truncf %select_n3A_2975 : vector<512x64xf32> to vector<512x64xbf16>
    %convert_element_type3A_2977 = arith.truncf %mul3A_2959 : vector<512x128xf32> to vector<512x128xbf16>
    %concatenate3A_2978 = tpu.concatenate %convert_element_type3A_2976, %convert_element_type3A_2977 in 1 : vector<512x64xbf16>, vector<512x128xbf16> -> vector<512x192xbf16>
    %dot_general3A_2979 = arith.constant dense<0.000000e+00> : vector<512x512xf32>
    %dot_general3A_2980 = tpu.matmul %concatenate3A_2978, %get3A_1, %dot_general3A_2979 {dimension_numbers = #tpu.dot_dimension_numbers<[1], [0], [0], [1], [0, 0, 1, 1], [], []>, transpose_lhs_hint = false} : vector<512x192xbf16>, vector<192x512xbf16>, vector<512x512xf32> -> vector<512x512xf32>
    %add3A_2981 = vector.broadcast %get3A_4 : vector<1x512xf32> to vector<512x512xf32>
    %add3A_2982 = arith.addf %dot_general3A_2980, %add3A_2981 : vector<512x512xf32>
    %slice3A_2983 = vector.extract_strided_slice %add3A_2982 {offsets = [0, 0], sizes = [512, 128], strides = [1, 1]} : vector<512x512xf32> to vector<512x128xf32>
    %mul3A_2984 = arith.constant 5.000000e-01 : f32
    %mul3A_2985 = vector.broadcast %mul3A_2984 : f32 to vector<512x128xf32>
    %mul3A_2986 = arith.mulf %mul3A_2985, %slice3A_2983 : vector<512x128xf32>
    %tanh3A_2987 = math.tanh %mul3A_2986 : vector<512x128xf32>
    %mul3A_2988 = arith.constant 5.000000e-01 : f32
    %mul3A_2989 = vector.broadcast %mul3A_2988 : f32 to vector<512x128xf32>
    %mul3A_2990 = arith.mulf %mul3A_2989, %tanh3A_2987 : vector<512x128xf32>
    %add3A_2991 = arith.constant 5.000000e-01 : f32
    %add3A_2992 = vector.broadcast %add3A_2991 : f32 to vector<512x128xf32>
    %add3A_2993 = arith.addf %mul3A_2990, %add3A_2992 : vector<512x128xf32>
    %slice3A_2994 = vector.extract_strided_slice %add3A_2982 {offsets = [0, 128], sizes = [512, 128], strides = [1, 1]} : vector<512x512xf32> to vector<512x128xf32>
    %mul3A_2995 = arith.constant 5.000000e-01 : f32
    %mul3A_2996 = vector.broadcast %mul3A_2995 : f32 to vector<512x128xf32>
    %mul3A_2997 = arith.mulf %mul3A_2996, %slice3A_2994 : vector<512x128xf32>
    %tanh3A_2998 = math.tanh %mul3A_2997 : vector<512x128xf32>
    %mul3A_2999 = arith.constant 5.000000e-01 : f32
    %mul3A_3000 = vector.broadcast %mul3A_2999 : f32 to vector<512x128xf32>
    %mul3A_3001 = arith.mulf %mul3A_3000, %tanh3A_2998 : vector<512x128xf32>
    %add3A_3002 = arith.constant 5.000000e-01 : f32
    %add3A_3003 = vector.broadcast %add3A_3002 : f32 to vector<512x128xf32>
    %add3A_3004 = arith.addf %mul3A_3001, %add3A_3003 : vector<512x128xf32>
    %slice3A_3005 = vector.extract_strided_slice %add3A_2982 {offsets = [0, 256], sizes = [512, 128], strides = [1, 1]} : vector<512x512xf32> to vector<512x128xf32>
    %tanh3A_3006 = math.tanh %slice3A_3005 : vector<512x128xf32>
    %slice3A_3007 = vector.extract_strided_slice %add3A_2982 {offsets = [0, 384], sizes = [512, 128], strides = [1, 1]} : vector<512x512xf32> to vector<512x128xf32>
    %mul3A_3008 = arith.constant 5.000000e-01 : f32
    %mul3A_3009 = vector.broadcast %mul3A_3008 : f32 to vector<512x128xf32>
    %mul3A_3010 = arith.mulf %mul3A_3009, %slice3A_3007 : vector<512x128xf32>
    %tanh3A_3011 = math.tanh %mul3A_3010 : vector<512x128xf32>
    %mul3A_3012 = arith.constant 5.000000e-01 : f32
    %mul3A_3013 = vector.broadcast %mul3A_3012 : f32 to vector<512x128xf32>
    %mul3A_3014 = arith.mulf %mul3A_3013, %tanh3A_3011 : vector<512x128xf32>
    %add3A_3015 = arith.constant 5.000000e-01 : f32
    %add3A_3016 = vector.broadcast %add3A_3015 : f32 to vector<512x128xf32>
    %add3A_3017 = arith.addf %mul3A_3014, %add3A_3016 : vector<512x128xf32>
    %mul3A_3018 = arith.mulf %add3A_3004, %add3A_2957 : vector<512x128xf32>
    %mul3A_3019 = arith.mulf %add3A_2993, %tanh3A_3006 : vector<512x128xf32>
    %add3A_3020 = arith.addf %mul3A_3018, %mul3A_3019 : vector<512x128xf32>
    %tanh3A_3021 = math.tanh %add3A_3020 : vector<512x128xf32>
    %mul3A_3022 = arith.mulf %add3A_3017, %tanh3A_3021 : vector<512x128xf32>
    %get3A_3023 = arith.constant 48 : index
    %get3A_3024 = arith.constant 0 : index
    %get3A_3025 = arith.constant 0 : index
    %get3A_3026 = vector.load %arg1[%get3A_3023, %get3A_3024, %get3A_3025] : memref<50x512x128xf32, #tpu.memory_space<vmem>>, vector<1x512x128xf32>
    %get3A_3027 = vector.shape_cast %get3A_3026 : vector<1x512x128xf32> to vector<512x128xf32>
    %get3A_3028 = arith.constant 0 : index
    %get3A_3029 = arith.constant 48 : index
    %get3A_3030 = vector.load %arg2[%get3A_3028, %get3A_3029] : memref<512x50xi32, #tpu.memory_space<vmem>>, vector<512x1xi32>
    %ne3A_3031 = arith.constant 0 : i32
    %ne3A_3032 = vector.broadcast %ne3A_3031 : i32 to vector<512x1xi32>
    %ne3A_3033 = arith.cmpi ne, %get3A_3030, %ne3A_3032 : vector<512x1xi32>
    %slice3A_3034 = vector.extract_strided_slice %get3A_3027 {offsets = [0, 64], sizes = [512, 64], strides = [1, 1]} : vector<512x128xf32> to vector<512x64xf32>
    %slice3A_3035 = vector.extract_strided_slice %get3A_3027 {offsets = [0, 0], sizes = [512, 64], strides = [1, 1]} : vector<512x128xf32> to vector<512x64xf32>
    %broadcast_in_dim3A_3036 = vector.shape_cast %ne3A_3033 : vector<512x1xi1> to vector<512x1xi1>
    %broadcast_in_dim3A_3037 = vector.broadcast %broadcast_in_dim3A_3036 : vector<512x1xi1> to vector<512x64xi1>
    %select_n3A_3038 = arith.select %broadcast_in_dim3A_3037, %slice3A_3034, %slice3A_3035 : vector<512x64xi1>, vector<512x64xf32>
    %convert_element_type3A_3039 = arith.truncf %select_n3A_3038 : vector<512x64xf32> to vector<512x64xbf16>
    %convert_element_type3A_3040 = arith.truncf %mul3A_3022 : vector<512x128xf32> to vector<512x128xbf16>
    %concatenate3A_3041 = tpu.concatenate %convert_element_type3A_3039, %convert_element_type3A_3040 in 1 : vector<512x64xbf16>, vector<512x128xbf16> -> vector<512x192xbf16>
    %dot_general3A_3042 = arith.constant dense<0.000000e+00> : vector<512x512xf32>
    %dot_general3A_3043 = tpu.matmul %concatenate3A_3041, %get3A_1, %dot_general3A_3042 {dimension_numbers = #tpu.dot_dimension_numbers<[1], [0], [0], [1], [0, 0, 1, 1], [], []>, transpose_lhs_hint = false} : vector<512x192xbf16>, vector<192x512xbf16>, vector<512x512xf32> -> vector<512x512xf32>
    %add3A_3044 = vector.broadcast %get3A_4 : vector<1x512xf32> to vector<512x512xf32>
    %add3A_3045 = arith.addf %dot_general3A_3043, %add3A_3044 : vector<512x512xf32>
    %slice3A_3046 = vector.extract_strided_slice %add3A_3045 {offsets = [0, 0], sizes = [512, 128], strides = [1, 1]} : vector<512x512xf32> to vector<512x128xf32>
    %mul3A_3047 = arith.constant 5.000000e-01 : f32
    %mul3A_3048 = vector.broadcast %mul3A_3047 : f32 to vector<512x128xf32>
    %mul3A_3049 = arith.mulf %mul3A_3048, %slice3A_3046 : vector<512x128xf32>
    %tanh3A_3050 = math.tanh %mul3A_3049 : vector<512x128xf32>
    %mul3A_3051 = arith.constant 5.000000e-01 : f32
    %mul3A_3052 = vector.broadcast %mul3A_3051 : f32 to vector<512x128xf32>
    %mul3A_3053 = arith.mulf %mul3A_3052, %tanh3A_3050 : vector<512x128xf32>
    %add3A_3054 = arith.constant 5.000000e-01 : f32
    %add3A_3055 = vector.broadcast %add3A_3054 : f32 to vector<512x128xf32>
    %add3A_3056 = arith.addf %mul3A_3053, %add3A_3055 : vector<512x128xf32>
    %slice3A_3057 = vector.extract_strided_slice %add3A_3045 {offsets = [0, 128], sizes = [512, 128], strides = [1, 1]} : vector<512x512xf32> to vector<512x128xf32>
    %mul3A_3058 = arith.constant 5.000000e-01 : f32
    %mul3A_3059 = vector.broadcast %mul3A_3058 : f32 to vector<512x128xf32>
    %mul3A_3060 = arith.mulf %mul3A_3059, %slice3A_3057 : vector<512x128xf32>
    %tanh3A_3061 = math.tanh %mul3A_3060 : vector<512x128xf32>
    %mul3A_3062 = arith.constant 5.000000e-01 : f32
    %mul3A_3063 = vector.broadcast %mul3A_3062 : f32 to vector<512x128xf32>
    %mul3A_3064 = arith.mulf %mul3A_3063, %tanh3A_3061 : vector<512x128xf32>
    %add3A_3065 = arith.constant 5.000000e-01 : f32
    %add3A_3066 = vector.broadcast %add3A_3065 : f32 to vector<512x128xf32>
    %add3A_3067 = arith.addf %mul3A_3064, %add3A_3066 : vector<512x128xf32>
    %slice3A_3068 = vector.extract_strided_slice %add3A_3045 {offsets = [0, 256], sizes = [512, 128], strides = [1, 1]} : vector<512x512xf32> to vector<512x128xf32>
    %tanh3A_3069 = math.tanh %slice3A_3068 : vector<512x128xf32>
    %slice3A_3070 = vector.extract_strided_slice %add3A_3045 {offsets = [0, 384], sizes = [512, 128], strides = [1, 1]} : vector<512x512xf32> to vector<512x128xf32>
    %mul3A_3071 = arith.constant 5.000000e-01 : f32
    %mul3A_3072 = vector.broadcast %mul3A_3071 : f32 to vector<512x128xf32>
    %mul3A_3073 = arith.mulf %mul3A_3072, %slice3A_3070 : vector<512x128xf32>
    %tanh3A_3074 = math.tanh %mul3A_3073 : vector<512x128xf32>
    %mul3A_3075 = arith.constant 5.000000e-01 : f32
    %mul3A_3076 = vector.broadcast %mul3A_3075 : f32 to vector<512x128xf32>
    %mul3A_3077 = arith.mulf %mul3A_3076, %tanh3A_3074 : vector<512x128xf32>
    %add3A_3078 = arith.constant 5.000000e-01 : f32
    %add3A_3079 = vector.broadcast %add3A_3078 : f32 to vector<512x128xf32>
    %add3A_3080 = arith.addf %mul3A_3077, %add3A_3079 : vector<512x128xf32>
    %mul3A_3081 = arith.mulf %add3A_3067, %add3A_3020 : vector<512x128xf32>
    %mul3A_3082 = arith.mulf %add3A_3056, %tanh3A_3069 : vector<512x128xf32>
    %add3A_3083 = arith.addf %mul3A_3081, %mul3A_3082 : vector<512x128xf32>
    %tanh3A_3084 = math.tanh %add3A_3083 : vector<512x128xf32>
    %mul3A_3085 = arith.mulf %add3A_3080, %tanh3A_3084 : vector<512x128xf32>
    %get3A_3086 = arith.constant 49 : index
    %get3A_3087 = arith.constant 0 : index
    %get3A_3088 = arith.constant 0 : index
    %get3A_3089 = vector.load %arg1[%get3A_3086, %get3A_3087, %get3A_3088] : memref<50x512x128xf32, #tpu.memory_space<vmem>>, vector<1x512x128xf32>
    %get3A_3090 = vector.shape_cast %get3A_3089 : vector<1x512x128xf32> to vector<512x128xf32>
    %get3A_3091 = arith.constant 0 : index
    %get3A_3092 = arith.constant 49 : index
    %get3A_3093 = vector.load %arg2[%get3A_3091, %get3A_3092] : memref<512x50xi32, #tpu.memory_space<vmem>>, vector<512x1xi32>
    %ne3A_3094 = arith.constant 0 : i32
    %ne3A_3095 = vector.broadcast %ne3A_3094 : i32 to vector<512x1xi32>
    %ne3A_3096 = arith.cmpi ne, %get3A_3093, %ne3A_3095 : vector<512x1xi32>
    %slice3A_3097 = vector.extract_strided_slice %get3A_3090 {offsets = [0, 64], sizes = [512, 64], strides = [1, 1]} : vector<512x128xf32> to vector<512x64xf32>
    %slice3A_3098 = vector.extract_strided_slice %get3A_3090 {offsets = [0, 0], sizes = [512, 64], strides = [1, 1]} : vector<512x128xf32> to vector<512x64xf32>
    %broadcast_in_dim3A_3099 = vector.shape_cast %ne3A_3096 : vector<512x1xi1> to vector<512x1xi1>
    %broadcast_in_dim3A_3100 = vector.broadcast %broadcast_in_dim3A_3099 : vector<512x1xi1> to vector<512x64xi1>
    %select_n3A_3101 = arith.select %broadcast_in_dim3A_3100, %slice3A_3097, %slice3A_3098 : vector<512x64xi1>, vector<512x64xf32>
    %convert_element_type3A_3102 = arith.truncf %select_n3A_3101 : vector<512x64xf32> to vector<512x64xbf16>
    %convert_element_type3A_3103 = arith.truncf %mul3A_3085 : vector<512x128xf32> to vector<512x128xbf16>
    %concatenate3A_3104 = tpu.concatenate %convert_element_type3A_3102, %convert_element_type3A_3103 in 1 : vector<512x64xbf16>, vector<512x128xbf16> -> vector<512x192xbf16>
    %dot_general3A_3105 = arith.constant dense<0.000000e+00> : vector<512x512xf32>
    %dot_general3A_3106 = tpu.matmul %concatenate3A_3104, %get3A_1, %dot_general3A_3105 {dimension_numbers = #tpu.dot_dimension_numbers<[1], [0], [0], [1], [0, 0, 1, 1], [], []>, transpose_lhs_hint = false} : vector<512x192xbf16>, vector<192x512xbf16>, vector<512x512xf32> -> vector<512x512xf32>
    %add3A_3107 = vector.broadcast %get3A_4 : vector<1x512xf32> to vector<512x512xf32>
    %add3A_3108 = arith.addf %dot_general3A_3106, %add3A_3107 : vector<512x512xf32>
    %slice3A_3109 = vector.extract_strided_slice %add3A_3108 {offsets = [0, 0], sizes = [512, 128], strides = [1, 1]} : vector<512x512xf32> to vector<512x128xf32>
    %mul3A_3110 = arith.constant 5.000000e-01 : f32
    %mul3A_3111 = vector.broadcast %mul3A_3110 : f32 to vector<512x128xf32>
    %mul3A_3112 = arith.mulf %mul3A_3111, %slice3A_3109 : vector<512x128xf32>
    %tanh3A_3113 = math.tanh %mul3A_3112 : vector<512x128xf32>
    %mul3A_3114 = arith.constant 5.000000e-01 : f32
    %mul3A_3115 = vector.broadcast %mul3A_3114 : f32 to vector<512x128xf32>
    %mul3A_3116 = arith.mulf %mul3A_3115, %tanh3A_3113 : vector<512x128xf32>
    %add3A_3117 = arith.constant 5.000000e-01 : f32
    %add3A_3118 = vector.broadcast %add3A_3117 : f32 to vector<512x128xf32>
    %add3A_3119 = arith.addf %mul3A_3116, %add3A_3118 : vector<512x128xf32>
    %slice3A_3120 = vector.extract_strided_slice %add3A_3108 {offsets = [0, 128], sizes = [512, 128], strides = [1, 1]} : vector<512x512xf32> to vector<512x128xf32>
    %mul3A_3121 = arith.constant 5.000000e-01 : f32
    %mul3A_3122 = vector.broadcast %mul3A_3121 : f32 to vector<512x128xf32>
    %mul3A_3123 = arith.mulf %mul3A_3122, %slice3A_3120 : vector<512x128xf32>
    %tanh3A_3124 = math.tanh %mul3A_3123 : vector<512x128xf32>
    %mul3A_3125 = arith.constant 5.000000e-01 : f32
    %mul3A_3126 = vector.broadcast %mul3A_3125 : f32 to vector<512x128xf32>
    %mul3A_3127 = arith.mulf %mul3A_3126, %tanh3A_3124 : vector<512x128xf32>
    %add3A_3128 = arith.constant 5.000000e-01 : f32
    %add3A_3129 = vector.broadcast %add3A_3128 : f32 to vector<512x128xf32>
    %add3A_3130 = arith.addf %mul3A_3127, %add3A_3129 : vector<512x128xf32>
    %slice3A_3131 = vector.extract_strided_slice %add3A_3108 {offsets = [0, 256], sizes = [512, 128], strides = [1, 1]} : vector<512x512xf32> to vector<512x128xf32>
    %tanh3A_3132 = math.tanh %slice3A_3131 : vector<512x128xf32>
    %slice3A_3133 = vector.extract_strided_slice %add3A_3108 {offsets = [0, 384], sizes = [512, 128], strides = [1, 1]} : vector<512x512xf32> to vector<512x128xf32>
    %mul3A_3134 = arith.constant 5.000000e-01 : f32
    %mul3A_3135 = vector.broadcast %mul3A_3134 : f32 to vector<512x128xf32>
    %mul3A_3136 = arith.mulf %mul3A_3135, %slice3A_3133 : vector<512x128xf32>
    %tanh3A_3137 = math.tanh %mul3A_3136 : vector<512x128xf32>
    %mul3A_3138 = arith.constant 5.000000e-01 : f32
    %mul3A_3139 = vector.broadcast %mul3A_3138 : f32 to vector<512x128xf32>
    %mul3A_3140 = arith.mulf %mul3A_3139, %tanh3A_3137 : vector<512x128xf32>
    %add3A_3141 = arith.constant 5.000000e-01 : f32
    %add3A_3142 = vector.broadcast %add3A_3141 : f32 to vector<512x128xf32>
    %add3A_3143 = arith.addf %mul3A_3140, %add3A_3142 : vector<512x128xf32>
    %mul3A_3144 = arith.mulf %add3A_3130, %add3A_3083 : vector<512x128xf32>
    %mul3A_3145 = arith.mulf %add3A_3119, %tanh3A_3132 : vector<512x128xf32>
    %add3A_3146 = arith.addf %mul3A_3144, %mul3A_3145 : vector<512x128xf32>
    %tanh3A_3147 = math.tanh %add3A_3146 : vector<512x128xf32>
    %mul3A_3148 = arith.mulf %add3A_3143, %tanh3A_3147 : vector<512x128xf32>
    %get3A_3149 = arith.constant 0 : index
    %get3A_3150 = arith.constant 0 : index
    %get3A_3151 = vector.load %arg5[%get3A_3149, %get3A_3150] : memref<128x128xf32, #tpu.memory_space<vmem>>, vector<128x128xf32>
    %dot_general3A_3152 = arith.constant dense<0.000000e+00> : vector<512x128xf32>
    %dot_general3A_3153 = tpu.matmul %mul3A_3148, %get3A_3151, %dot_general3A_3152 {dimension_numbers = #tpu.dot_dimension_numbers<[1], [0], [0], [1], [0, 0, 1, 1], [], []>, transpose_lhs_hint = false} : vector<512x128xf32>, vector<128x128xf32>, vector<512x128xf32> -> vector<512x128xf32>
    %get3A_3154 = arith.constant 0 : index
    %get3A_3155 = arith.constant 0 : index
    %get3A_3156 = vector.load %arg6[%get3A_3154, %get3A_3155] : memref<1x128xf32, #tpu.memory_space<vmem>>, vector<1x128xf32>
    %add3A_3157 = vector.broadcast %get3A_3156 : vector<1x128xf32> to vector<512x128xf32>
    %add3A_3158 = arith.addf %dot_general3A_3153, %add3A_3157 : vector<512x128xf32>
    %reduce_max3A = arith.constant dense<0xFF800000> : vector<512xf32>
    %reduce_max3A_3159 = vector.multi_reduction <maximumf>, %add3A_3158, %reduce_max3A [1] : vector<512x128xf32> to vector<512xf32>
    %broadcast_in_dim3A_3160 = vector.shape_cast %reduce_max3A_3159 : vector<512xf32> to vector<512x1xf32>
    %sub3A = vector.broadcast %broadcast_in_dim3A_3160 : vector<512x1xf32> to vector<512x128xf32>
    %sub3A_3161 = arith.subf %add3A_3158, %sub3A : vector<512x128xf32>
    %exp3A = math.exp %sub3A_3161 : vector<512x128xf32>
    %reduce_sum3A = arith.constant dense<0.000000e+00> : vector<512xf32>
    %reduce_sum3A_3162 = vector.multi_reduction <add>, %exp3A, %reduce_sum3A [1] : vector<512x128xf32> to vector<512xf32>
    %broadcast_in_dim3A_3163 = vector.shape_cast %reduce_sum3A_3162 : vector<512xf32> to vector<512x1xf32>
    %log3A = math.log %broadcast_in_dim3A_3163 : vector<512x1xf32>
    %add3A_3164 = arith.addf %log3A, %broadcast_in_dim3A_3160 : vector<512x1xf32>
    %sub3A_3165 = vector.broadcast %add3A_3164 : vector<512x1xf32> to vector<512x128xf32>
    %sub3A_3166 = arith.subf %add3A_3158, %sub3A_3165 : vector<512x128xf32>
    %swap3A = arith.constant 0 : index
    %swap3A_3167 = arith.constant 0 : index
    %swap3A_3168 = vector.load %arg7[%swap3A, %swap3A_3167] : memref<512x128xf32, #tpu.memory_space<vmem>>, vector<512x128xf32>
    tpu.vector_store %arg7[%swap3A, %swap3A_3167], %sub3A_3166 {strides = array<i32>} : memref<512x128xf32, #tpu.memory_space<vmem>>, vector<512x128xf32>,
    return
  }
  func.func @transform_0(%arg0: i32) -> (i32, i32, i32) {
    %c0_i32 = arith.constant 0 : i32
    %c0_i32_0 = arith.constant 0 : i32
    %c0_i32_1 = arith.constant 0 : i32
    return %c0_i32, %arg0, %c0_i32_0 : i32, i32, i32
  }
  func.func @transform_1(%arg0: i32) -> (i32, i32) {
    %c0_i32 = arith.constant 0 : i32
    %c0_i32_0 = arith.constant 0 : i32
    return %arg0, %c0_i32 : i32, i32
  }
  func.func @transform_2(%arg0: i32) -> (i32, i32) {
    %c0_i32 = arith.constant 0 : i32
    %c0_i32_0 = arith.constant 0 : i32
    %c0_i32_1 = arith.constant 0 : i32
    return %c0_i32, %c0_i32_0 : i32, i32
  }
  func.func @transform_3(%arg0: i32) -> (i32, i32) {
    %c0_i32 = arith.constant 0 : i32
    %c0_i32_0 = arith.constant 0 : i32
    %c0_i32_1 = arith.constant 0 : i32
    return %c0_i32, %c0_i32_0 : i32, i32
  }
  func.func @transform_4(%arg0: i32) -> (i32, i32) {
    %c0_i32 = arith.constant 0 : i32
    %c0_i32_0 = arith.constant 0 : i32
    %c0_i32_1 = arith.constant 0 : i32
    return %c0_i32, %c0_i32_0 : i32, i32
  }
  func.func @transform_5(%arg0: i32) -> (i32, i32) {
    %c0_i32 = arith.constant 0 : i32
    %c0_i32_0 = arith.constant 0 : i32
    %c0_i32_1 = arith.constant 0 : i32
    return %c0_i32, %c0_i32_0 : i32, i32
  }
  func.func @transform_6(%arg0: i32) -> (i32, i32) {
    %c0_i32 = arith.constant 0 : i32
    %c0_i32_0 = arith.constant 0 : i32
    return %arg0, %c0_i32 : i32, i32
  }
}

</mosaic_0001>

<sc_bundles>
// kernel: kernel.5.cloned.1.call-start
scs
__scs_entry_jumppad:
0x0: {  	(pc) =	sbr.rel $0x88, $3  }
0x1: {  	(tag) =	ssettag $0x0;
	lr =	simm.s32 $0x1  }
0x2: {  	[smem:$0x3F99] =	sst lr;
	_ =	strace $0xD0000000  }
0x3: {  	_ = 	snop  }
0x4: {  	_ = 	snop  }
0x5: {  	_ = 	snop  }
0x6: {  	_ = 	snop  }
0x7: {  	_ = 	snop  }
__scs_overlays_trampoline_lowered:
0x8: {  	[smem:$0x3FA8] =	sst s0  }
0x9: {  	[smem:$0x3FA9] =	sst s1  }
0xa: {  	[smem:$0x3FAA] =	sst s2  }
0xb: {  	[smem:$0x3FAB] =	sst s3  }
0xc: {  	[smem:$0x3FAC] =	sst s4  }
0xd: {  	[smem:$0x3FAD] =	sst s5  }
0xe: {  	[smem:$0x3FAE] =	sst s6  }
0xf: {  	[smem:$0x3FAF] =	sst s7  }
0x10: {  	[smem:$0x3FB0] =	sst s8  }
0x11: {  	[smem:$0x3FB1] =	sst s9;
	s0 =	simm.s32 @!p0 $0x0  }
0x12: {  	s1 =	sld [smem:$0x3F97];
	s0 =	simm.s32 @p0 $0x1  }
0x13: {  	[smem:$0x3FB2] =	sst s0;
	s0 =	simm.s32 @!p1 $0x0  }
0x14: {  	s2 =	sld [smem:$0x3F96];
	s0 =	simm.s32 @p1 $0x1  }
0x15: {  	[smem:$0x3FB3] =	sst s0;
	s0 =	simm.s32 @!p2 $0x0  }
0x16: {  	s3 =	sld [smem:$0x3FDB];
	s0 =	simm.s32 @p2 $0x1  }
0x17: {  	s4 =	simm.s32 $0x1BF5;
	[smem:$0x3FB5] =	sst s0  }
0x18: {  	s0 =	sld [smem:$0x3F98];
	_ =	swait.ge [sflag:s4], $0x0  }
0x19: {  	s7 =	sld [smem:$0x3F99]  }
0x1a: {  	s8 =	sadd.s32 $0xFFFFE003, lr  }
0x1b: {  	s9 =	sadd.s32 $0xFFFFFEF7, lr;
	s5 =	simm.s32 $0xFFFFFFFF;
	p2 =	slt.u32 s8, $0xFFFFF086  }
0x1c: {  	p1 =	slt.u32 s9, $0xF7A;
	s5 =	simm.s32 @!p2 $0x0  }
0x1d: {  	s5 =	simm.s32 @p1 $0x1;
	p0 =	seq.s32 s7, s2  }
0x1e: {  	s7 =	smul.u32 @!p0 $0xF7A, s2;
	p2 =	seq.s32 @!p0 s5, $0x0  }
0x1f: {  	s9 =	smul.u32 $0xF7A, s1;
	s8 =	simm.s32 @!p0 $0x1BF5;
	p2 =	por !p2, p0  }
0x20: {  	[sflag:s8] =	ssyncset.s32 @!p0 $0xFFFFF086;
	s6 =	sadd.s32 @!p0 s3, s7;
	s7 =	simm.s32 @!p0 $0x108  }
0x21: {  	s3 =	sadd.s32 s3, s9;
	s6 =	sadd.s32 @!p0 $0x88, s6;
	s7 =	simm.s32 @p2 $0x1082  }
0x22: {  	[simem:s7], [sflag:s8] =	dma.local @!p0 [hbm:s6], $0xF7A  }
0x23: {  	s9 =	sor.u32 $0xD0000000, s2;
	s6 =	simm.s32 $0x108;
	_ =	swait.ge @!p0 [sflag:s8], $0x0  }
0x24: {  	s3 =	sadd.s32 $0x88, s3;
	s6 =	simm.s32 @!p1 $0x1082;
	[sflag:s4] =	ssyncset.s32 $0xFFFFF086  }
0x25: {  	[simem:s6], [sflag:s4] =	dma.local [hbm:s3], $0xF7A  }
0x26: {  	[smem:$0x3F99] =	sst s1;
	(tag) =	ssettag s2;
	_ =	strace s9  }
0x27: {  	s1 =	sld [smem:$0x3FA9]  }
0x28: {  	s2 =	sld [smem:$0x3FAA]  }
0x29: {  	s4 =	sld [smem:$0x3FAC]  }
0x2a: {  	p0 =	seq.s32 s5, $0x0;
	s5 =	sld [smem:$0x3FAD]  }
0x2b: {  	s6 =	sld [smem:$0x3FAE]  }
0x2c: {  	s7 =	sld [smem:$0x3FAF]  }
0x2d: {  	s3 =	simm.s32 $0x108;
	s8 =	sld [smem:$0x3FB0]  }
0x2e: {  	s3 =	simm.s32 @!p0 $0x1082;
	s9 =	sld [smem:$0x3FB1]  }
0x2f: {  	lr =	sadd.s32 s0, s3;
	s0 =	sld [smem:$0x3FA8]  }
0x30: {  	s3 =	sld [smem:$0x3FAB]  }
0x31: {  	[smem:$0x3FB4] =	sst s10  }
0x32: {  	s10 =	sld [smem:$0x3FB2];
	_ =	sdelay $0x3  }
0x33: {  	p0 =	seq.s32 s10, $0x1;
	s10 =	sld [smem:$0x3FB4];
	_ =	sdelay $0x3  }
0x34: {  	[smem:$0x3FB4] =	sst s10  }
0x35: {  	s10 =	sld [smem:$0x3FB3];
	_ =	sdelay $0x3  }
0x36: {  	p1 =	seq.s32 s10, $0x1;
	s10 =	sld [smem:$0x3FB4];
	_ =	sdelay $0x3  }
0x37: {  	[smem:$0x3FB4] =	sst s10  }
0x38: {  	s10 =	sld [smem:$0x3FB5]  }
0x39: {  	_ = 	snop;
	(pc) =	sbr.ind lr, $3  }
0x3a: {  	_ = 	snop  }
0x3b: {  	_ = 	snop  }
0x3c: {  	p2 =	seq.s32 s10, $0x1;
	s10 =	sld [smem:$0x3FB4]  }
0x3d: {  	_ =	shalt  }
0x3e: {  	_ =	shalt  }
0x3f: {  	_ =	shalt  }
0x40: {  	_ =	shalt  }
0x41: {  	_ =	shalt  }
0x42: {  	_ =	shalt  }
0x43: {  	_ =	shalt  }
0x44: {  	_ =	shalt  }
0x45: {  	_ =	shalt  }
0x46: {  	_ =	shalt  }
0x47: {  	_ =	shalt  }
0x48: {  	_ =	shalt  }
0x49: {  	_ =	shalt  }
0x4a: {  	_ =	shalt  }
0x4b: {  	_ =	shalt  }
0x4c: {  	_ =	shalt  }
0x4d: {  	_ =	shalt  }
0x4e: {  	_ =	shalt  }
0x4f: {  	_ =	shalt  }
0x50: {  	_ =	shalt  }
0x51: {  	_ =	shalt  }
0x52: {  	_ =	shalt  }
0x53: {  	_ =	shalt  }
0x54: {  	_ =	shalt  }
0x55: {  	_ =	shalt  }
0x56: {  	_ =	shalt  }
0x57: {  	_ =	shalt  }
0x58: {  	_ =	shalt  }
0x59: {  	_ =	shalt  }
0x5a: {  	_ =	shalt  }
0x5b: {  	_ =	shalt  }
0x5c: {  	_ =	shalt  }
0x5d: {  	_ =	shalt  }
0x5e: {  	_ =	shalt  }
0x5f: {  	_ =	shalt  }
0x60: {  	_ =	shalt  }
0x61: {  	_ =	shalt  }
0x62: {  	_ =	shalt  }
0x63: {  	_ =	shalt  }
0x64: {  	_ =	shalt  }
0x65: {  	_ =	shalt  }
0x66: {  	_ =	shalt  }
0x67: {  	_ =	shalt  }
0x68: {  	_ =	shalt  }
0x69: {  	_ =	shalt  }
0x6a: {  	_ =	shalt  }
0x6b: {  	_ =	shalt  }
0x6c: {  	_ =	shalt  }
0x6d: {  	_ =	shalt  }
0x6e: {  	_ =	shalt  }
0x6f: {  	_ =	shalt  }
0x70: {  	_ =	shalt  }
0x71: {  	_ =	shalt  }
0x72: {  	_ =	shalt  }
0x73: {  	_ =	shalt  }
0x74: {  	_ =	shalt  }
0x75: {  	_ =	shalt  }
0x76: {  	_ =	shalt  }
0x77: {  	_ =	shalt  }
0x78: {  	_ =	shalt  }
0x79: {  	_ =	shalt  }
0x7a: {  	_ =	shalt  }
0x7b: {  	_ =	shalt  }
0x7c: {  	_ =	shalt  }
0x7d: {  	_ =	shalt  }
0x7e: {  	_ =	shalt  }
0x7f: {  	_ =	shalt  }
0x80: {  	_ =	shalt  }
0x81: {  	_ =	shalt  }
0x82: {  	_ =	shalt  }
0x83: {  	_ =	shalt  }
0x84: {  	_ =	shalt  }
0x85: {  	_ =	shalt  }
0x86: {  	_ =	shalt  }
0x87: {  	_ =	shalt  }
.Lfunc_end0:
.L_simem_size_0:
called_computation_lowered:
.L_overlay_start_0:
0x88: {  	s2 =	sld [smem:$0x3FD9]  }
0x89: {  	s3 =	sld [smem:$0x3FFE];
	_ =	sdelay $0x1  }
0x8a: {  	s1 =	srdreg.scid  }
0x8b: {  	s0 =	sand.u32 $0x1, s1  }
0x8c: {  	s16 =	sshll.u32 s0, $0xA;
	s2 =	sadd.s32 s3, s2  }
0x8d: {  	s2 =	sadd.s32 s2, s16  }
0x8e: {  	[smem:$0x3FC0] =	sst s2  }
0x8f: {  	_ = 	snop  }
0x90: {  	(tm) =	ssettm $0x1  }
0x91: {  	s17 =	sld [smem:$0x3FFB];
	_ =	sdelay $0x3  }
0x92: {  	_ =	strace s17  }
0x93: {  	s2 =	sld [smem:$0x3FFC];
	_ =	sdelay $0x3  }
0x94: {  	_ =	strace s2  }
0x95: {  	s2 =	sld [smem:$0x3FFD];
	_ =	sdelay $0x3  }
0x96: {  	_ =	strace s2  }
0x97: {  	_ =	strace $0x8FFFFFFF  }
0x98: {  	s18 =	sld [smem:$0x3FDB];
	_ =	sdelay $0x1  }
0x99: {  	s19 =	simm.s32 $_scs_section_size  }
0x9a: {  	s4 =	simm.s32 $_size__tile_overlayer_lowered;
	s5 =	simm.s32 $_tile_overlayer_lowered  }
0x9b: {  	s22 =	simm.s32 $0x1BFF;
	s21 =	sshll.u32 s5, $0x1;
	s2 =	sadd.s32 s19, s18  }
0x9c: {  	s6 =	simm.s32 $0x0;
	s20 =	sshll.u32 s4, $0x1;
	s4 =	sadd.s32 s21, s2  }
0x9d: {  	[timem:s6], [sflag:s22] =	dma.local [hbm:s4], s20  }
0x9e: {  	_ =	swait.ge [sflag:s22], s20  }
0x9f: {  	s3 =	ssub.s32 $0x0, s20;
	[sflag:s22] =	ssyncset.done $0x0  }
0xa0: {  	[sflag:s22] =	ssyncadd.s32 s3;
	_ =	sdelay $0x1  }
0xa1: {  	s23 =	simm.s32 $0x1B8B  }
0xa2: {  	_ =	swait.ge [sflag:s23], $0x1  }
0xa3: {  	[sflag:s23] =	ssyncset.done $0x0  }
0xa4: {  	s25 =	simm.s32 $0x1B8E;
	s24 =	sld [smem:$0x3FFE];
	[sflag:s23] =	ssyncadd.s32 $0xFFFFFFFF  }
0xa5: {  	s26 =	simm.s32 $execute0_lowered;
	[smem:$0x3FD2] =	sst s25  }
0xa6: {  	s4 =	sshll.u32 s26, $0x1;
	_ =	strace $0x80000046;
	[dreg:$0x1] =	wrdreg $0xFFFFFFFF  }
0xa7: {  	s28 =	simm.s32 $_size_execute0_lowered;
	s2 =	sadd.s32 s2, s4;
	[dreg:$0x0] =	wrdreg $0x0  }
0xa8: {  	s4 =	sshll.u32 s28, $0x1;
	[dreg:$0x2] =	wrdreg s2  }
0xa9: {  	[dreg:$0x3] =	wrdreg s4  }
0xaa: {  	[dreg:$0x4] =	wrdreg $0xC0  }
0xab: {  	_ =	task [dreg:s6], $0x5FFFF  }
0xac: {  	[dreg:$0x1] =	wrdreg $0xFFFFFFFF  }
0xad: {  	[dreg:$0x0] =	wrdreg $0x60  }
0xae: {  	[dreg:$0x2] =	wrdreg s24  }
0xaf: {  	[dreg:$0x3] =	wrdreg $0x9  }
0xb0: {  	_ =	task.clear_ibuf [dreg:s6], $0x4FFFF;
	_ =	strace $0x90000046  }
0xb1: {  	s29 =	simm.s32 $0x9;
	_ =	strace $0x80000048  }
0xb2: {  	_ =	swait.ge [sflag:s29], $0x1  }
0xb3: {  	[sflag:s29] =	ssyncadd.s32 $0xFFFFFFFF  }
0xb4: {  	_ =	strace $0x90000048  }
0xb5: {  	_ =	sfence  }
0xb6: {  	s30 =	sld [smem:$0x0];
	_ =	sdelay $0x2  }
0xb7: {  	s31 =	sshll.u32 s1, $0xD;
	s1 =	sshrl.u32 s1, $0x2  }
0xb8: {  	s3 =	sand.u32 $0x4000, s31;
	s1 =	sadd.s32 s1, s30  }
0xb9: {  	s0 =	sor.u32 s3, s0;
	s1 =	sshll.u32 s1, $0x11  }
0xba: {  	s0 =	sor.u32 s1, s0  }
0xbb: {  	s0 =	sadd.s32 $0x8F2B, s0  }
0xbc: {  	[sflag:s0] =	ssyncadd.remote.s32 $0x1  }
0xbd: {  	_ =	sfence.sel $0xFFFF  }
0xbe: {  	[dreg:$0x0] =	wrdreg $0xFFFFFFFF;
	(pc) =	sbr.abs _section_cstart, $3  }
0xbf: {  	[dreg:$0x1] =	wrdreg $0xFFFFFFFF  }
0xc0: {  	_ =	task.clear_ibuf [dreg:s6], $0x2FFFF;
	_ =	strace $0x9FFFFFFF  }
0xc1: {  	(tm) =	ssettm $0x7FFFFFFF  }
tec
execute0_lowered:
.L_overlay_start_1:
0x0: {  	(tag) =	ssettag $0x1  }
0x1: {  	s4 =	rddreg [dreg:$0x0]  }
0x2: {  	s0 =	rddreg [dreg:$0x1]  }
0x3: {  	s2 =	simm.s32 $0x0;
	s3 =	srdreg.scid;
	s1 =	stileid.u32  }
0x4: {  	s9 =	simm.s32 $0x1900;
	s10 =	simm.s32 $0x1;
	s11 =	simm.s32 $0x0  }
0x5: {  	s3 =	sand.u32 $0x1, s3;
	s5 =	sshll.u32 s1, $0x1;
	s6 =	smul.u32 $0x190000, s1  }
0x6: {  	[smem:$0x7FF] =	sst s2;
	s5 =	sor.u32 s3, s5;
	s7 =	smul.u32 $0xC8000, s3  }
0x7: {  	_ =	strace $0x80000047;
	s8 =	ssub.s32 $0x2, s3;
	s5 =	smul.u32 $0x320, s5  }
0x8: {  	s3 =	sadd.s32 $0x1000, s4;
	s31 =	sshrl.u32 s8, $0x1;
	s6 =	sadd.s32 s7, s6  }
0x9: {  	s7 =	ssub.s32 s8, s31;
	s5 =	sadd.s32 s5, s4;
	s6 =	sshrl.u32 s6, $0x3  }
0xa: {  	s8 =	simm.s32 $0x80;
	s6 =	sadd.s32 s6, s4;
	s4 =	sadd.s32 $0x7D1000, s5  }
0xb: {  	s5 =	smax.u32 s7, $0x1;
	s7 =	simm.s32 $0x2;
	s6 =	sadd.s32 $0x7D7400, s6  }
.LBB2_1:
0xc: {  	[tilespmem:s2], [sflag:$0x2] =	stream.linear.gather [hbm4b:s4+s2], $0x1900, $0x38;
	[tilespmem:$0x5900] =	vst v63  }
0xd: {  	_ =	swait.ge [sflag:s7], $0x1900  }
0xe: {  	[sflag:s7] =	ssyncset.done $0x0  }
0xf: {  	s12 =	simm.s32 $0x0;
	[sflag:s7] =	ssyncadd.s32 $0xFFFFE700  }
0x10: {  	[tilespmem:s9], [sflag:$0x1] =	stream.indirect.gather [hbm4b:s3+s8], $0x80, s12, s8, $0xb8;
	[tilespmem:$0x5900] =	vst v63  }
0x11: {  	_ =	swait.ge [sflag:s10], $0x4000  }
0x12: {  	[sflag:s10] =	ssyncset.done $0x0  }
0x13: {  	[sflag:s10] =	ssyncadd.s32 $0xFFFFC000  }
0x14: {  	[hbm4b:s6+s2] =	stream.linear.scatter [tilespmem:s9], [sflag:$0x2], $0x4000, $0x38;
	[tilespmem:$0x5900] =	vst v63  }
0x15: {  	s13 =	simm.s32 $0x200;
	_ =	swait.ge [sflag:s7], $0x4000  }
0x16: {  	s14 =	simm.s32 $0x400;
	s12 =	sadd.s32 $0x800, s6;
	[sflag:s7] =	ssyncset.done $0x0  }
.LBB2_2:
0x17: {  	s15 =	sshra.s32 s13, $0x2  }
0x18: {  	[sflag:s7] =	ssyncadd.s32 $0xFFFFC000;
	s13 =	smov.u32 s14;
	s16 =	sadd.s32 $0x200, s14  }
0x19: {  	[tilespmem:s9], [sflag:$0x1] =	stream.indirect.gather [hbm4b:s3+s8], $0x80, s15, s8, $0xb8;
	[tilespmem:$0x5900] =	vst v63  }
0x1a: {  	p0 =	sne.s32 s14, $0x6200;
	_ =	swait.ge [sflag:s10], $0x4000  }
.Ltmp0:
0x1b: {  	[sflag:s10] =	ssyncset.done $0x0;
	(pc) =	sbr.rel @p0 .LBB2_2-.Ltmp0, $4  }
0x1c: {  	[sflag:s10] =	ssyncadd.s32 $0xFFFFC000  }
0x1d: {  	[hbm4b:s12+s2] =	stream.linear.scatter [tilespmem:s9], [sflag:$0x2], $0x4000, $0x38;
	[tilespmem:$0x5900] =	vst v63  }
0x1e: {  	_ =	swait.ge [sflag:s7], $0x4000  }
0x1f: {  	s14 =	smov.u32 s16;
	s12 =	sadd.s32 $0x800, s12;
	[sflag:s7] =	ssyncset.done $0x0  }
0x20: {  	s13 =	sshra.s32 s13, $0x2;
	[sflag:s7] =	ssyncadd.s32 $0xFFFFC000  }
0x21: {  	[tilespmem:s9], [sflag:$0x1] =	stream.indirect.gather [hbm4b:s3+s8], $0x80, s13, s8, $0xb8;
	[tilespmem:$0x5900] =	vst v63  }
0x22: {  	s11 =	sadd.s32 $0x1, s11;
	_ =	swait.ge [sflag:s10], $0x4000  }
0x23: {  	p0 =	sne.s32 s11, s5;
	[sflag:s10] =	ssyncset.done $0x0  }
.Ltmp1:
0x24: {  	[sflag:s10] =	ssyncadd.s32 $0xFFFFC000;
	(pc) =	sbr.rel @p0 .LBB2_1-.Ltmp1, $4  }
0x25: {  	[hbm4b:s12+s2] =	stream.linear.scatter [tilespmem:s9], [sflag:$0x2], $0x4000, $0x38;
	[tilespmem:$0x5900] =	vst v63  }
0x26: {  	_ =	swait.ge [sflag:s7], $0x4000  }
0x27: {  	[sflag:s7] =	ssyncset.done $0x0  }
0x28: {  	[sflag:s7] =	ssyncadd.s32 $0xFFFFC000  }
0x29: {  	_ =	sfence.sel $0x180000  }
0x2a: {  	[bflag:$0x0] =	sbarrier.arrive $0xFFFF  }
0x2b: {  	p0 =	sne.s32 s1, $0x0;
	_ =	strace $0x90000047  }
0x2c: {  	s0 =	sadd.s32 @!p0 $0x100000, s0;
	[bflag:$0x2] =	sbarrier.arrive $0xFFFF  }
0x2d: {  	[sflag:s0] =	ssyncadd.tile.s32 @!p0 $0x1;
	_ =	shalt  }
.Lfunc_end2:
_tile_overlayer_lowered:
.L_overlay_start_2:
0x2e: {  	(tag) =	ssettag $0x2  }
0x2f: {  	s0 =	rddreg [dreg:$0x0];
	s2 =	stileid.u32  }
0x30: {  	s1 =	rddreg [dreg:$0x1];
	p0 =	sne.s32 s2, $0x0  }
0x31: {  	s3 =	rddreg [dreg:$0x2];
	[bflag:$0x3] =	sbarrier.arrive $0xFFFF;
	s2 =	simm.s32 @!p0 $0x1C02  }
0x32: {  	[timem:s3], [sflag:s2] =	dma.local @!p0 [hbm:s0], s1  }
0x33: {  	s0 =	simm.s32 @!p0 $0x2  }
0x34: {  	_ =	swait.ge @!p0 [sflag:s0], s1  }
0x35: {  	s1 =	ssub.s32 @!p0 $0x0, s1;
	[sflag:s0] =	ssyncset.done @!p0 $0x0  }
0x36: {  	[sflag:s0] =	ssyncadd.s32 @!p0 s1  }
0x37: {  	[bflag:$0x3] =	sbarrier.arrive $0xFFFF  }
0x38: {  	_ =	shalt  }

</sc_bundles>
